<compile_context>
chip_gen: v7x
topology: tpu7x:2x2x1
jax: 0.10.2.dev20260603
libtpu: 0.0.44.dev20260713+nightly
codegen_flags: <defaults>
</compile_context>

<pallas_src>
import functools

import jax
import jax.numpy as jnp
from jax import lax
from jax.experimental import pallas as pl
from jax.experimental.pallas import tpu as pltpu
from jax.experimental.pallas import tpu_sc as plsc

_DIMS = 32
_PACK = 4
_NUM_WORKERS = 32


def _embedding_gather(batch, hist):
    b_per_w = batch // _NUM_WORKERS
    half = b_per_w // 2
    n_bg = half // 16
    mesh = plsc.VectorSubcoreMesh(core_axis_name="c", subcore_axis_name="s")

    scratch = (
        [pltpu.VMEM((hist, b_per_w), jnp.int32)]
        + [pltpu.VMEM((hist * b_per_w,), jnp.int32)]
        + [pltpu.VMEM((hist, b_per_w), jnp.int32)]
        + [pltpu.VMEM((half, _PACK * _DIMS), jnp.float32) for _ in range(2)]
        + [pltpu.VMEM((_DIMS, half), jnp.float32) for _ in range(2)]
        + [pltpu.SemaphoreType.DMA for _ in range(5)]
    )

    @functools.partial(
        pl.kernel,
        mesh=mesh,
        out_type=jax.ShapeDtypeStruct((hist, _DIMS, batch), jnp.float32),
        scratch_types=scratch,
        compiler_params=pltpu.CompilerParams(
            use_tc_tiling_on_sc=True, needs_layout_passes=False
        ),
    )
    def k(idx_hbm, table_hbm, out_hbm, idx_v, q_v, co_v,
          r0, r1, t0, t1, g0, g1, o0, o1, s_idx):
        rows = (r0, r1)
        outb = (t0, t1)
        g_sem = (g0, g1)
        o_sem = (o0, o1)

        wid = lax.axis_index("s") * 2 + lax.axis_index("c")
        b0 = wid * b_per_w
        lane = jnp.arange(16, dtype=jnp.int32)

        pltpu.sync_copy(idx_hbm.at[:, pl.ds(b0, b_per_w)], idx_v)

        def precomp(i, carry):
            h = i // (b_per_w // 16)
            bg = i % (b_per_w // 16)
            v = idx_v[h, pl.ds(bg * 16, 16)]
            q_v[pl.ds(i * 16, 16)] = lax.shift_right_logical(v, 2)
            co_v[h, pl.ds(bg * 16, 16)] = lax.shift_left(v & 3, 5)
            return carry

        lax.fori_loop(0, hist * (b_per_w // 16), precomp, 0)

        def start_gather(h, hf):
            b = hf % 2
            return pltpu.async_copy(
                table_hbm.at[q_v.at[pl.ds(h * b_per_w + hf * half, half)]], rows[b], g_sem[b]
            )

        def start_out(h, hf):
            b = hf % 2
            return pltpu.async_copy(
                outb[b], out_hbm.at[h, :, pl.ds(b0 + hf * half, half)], o_sem[b]
            )

        def wait_out(h, hf):
            b = hf % 2
            pltpu.make_async_copy(
                outb[b], out_hbm.at[h, :, pl.ds(b0 + hf * half, half)], o_sem[b]
            ).wait()

        def wait_gather(h, hf):
            b = hf % 2
            pltpu.make_async_copy(
                table_hbm.at[q_v.at[pl.ds(h * b_per_w + hf * half, half)]], rows[b], g_sem[b]
            ).wait()

        def transpose(h, hf):
            b = hf % 2
            src = rows[b]
            dst = outb[b]

            def body(bg, carry):
                bids = bg * 16 + lane
                co = co_v[h, pl.ds(hf * half + bg * 16, 16)]
                for d0 in range(_DIMS):
                    dims = (d0 + lane) & (_DIMS - 1)
                    v = plsc.load_gather(src, [bids, co + dims])
                    plsc.store_scatter(dst, [dims, bids], v)
                return carry

            lax.fori_loop(0, n_bg, body, 0)

        gathers = {}
        start_gather(0, 0)

        def step(h, carry):
            start_gather(h, 1)
            wait_gather(h, 0)

            @pl.when(h > 0)
            def _():
                wait_out(h - 1, 0)

            transpose(h, 0)
            start_out(h, 0)

            @pl.when(h + 1 < hist)
            def _():
                start_gather(h + 1, 0)

            wait_gather(h, 1)

            @pl.when(h > 0)
            def _():
                wait_out(h - 1, 1)

            transpose(h, 1)
            start_out(h, 1)
            return carry

        lax.fori_loop(0, hist, step, 0)
        wait_out(hist - 1, 0)
        wait_out(hist - 1, 1)

    return k


def kernel(inputs, weight):
    batch, hist = inputs.shape
    num_rows, dims = weight.shape
    wt_packed = weight.reshape(num_rows // _PACK, _PACK * dims)
    out_t = _embedding_gather(batch, hist)(inputs.T, wt_packed)
    return out_t.transpose(2, 0, 1)

# --- scband reference (transcript-rebuilt; emitter-appended) ---
"""Pipeline reference for scband-embedding-35124242547202 (READ-ONLY COPY).

The authoritative reference and input builder live on the scoring server;
editing this copy changes nothing except your own understanding.
"""

import jax, jax.numpy as jnp
import numpy as np

EMBED_NUMS = 1000000
EMBED_DIMS = 32
BATCH = 16384
HIST = 20

def setup_inputs(seed: int = 0) -> dict:
    key = jax.random.key(seed)
    k_idx, k_w = jax.random.split(key)
    inputs = jax.random.randint(k_idx, (BATCH, HIST), 0, EMBED_NUMS, dtype=jnp.int64 if jax.config.jax_enable_x64 else jnp.int32)
    weight = jax.random.normal(k_w, (EMBED_NUMS, EMBED_DIMS), dtype=jnp.float32) * (EMBED_DIMS ** -0.5)
    return {"inputs": inputs, "weight": weight}

def reference(inputs, weight):
    # nn.functional.embedding(inputs, weight) -> gather rows of weight
    outputs = jnp.take(weight, inputs, axis=0)
    # bias=False, so no bias add
    return outputs

if __name__ == "__main__":
    import jax
    _d = setup_inputs()
    print(jax.jit(kernel)(*tuple(_d.values())))

</pallas_src>

<mosaic_0001>
#map = affine_map<(d0, d1) -> (0, 0)>
#map1 = affine_map<(d0, d1) -> (0, 0, 0)>
module attributes {stable_mosaic.version = 14 : i64} {
  func.func @k(%arg0: i32, %arg1: i32, %arg2: memref<20x16384xi32, #tpu.memory_space<hbm>>, %arg3: memref<250000x128xf32, #tpu.memory_space<hbm>>, %arg4: memref<20x32x16384xf32, #tpu.memory_space<hbm>>, %arg5: memref<20x512xi32, #tpu.memory_space<vmem>>, %arg6: memref<10240xi32, #tpu.memory_space<vmem>>, %arg7: memref<20x512xi32, #tpu.memory_space<vmem>>, %arg8: memref<256x128xf32, #tpu.memory_space<vmem>>, %arg9: memref<256x128xf32, #tpu.memory_space<vmem>>, %arg10: memref<32x256xf32, #tpu.memory_space<vmem>>, %arg11: memref<32x256xf32, #tpu.memory_space<vmem>>, %arg12: memref<!tpu.dma_semaphore, #tpu.memory_space<semaphore_mem>>, %arg13: memref<!tpu.dma_semaphore, #tpu.memory_space<semaphore_mem>>, %arg14: memref<!tpu.dma_semaphore, #tpu.memory_space<semaphore_mem>>, %arg15: memref<!tpu.dma_semaphore, #tpu.memory_space<semaphore_mem>>, %arg16: memref<!tpu.dma_semaphore, #tpu.memory_space<semaphore_mem>>) attributes {dimension_semantics = [#tpu.dimension_semantics<core_parallel>, #tpu.dimension_semantics<subcore_parallel>], iteration_bounds = array<i64: 2, 16>, scalar_prefetch = 0 : i64, scratch_operands = 12 : i64, tpu.core_type = #tpu.core_type<sc_vector_subcore>, window_params = [{transform_indices = #map}, {transform_indices = #map}, {transform_indices = #map1}]} {
    %mul3A = arith.constant 2 : i32
    %mul3A_0 = arith.muli %arg1, %mul3A : i32
    %add3A = arith.addi %mul3A_0, %arg0 : i32
    %mul3A_1 = arith.constant 512 : i32
    %mul3A_2 = arith.muli %add3A, %mul3A_1 : i32
    %iota3A = tpu.iota {dimensions = array<i32: 0>} : vector<16xi32>
    "tpu.region"() ({
      %run_scoped3A = tpu.sem_alloc : memref<!tpu.dma_semaphore, #tpu.memory_space<semaphore_mem>>
      %dma_start3A_35 = arith.constant 0 : i32
      %dma_start3A_36 = tpu.memref_slice %arg2[%dma_start3A_35, %mul3A_2] : memref<20x16384xi32, #tpu.memory_space<hbm>> -> memref<20x512xi32, #tpu.memory_space<hbm>>
      %dma_start3A_37 = arith.constant 0 : i32
      %dma_start3A_38 = tpu.memref_slice %arg2[%dma_start3A_37, %mul3A_2] : memref<20x16384xi32, #tpu.memory_space<hbm>> -> memref<20x512xi32, #tpu.memory_space<hbm>>
      tpu.enqueue_dma source(%dma_start3A_38 : memref<20x512xi32, #tpu.memory_space<hbm>>) target(%arg5 : memref<20x512xi32, #tpu.memory_space<vmem>>) target_semaphore(%run_scoped3A : memref<!tpu.dma_semaphore, #tpu.memory_space<semaphore_mem>>)
      %dma_wait3A_39 = arith.constant 0 : i32
      %dma_wait3A_40 = tpu.memref_slice %arg2[%dma_wait3A_39, %mul3A_2] : memref<20x16384xi32, #tpu.memory_space<hbm>> -> memref<20x512xi32, #tpu.memory_space<hbm>>
      %dma_wait3A_41 = arith.constant 0 : i32
      %dma_wait3A_42 = tpu.memref_slice %arg2[%dma_wait3A_41, %mul3A_2] : memref<20x16384xi32, #tpu.memory_space<hbm>> -> memref<20x512xi32, #tpu.memory_space<hbm>>
      tpu.wait_dma2 semaphore(%run_scoped3A : memref<!tpu.dma_semaphore, #tpu.memory_space<semaphore_mem>>) src(%dma_wait3A_42 : memref<20x512xi32, #tpu.memory_space<hbm>>) dst(%arg5 : memref<20x512xi32, #tpu.memory_space<vmem>>)
      tpu.yield
    }) : () -> ()
    %scan3A = arith.constant 0 : i32
    %scan3A_3 = arith.constant 0 : i32
    %scan3A_4 = arith.constant 640 : i32
    %scan3A_5 = arith.addi %scan3A_3, %scan3A_4 : i32
    %scan3A_6 = arith.constant 1 : i32
    scf.for %scan3A_35 = %scan3A_3 to %scan3A_5 step %scan3A_6  : i32 {
      %jit3A = arith.constant 32 : i32
      %div3A = arith.divsi %scan3A_35, %jit3A : i32
      %sign3A = arith.constant 0 : i32
      %sign3A_36 = arith.cmpi sgt, %scan3A_35, %sign3A : i32
      %sign3A_37 = arith.extui %sign3A_36 : i1 to i32
      %sign3A_38 = arith.constant 0 : i32
      %sign3A_39 = arith.cmpi slt, %scan3A_35, %sign3A_38 : i32
      %sign3A_40 = arith.extui %sign3A_39 : i1 to i32
      %sign3A_41 = arith.subi %sign3A_37, %sign3A_40 : i32
      %sign3A_42 = arith.constant 0 : i32
      %sign3A_43 = arith.cmpi sgt, %jit3A, %sign3A_42 : i32
      %sign3A_44 = arith.extui %sign3A_43 : i1 to i32
      %sign3A_45 = arith.constant 0 : i32
      %sign3A_46 = arith.cmpi slt, %jit3A, %sign3A_45 : i32
      %sign3A_47 = arith.extui %sign3A_46 : i1 to i32
      %sign3A_48 = arith.subi %sign3A_44, %sign3A_47 : i32
      %ne3A = arith.cmpi ne, %sign3A_41, %sign3A_48 : i32
      %rem3A = arith.remsi %scan3A_35, %jit3A : i32
      %ne3A_49 = arith.constant 0 : i32
      %ne3A_50 = arith.cmpi ne, %rem3A, %ne3A_49 : i32
      %and3A = arith.andi %ne3A, %ne3A_50 : i1
      %sub3A = arith.constant 1 : i32
      %sub3A_51 = arith.subi %div3A, %sub3A : i32
      %select_n3A = arith.select %and3A, %sub3A_51, %div3A : i32
      %jit3A_52 = arith.constant 32 : i32
      %eq3A = arith.constant 0 : i32
      %eq3A_53 = arith.cmpi eq, %jit3A_52, %eq3A : i32
      %jit3A_54 = arith.constant 1 : i32
      %select_n3A_55 = arith.select %eq3A_53, %jit3A_54, %jit3A_52 : i32
      %rem3A_56 = arith.remsi %scan3A_35, %select_n3A_55 : i32
      %ne3A_57 = arith.constant 0 : i32
      %ne3A_58 = arith.cmpi ne, %rem3A_56, %ne3A_57 : i32
      %lt3A = arith.constant 0 : i32
      %lt3A_59 = arith.cmpi slt, %rem3A_56, %lt3A : i32
      %lt3A_60 = arith.constant 0 : i32
      %lt3A_61 = arith.cmpi slt, %select_n3A_55, %lt3A_60 : i32
      %ne3A_62 = arith.xori %lt3A_59, %lt3A_61 : i1
      %and3A_63 = arith.andi %ne3A_62, %ne3A_58 : i1
      %add3A_64 = arith.addi %rem3A_56, %select_n3A_55 : i32
      %select_n3A_65 = arith.select %and3A_63, %add3A_64, %rem3A_56 : i32
      %mul3A_66 = arith.constant 16 : i32
      %mul3A_67 = arith.muli %select_n3A_65, %mul3A_66 : i32
      %get3A = arith.index_cast %select_n3A : i32 to index
      %get3A_68 = arith.index_cast %mul3A_67 : i32 to index
      %get3A_69 = tpu.vector_load %arg5[%get3A, %get3A_68] {strides = array<i32>} : memref<20x512xi32, #tpu.memory_space<vmem>>, vector<16xi32>,
      %shift_right_logical3A = arith.constant 2 : i32
      %shift_right_logical3A_70 = vector.broadcast %shift_right_logical3A : i32 to vector<16xi32>
      %shift_right_logical3A_71 = arith.shrui %get3A_69, %shift_right_logical3A_70 : vector<16xi32>
      %mul3A_72 = arith.constant 16 : i32
      %mul3A_73 = arith.muli %scan3A_35, %mul3A_72 : i32
      %swap3A = arith.index_cast %mul3A_73 : i32 to index
      %swap3A_74 = tpu.vector_load %arg6[%swap3A] {strides = array<i32>} : memref<10240xi32, #tpu.memory_space<vmem>>, vector<16xi32>,
      tpu.vector_store %arg6[%swap3A], %shift_right_logical3A_71 {strides = array<i32>} : memref<10240xi32, #tpu.memory_space<vmem>>, vector<16xi32>,
      %and3A_75 = arith.constant 3 : i32
      %and3A_76 = vector.broadcast %and3A_75 : i32 to vector<16xi32>
      %and3A_77 = arith.andi %get3A_69, %and3A_76 : vector<16xi32>
      %shift_left3A = arith.constant 5 : i32
      %shift_left3A_78 = vector.broadcast %shift_left3A : i32 to vector<16xi32>
      %shift_left3A_79 = arith.shli %and3A_77, %shift_left3A_78 : vector<16xi32>
      %mul3A_80 = arith.constant 16 : i32
      %mul3A_81 = arith.muli %select_n3A_65, %mul3A_80 : i32
      %swap3A_82 = arith.index_cast %select_n3A : i32 to index
      %swap3A_83 = arith.index_cast %mul3A_81 : i32 to index
      %swap3A_84 = tpu.vector_load %arg7[%swap3A_82, %swap3A_83] {strides = array<i32>} : memref<20x512xi32, #tpu.memory_space<vmem>>, vector<16xi32>,
      tpu.vector_store %arg7[%swap3A_82, %swap3A_83], %shift_left3A_79 {strides = array<i32>} : memref<20x512xi32, #tpu.memory_space<vmem>>, vector<16xi32>,
    }
    %scan3A_7 = arith.constant 640 : i32
    %dma_start3A = arith.constant 0 : i32
    %dma_start3A_8 = tpu.memref_slice %arg6[%dma_start3A] : memref<10240xi32, #tpu.memory_space<vmem>> -> memref<256xi32, #tpu.memory_space<vmem>>
    %dma_start3A_9 = arith.constant 0 : i32
    %dma_start3A_10 = arith.constant 0 : i32
    %dma_start3A_11 = tpu.memref_slice %arg3[%dma_start3A_9, %dma_start3A_10] : memref<250000x128xf32, #tpu.memory_space<hbm>> -> memref<250000x128xf32, #tpu.memory_space<hbm>>
    tpu.enqueue_indirect_dma source(%dma_start3A_11 : memref<250000x128xf32, #tpu.memory_space<hbm>>) target(%arg8 : memref<256x128xf32, #tpu.memory_space<vmem>>) offsets(%dma_start3A_8 : memref<256xi32, #tpu.memory_space<vmem>>) semaphore(%arg12 : memref<!tpu.dma_semaphore, #tpu.memory_space<semaphore_mem>>)
    %scan3A_12 = arith.constant 0 : i32
    %scan3A_13 = arith.constant 0 : i32
    %scan3A_14 = arith.constant 20 : i32
    %scan3A_15 = arith.addi %scan3A_13, %scan3A_14 : i32
    %scan3A_16 = arith.constant 1 : i32
    scf.for %scan3A_35 = %scan3A_13 to %scan3A_15 step %scan3A_16  : i32 {
      %mul3A_36 = arith.constant 512 : i32
      %mul3A_37 = arith.muli %scan3A_35, %mul3A_36 : i32
      %add3A_38 = arith.constant 256 : i32
      %add3A_39 = arith.addi %mul3A_37, %add3A_38 : i32
      %dma_start3A_40 = tpu.memref_slice %arg6[%add3A_39] : memref<10240xi32, #tpu.memory_space<vmem>> -> memref<256xi32, #tpu.memory_space<vmem>>
      %dma_start3A_41 = arith.constant 0 : i32
      %dma_start3A_42 = arith.constant 0 : i32
      %dma_start3A_43 = tpu.memref_slice %arg3[%dma_start3A_41, %dma_start3A_42] : memref<250000x128xf32, #tpu.memory_space<hbm>> -> memref<250000x128xf32, #tpu.memory_space<hbm>>
      tpu.enqueue_indirect_dma source(%dma_start3A_43 : memref<250000x128xf32, #tpu.memory_space<hbm>>) target(%arg9 : memref<256x128xf32, #tpu.memory_space<vmem>>) offsets(%dma_start3A_40 : memref<256xi32, #tpu.memory_space<vmem>>) semaphore(%arg13 : memref<!tpu.dma_semaphore, #tpu.memory_space<semaphore_mem>>)
      %mul3A_44 = arith.constant 512 : i32
      %mul3A_45 = arith.muli %scan3A_35, %mul3A_44 : i32
      %add3A_46 = arith.constant 0 : i32
      %add3A_47 = arith.addi %mul3A_45, %add3A_46 : i32
      %dma_wait3A_48 = tpu.memref_slice %arg6[%add3A_47] : memref<10240xi32, #tpu.memory_space<vmem>> -> memref<256xi32, #tpu.memory_space<vmem>>
      %dma_wait3A_49 = arith.constant 0 : i32
      %dma_wait3A_50 = arith.constant 0 : i32
      %dma_wait3A_51 = tpu.memref_slice %arg3[%dma_wait3A_49, %dma_wait3A_50] : memref<250000x128xf32, #tpu.memory_space<hbm>> -> memref<250000x128xf32, #tpu.memory_space<hbm>>
      tpu.wait_indirect_dma semaphore(%arg12 : memref<!tpu.dma_semaphore, #tpu.memory_space<semaphore_mem>>) src(%dma_wait3A_51 : memref<250000x128xf32, #tpu.memory_space<hbm>>) dst(%arg8 : memref<256x128xf32, #tpu.memory_space<vmem>>)
      %gt3A = arith.constant 0 : i32
      %gt3A_52 = arith.cmpi sgt, %scan3A_35, %gt3A : i32
      %convert_element_type3A = arith.extui %gt3A_52 : i1 to i32
      %cond3A = arith.constant 0 : i32
      %cond3A_53 = arith.cmpi ne, %convert_element_type3A, %cond3A : i32
      scf.if %cond3A_53 {
        %sub3A = arith.constant 1 : i32
        %sub3A_101 = arith.subi %scan3A_35, %sub3A : i32
        %add3A_102 = arith.constant 0 : i32
        %add3A_103 = arith.addi %mul3A_2, %add3A_102 : i32
        %dma_wait3A_104 = arith.constant 0 : i32
        %dma_wait3A_105 = tpu.memref_slice %arg4[%sub3A_101, %dma_wait3A_104, %add3A_103] : memref<20x32x16384xf32, #tpu.memory_space<hbm>> -> memref<1x32x256xf32, #tpu.memory_space<hbm>>
        %dma_wait3A_106 = tpu.memref_squeeze %dma_wait3A_105 : memref<1x32x256xf32, #tpu.memory_space<hbm>> -> memref<32x256xf32, #tpu.memory_space<hbm>>
        %dma_wait3A_107 = arith.constant 0 : i32
        %dma_wait3A_108 = tpu.memref_slice %arg4[%sub3A_101, %dma_wait3A_107, %add3A_103] : memref<20x32x16384xf32, #tpu.memory_space<hbm>> -> memref<1x32x256xf32, #tpu.memory_space<hbm>>
        %dma_wait3A_109 = tpu.memref_squeeze %dma_wait3A_108 : memref<1x32x256xf32, #tpu.memory_space<hbm>> -> memref<32x256xf32, #tpu.memory_space<hbm>>
        tpu.wait_dma2 semaphore(%arg14 : memref<!tpu.dma_semaphore, #tpu.memory_space<semaphore_mem>>) src(%arg10 : memref<32x256xf32, #tpu.memory_space<vmem>>) dst(%dma_wait3A_109 : memref<32x256xf32, #tpu.memory_space<hbm>>)
      } else {
      }
      %scan3A_54 = arith.constant 0 : i32
      %scan3A_55 = arith.constant 0 : i32
      %scan3A_56 = arith.constant 16 : i32
      %scan3A_57 = arith.addi %scan3A_55, %scan3A_56 : i32
      %scan3A_58 = arith.constant 1 : i32
      scf.for %scan3A_101 = %scan3A_55 to %scan3A_57 step %scan3A_58  : i32 {
        %mul3A_102 = arith.constant 16 : i32
        %mul3A_103 = arith.muli %scan3A_101, %mul3A_102 : i32
        %add3A_104 = vector.broadcast %mul3A_103 : i32 to vector<16xi32>
        %add3A_105 = arith.addi %add3A_104, %iota3A : vector<16xi32>
        %mul3A_106 = arith.constant 16 : i32
        %mul3A_107 = arith.muli %scan3A_101, %mul3A_106 : i32
        %add3A_108 = arith.constant 0 : i32
        %add3A_109 = arith.addi %add3A_108, %mul3A_107 : i32
        %get3A = arith.index_cast %scan3A_35 : i32 to index
        %get3A_110 = arith.index_cast %add3A_109 : i32 to index
        %get3A_111 = tpu.vector_load %arg7[%get3A, %get3A_110] {strides = array<i32>} : memref<20x512xi32, #tpu.memory_space<vmem>>, vector<16xi32>,
        %add3A_112 = arith.constant 0 : i32
        %add3A_113 = vector.broadcast %add3A_112 : i32 to vector<16xi32>
        %add3A_114 = arith.addi %add3A_113, %iota3A : vector<16xi32>
        %and3A = arith.constant 31 : i32
        %and3A_115 = vector.broadcast %and3A : i32 to vector<16xi32>
        %and3A_116 = arith.andi %add3A_114, %and3A_115 : vector<16xi32>
        %add3A_117 = arith.addi %get3A_111, %and3A_116 : vector<16xi32>
        %gather3A = tpu.vector_load_idx %arg8[%add3A_105, %add3A_117] : memref<256x128xf32, #tpu.memory_space<vmem>>[vector<16xi32>, vector<16xi32>], vector<16xf32>,
        tpu.vector_store_idx %arg10[%and3A_116, %add3A_105], %gather3A : memref<32x256xf32, #tpu.memory_space<vmem>>[vector<16xi32>, vector<16xi32>], vector<16xf32>,
        %add3A_118 = arith.constant 1 : i32
        %add3A_119 = vector.broadcast %add3A_118 : i32 to vector<16xi32>
        %add3A_120 = arith.addi %add3A_119, %iota3A : vector<16xi32>
        %and3A_121 = arith.constant 31 : i32
        %and3A_122 = vector.broadcast %and3A_121 : i32 to vector<16xi32>
        %and3A_123 = arith.andi %add3A_120, %and3A_122 : vector<16xi32>
        %add3A_124 = arith.addi %get3A_111, %and3A_123 : vector<16xi32>
        %gather3A_125 = tpu.vector_load_idx %arg8[%add3A_105, %add3A_124] : memref<256x128xf32, #tpu.memory_space<vmem>>[vector<16xi32>, vector<16xi32>], vector<16xf32>,
        tpu.vector_store_idx %arg10[%and3A_123, %add3A_105], %gather3A_125 : memref<32x256xf32, #tpu.memory_space<vmem>>[vector<16xi32>, vector<16xi32>], vector<16xf32>,
        %add3A_126 = arith.constant 2 : i32
        %add3A_127 = vector.broadcast %add3A_126 : i32 to vector<16xi32>
        %add3A_128 = arith.addi %add3A_127, %iota3A : vector<16xi32>
        %and3A_129 = arith.constant 31 : i32
        %and3A_130 = vector.broadcast %and3A_129 : i32 to vector<16xi32>
        %and3A_131 = arith.andi %add3A_128, %and3A_130 : vector<16xi32>
        %add3A_132 = arith.addi %get3A_111, %and3A_131 : vector<16xi32>
        %gather3A_133 = tpu.vector_load_idx %arg8[%add3A_105, %add3A_132] : memref<256x128xf32, #tpu.memory_space<vmem>>[vector<16xi32>, vector<16xi32>], vector<16xf32>,
        tpu.vector_store_idx %arg10[%and3A_131, %add3A_105], %gather3A_133 : memref<32x256xf32, #tpu.memory_space<vmem>>[vector<16xi32>, vector<16xi32>], vector<16xf32>,
        %add3A_134 = arith.constant 3 : i32
        %add3A_135 = vector.broadcast %add3A_134 : i32 to vector<16xi32>
        %add3A_136 = arith.addi %add3A_135, %iota3A : vector<16xi32>
        %and3A_137 = arith.constant 31 : i32
        %and3A_138 = vector.broadcast %and3A_137 : i32 to vector<16xi32>
        %and3A_139 = arith.andi %add3A_136, %and3A_138 : vector<16xi32>
        %add3A_140 = arith.addi %get3A_111, %and3A_139 : vector<16xi32>
        %gather3A_141 = tpu.vector_load_idx %arg8[%add3A_105, %add3A_140] : memref<256x128xf32, #tpu.memory_space<vmem>>[vector<16xi32>, vector<16xi32>], vector<16xf32>,
        tpu.vector_store_idx %arg10[%and3A_139, %add3A_105], %gather3A_141 : memref<32x256xf32, #tpu.memory_space<vmem>>[vector<16xi32>, vector<16xi32>], vector<16xf32>,
        %add3A_142 = arith.constant 4 : i32
        %add3A_143 = vector.broadcast %add3A_142 : i32 to vector<16xi32>
        %add3A_144 = arith.addi %add3A_143, %iota3A : vector<16xi32>
        %and3A_145 = arith.constant 31 : i32
        %and3A_146 = vector.broadcast %and3A_145 : i32 to vector<16xi32>
        %and3A_147 = arith.andi %add3A_144, %and3A_146 : vector<16xi32>
        %add3A_148 = arith.addi %get3A_111, %and3A_147 : vector<16xi32>
        %gather3A_149 = tpu.vector_load_idx %arg8[%add3A_105, %add3A_148] : memref<256x128xf32, #tpu.memory_space<vmem>>[vector<16xi32>, vector<16xi32>], vector<16xf32>,
        tpu.vector_store_idx %arg10[%and3A_147, %add3A_105], %gather3A_149 : memref<32x256xf32, #tpu.memory_space<vmem>>[vector<16xi32>, vector<16xi32>], vector<16xf32>,
        %add3A_150 = arith.constant 5 : i32
        %add3A_151 = vector.broadcast %add3A_150 : i32 to vector<16xi32>
        %add3A_152 = arith.addi %add3A_151, %iota3A : vector<16xi32>
        %and3A_153 = arith.constant 31 : i32
        %and3A_154 = vector.broadcast %and3A_153 : i32 to vector<16xi32>
        %and3A_155 = arith.andi %add3A_152, %and3A_154 : vector<16xi32>
        %add3A_156 = arith.addi %get3A_111, %and3A_155 : vector<16xi32>
        %gather3A_157 = tpu.vector_load_idx %arg8[%add3A_105, %add3A_156] : memref<256x128xf32, #tpu.memory_space<vmem>>[vector<16xi32>, vector<16xi32>], vector<16xf32>,
        tpu.vector_store_idx %arg10[%and3A_155, %add3A_105], %gather3A_157 : memref<32x256xf32, #tpu.memory_space<vmem>>[vector<16xi32>, vector<16xi32>], vector<16xf32>,
        %add3A_158 = arith.constant 6 : i32
        %add3A_159 = vector.broadcast %add3A_158 : i32 to vector<16xi32>
        %add3A_160 = arith.addi %add3A_159, %iota3A : vector<16xi32>
        %and3A_161 = arith.constant 31 : i32
        %and3A_162 = vector.broadcast %and3A_161 : i32 to vector<16xi32>
        %and3A_163 = arith.andi %add3A_160, %and3A_162 : vector<16xi32>
        %add3A_164 = arith.addi %get3A_111, %and3A_163 : vector<16xi32>
        %gather3A_165 = tpu.vector_load_idx %arg8[%add3A_105, %add3A_164] : memref<256x128xf32, #tpu.memory_space<vmem>>[vector<16xi32>, vector<16xi32>], vector<16xf32>,
        tpu.vector_store_idx %arg10[%and3A_163, %add3A_105], %gather3A_165 : memref<32x256xf32, #tpu.memory_space<vmem>>[vector<16xi32>, vector<16xi32>], vector<16xf32>,
        %add3A_166 = arith.constant 7 : i32
        %add3A_167 = vector.broadcast %add3A_166 : i32 to vector<16xi32>
        %add3A_168 = arith.addi %add3A_167, %iota3A : vector<16xi32>
        %and3A_169 = arith.constant 31 : i32
        %and3A_170 = vector.broadcast %and3A_169 : i32 to vector<16xi32>
        %and3A_171 = arith.andi %add3A_168, %and3A_170 : vector<16xi32>
        %add3A_172 = arith.addi %get3A_111, %and3A_171 : vector<16xi32>
        %gather3A_173 = tpu.vector_load_idx %arg8[%add3A_105, %add3A_172] : memref<256x128xf32, #tpu.memory_space<vmem>>[vector<16xi32>, vector<16xi32>], vector<16xf32>,
        tpu.vector_store_idx %arg10[%and3A_171, %add3A_105], %gather3A_173 : memref<32x256xf32, #tpu.memory_space<vmem>>[vector<16xi32>, vector<16xi32>], vector<16xf32>,
        %add3A_174 = arith.constant 8 : i32
        %add3A_175 = vector.broadcast %add3A_174 : i32 to vector<16xi32>
        %add3A_176 = arith.addi %add3A_175, %iota3A : vector<16xi32>
        %and3A_177 = arith.constant 31 : i32
        %and3A_178 = vector.broadcast %and3A_177 : i32 to vector<16xi32>
        %and3A_179 = arith.andi %add3A_176, %and3A_178 : vector<16xi32>
        %add3A_180 = arith.addi %get3A_111, %and3A_179 : vector<16xi32>
        %gather3A_181 = tpu.vector_load_idx %arg8[%add3A_105, %add3A_180] : memref<256x128xf32, #tpu.memory_space<vmem>>[vector<16xi32>, vector<16xi32>], vector<16xf32>,
        tpu.vector_store_idx %arg10[%and3A_179, %add3A_105], %gather3A_181 : memref<32x256xf32, #tpu.memory_space<vmem>>[vector<16xi32>, vector<16xi32>], vector<16xf32>,
        %add3A_182 = arith.constant 9 : i32
        %add3A_183 = vector.broadcast %add3A_182 : i32 to vector<16xi32>
        %add3A_184 = arith.addi %add3A_183, %iota3A : vector<16xi32>
        %and3A_185 = arith.constant 31 : i32
        %and3A_186 = vector.broadcast %and3A_185 : i32 to vector<16xi32>
        %and3A_187 = arith.andi %add3A_184, %and3A_186 : vector<16xi32>
        %add3A_188 = arith.addi %get3A_111, %and3A_187 : vector<16xi32>
        %gather3A_189 = tpu.vector_load_idx %arg8[%add3A_105, %add3A_188] : memref<256x128xf32, #tpu.memory_space<vmem>>[vector<16xi32>, vector<16xi32>], vector<16xf32>,
        tpu.vector_store_idx %arg10[%and3A_187, %add3A_105], %gather3A_189 : memref<32x256xf32, #tpu.memory_space<vmem>>[vector<16xi32>, vector<16xi32>], vector<16xf32>,
        %add3A_190 = arith.constant 10 : i32
        %add3A_191 = vector.broadcast %add3A_190 : i32 to vector<16xi32>
        %add3A_192 = arith.addi %add3A_191, %iota3A : vector<16xi32>
        %and3A_193 = arith.constant 31 : i32
        %and3A_194 = vector.broadcast %and3A_193 : i32 to vector<16xi32>
        %and3A_195 = arith.andi %add3A_192, %and3A_194 : vector<16xi32>
        %add3A_196 = arith.addi %get3A_111, %and3A_195 : vector<16xi32>
        %gather3A_197 = tpu.vector_load_idx %arg8[%add3A_105, %add3A_196] : memref<256x128xf32, #tpu.memory_space<vmem>>[vector<16xi32>, vector<16xi32>], vector<16xf32>,
        tpu.vector_store_idx %arg10[%and3A_195, %add3A_105], %gather3A_197 : memref<32x256xf32, #tpu.memory_space<vmem>>[vector<16xi32>, vector<16xi32>], vector<16xf32>,
        %add3A_198 = arith.constant 11 : i32
        %add3A_199 = vector.broadcast %add3A_198 : i32 to vector<16xi32>
        %add3A_200 = arith.addi %add3A_199, %iota3A : vector<16xi32>
        %and3A_201 = arith.constant 31 : i32
        %and3A_202 = vector.broadcast %and3A_201 : i32 to vector<16xi32>
        %and3A_203 = arith.andi %add3A_200, %and3A_202 : vector<16xi32>
        %add3A_204 = arith.addi %get3A_111, %and3A_203 : vector<16xi32>
        %gather3A_205 = tpu.vector_load_idx %arg8[%add3A_105, %add3A_204] : memref<256x128xf32, #tpu.memory_space<vmem>>[vector<16xi32>, vector<16xi32>], vector<16xf32>,
        tpu.vector_store_idx %arg10[%and3A_203, %add3A_105], %gather3A_205 : memref<32x256xf32, #tpu.memory_space<vmem>>[vector<16xi32>, vector<16xi32>], vector<16xf32>,
        %add3A_206 = arith.constant 12 : i32
        %add3A_207 = vector.broadcast %add3A_206 : i32 to vector<16xi32>
        %add3A_208 = arith.addi %add3A_207, %iota3A : vector<16xi32>
        %and3A_209 = arith.constant 31 : i32
        %and3A_210 = vector.broadcast %and3A_209 : i32 to vector<16xi32>
        %and3A_211 = arith.andi %add3A_208, %and3A_210 : vector<16xi32>
        %add3A_212 = arith.addi %get3A_111, %and3A_211 : vector<16xi32>
        %gather3A_213 = tpu.vector_load_idx %arg8[%add3A_105, %add3A_212] : memref<256x128xf32, #tpu.memory_space<vmem>>[vector<16xi32>, vector<16xi32>], vector<16xf32>,
        tpu.vector_store_idx %arg10[%and3A_211, %add3A_105], %gather3A_213 : memref<32x256xf32, #tpu.memory_space<vmem>>[vector<16xi32>, vector<16xi32>], vector<16xf32>,
        %add3A_214 = arith.constant 13 : i32
        %add3A_215 = vector.broadcast %add3A_214 : i32 to vector<16xi32>
        %add3A_216 = arith.addi %add3A_215, %iota3A : vector<16xi32>
        %and3A_217 = arith.constant 31 : i32
        %and3A_218 = vector.broadcast %and3A_217 : i32 to vector<16xi32>
        %and3A_219 = arith.andi %add3A_216, %and3A_218 : vector<16xi32>
        %add3A_220 = arith.addi %get3A_111, %and3A_219 : vector<16xi32>
        %gather3A_221 = tpu.vector_load_idx %arg8[%add3A_105, %add3A_220] : memref<256x128xf32, #tpu.memory_space<vmem>>[vector<16xi32>, vector<16xi32>], vector<16xf32>,
        tpu.vector_store_idx %arg10[%and3A_219, %add3A_105], %gather3A_221 : memref<32x256xf32, #tpu.memory_space<vmem>>[vector<16xi32>, vector<16xi32>], vector<16xf32>,
        %add3A_222 = arith.constant 14 : i32
        %add3A_223 = vector.broadcast %add3A_222 : i32 to vector<16xi32>
        %add3A_224 = arith.addi %add3A_223, %iota3A : vector<16xi32>
        %and3A_225 = arith.constant 31 : i32
        %and3A_226 = vector.broadcast %and3A_225 : i32 to vector<16xi32>
        %and3A_227 = arith.andi %add3A_224, %and3A_226 : vector<16xi32>
        %add3A_228 = arith.addi %get3A_111, %and3A_227 : vector<16xi32>
        %gather3A_229 = tpu.vector_load_idx %arg8[%add3A_105, %add3A_228] : memref<256x128xf32, #tpu.memory_space<vmem>>[vector<16xi32>, vector<16xi32>], vector<16xf32>,
        tpu.vector_store_idx %arg10[%and3A_227, %add3A_105], %gather3A_229 : memref<32x256xf32, #tpu.memory_space<vmem>>[vector<16xi32>, vector<16xi32>], vector<16xf32>,
        %add3A_230 = arith.constant 15 : i32
        %add3A_231 = vector.broadcast %add3A_230 : i32 to vector<16xi32>
        %add3A_232 = arith.addi %add3A_231, %iota3A : vector<16xi32>
        %and3A_233 = arith.constant 31 : i32
        %and3A_234 = vector.broadcast %and3A_233 : i32 to vector<16xi32>
        %and3A_235 = arith.andi %add3A_232, %and3A_234 : vector<16xi32>
        %add3A_236 = arith.addi %get3A_111, %and3A_235 : vector<16xi32>
        %gather3A_237 = tpu.vector_load_idx %arg8[%add3A_105, %add3A_236] : memref<256x128xf32, #tpu.memory_space<vmem>>[vector<16xi32>, vector<16xi32>], vector<16xf32>,
        tpu.vector_store_idx %arg10[%and3A_235, %add3A_105], %gather3A_237 : memref<32x256xf32, #tpu.memory_space<vmem>>[vector<16xi32>, vector<16xi32>], vector<16xf32>,
        %add3A_238 = arith.constant 16 : i32
        %add3A_239 = vector.broadcast %add3A_238 : i32 to vector<16xi32>
        %add3A_240 = arith.addi %add3A_239, %iota3A : vector<16xi32>
        %and3A_241 = arith.constant 31 : i32
        %and3A_242 = vector.broadcast %and3A_241 : i32 to vector<16xi32>
        %and3A_243 = arith.andi %add3A_240, %and3A_242 : vector<16xi32>
        %add3A_244 = arith.addi %get3A_111, %and3A_243 : vector<16xi32>
        %gather3A_245 = tpu.vector_load_idx %arg8[%add3A_105, %add3A_244] : memref<256x128xf32, #tpu.memory_space<vmem>>[vector<16xi32>, vector<16xi32>], vector<16xf32>,
        tpu.vector_store_idx %arg10[%and3A_243, %add3A_105], %gather3A_245 : memref<32x256xf32, #tpu.memory_space<vmem>>[vector<16xi32>, vector<16xi32>], vector<16xf32>,
        %add3A_246 = arith.constant 17 : i32
        %add3A_247 = vector.broadcast %add3A_246 : i32 to vector<16xi32>
        %add3A_248 = arith.addi %add3A_247, %iota3A : vector<16xi32>
        %and3A_249 = arith.constant 31 : i32
        %and3A_250 = vector.broadcast %and3A_249 : i32 to vector<16xi32>
        %and3A_251 = arith.andi %add3A_248, %and3A_250 : vector<16xi32>
        %add3A_252 = arith.addi %get3A_111, %and3A_251 : vector<16xi32>
        %gather3A_253 = tpu.vector_load_idx %arg8[%add3A_105, %add3A_252] : memref<256x128xf32, #tpu.memory_space<vmem>>[vector<16xi32>, vector<16xi32>], vector<16xf32>,
        tpu.vector_store_idx %arg10[%and3A_251, %add3A_105], %gather3A_253 : memref<32x256xf32, #tpu.memory_space<vmem>>[vector<16xi32>, vector<16xi32>], vector<16xf32>,
        %add3A_254 = arith.constant 18 : i32
        %add3A_255 = vector.broadcast %add3A_254 : i32 to vector<16xi32>
        %add3A_256 = arith.addi %add3A_255, %iota3A : vector<16xi32>
        %and3A_257 = arith.constant 31 : i32
        %and3A_258 = vector.broadcast %and3A_257 : i32 to vector<16xi32>
        %and3A_259 = arith.andi %add3A_256, %and3A_258 : vector<16xi32>
        %add3A_260 = arith.addi %get3A_111, %and3A_259 : vector<16xi32>
        %gather3A_261 = tpu.vector_load_idx %arg8[%add3A_105, %add3A_260] : memref<256x128xf32, #tpu.memory_space<vmem>>[vector<16xi32>, vector<16xi32>], vector<16xf32>,
        tpu.vector_store_idx %arg10[%and3A_259, %add3A_105], %gather3A_261 : memref<32x256xf32, #tpu.memory_space<vmem>>[vector<16xi32>, vector<16xi32>], vector<16xf32>,
        %add3A_262 = arith.constant 19 : i32
        %add3A_263 = vector.broadcast %add3A_262 : i32 to vector<16xi32>
        %add3A_264 = arith.addi %add3A_263, %iota3A : vector<16xi32>
        %and3A_265 = arith.constant 31 : i32
        %and3A_266 = vector.broadcast %and3A_265 : i32 to vector<16xi32>
        %and3A_267 = arith.andi %add3A_264, %and3A_266 : vector<16xi32>
        %add3A_268 = arith.addi %get3A_111, %and3A_267 : vector<16xi32>
        %gather3A_269 = tpu.vector_load_idx %arg8[%add3A_105, %add3A_268] : memref<256x128xf32, #tpu.memory_space<vmem>>[vector<16xi32>, vector<16xi32>], vector<16xf32>,
        tpu.vector_store_idx %arg10[%and3A_267, %add3A_105], %gather3A_269 : memref<32x256xf32, #tpu.memory_space<vmem>>[vector<16xi32>, vector<16xi32>], vector<16xf32>,
        %add3A_270 = arith.constant 20 : i32
        %add3A_271 = vector.broadcast %add3A_270 : i32 to vector<16xi32>
        %add3A_272 = arith.addi %add3A_271, %iota3A : vector<16xi32>
        %and3A_273 = arith.constant 31 : i32
        %and3A_274 = vector.broadcast %and3A_273 : i32 to vector<16xi32>
        %and3A_275 = arith.andi %add3A_272, %and3A_274 : vector<16xi32>
        %add3A_276 = arith.addi %get3A_111, %and3A_275 : vector<16xi32>
        %gather3A_277 = tpu.vector_load_idx %arg8[%add3A_105, %add3A_276] : memref<256x128xf32, #tpu.memory_space<vmem>>[vector<16xi32>, vector<16xi32>], vector<16xf32>,
        tpu.vector_store_idx %arg10[%and3A_275, %add3A_105], %gather3A_277 : memref<32x256xf32, #tpu.memory_space<vmem>>[vector<16xi32>, vector<16xi32>], vector<16xf32>,
        %add3A_278 = arith.constant 21 : i32
        %add3A_279 = vector.broadcast %add3A_278 : i32 to vector<16xi32>
        %add3A_280 = arith.addi %add3A_279, %iota3A : vector<16xi32>
        %and3A_281 = arith.constant 31 : i32
        %and3A_282 = vector.broadcast %and3A_281 : i32 to vector<16xi32>
        %and3A_283 = arith.andi %add3A_280, %and3A_282 : vector<16xi32>
        %add3A_284 = arith.addi %get3A_111, %and3A_283 : vector<16xi32>
        %gather3A_285 = tpu.vector_load_idx %arg8[%add3A_105, %add3A_284] : memref<256x128xf32, #tpu.memory_space<vmem>>[vector<16xi32>, vector<16xi32>], vector<16xf32>,
        tpu.vector_store_idx %arg10[%and3A_283, %add3A_105], %gather3A_285 : memref<32x256xf32, #tpu.memory_space<vmem>>[vector<16xi32>, vector<16xi32>], vector<16xf32>,
        %add3A_286 = arith.constant 22 : i32
        %add3A_287 = vector.broadcast %add3A_286 : i32 to vector<16xi32>
        %add3A_288 = arith.addi %add3A_287, %iota3A : vector<16xi32>
        %and3A_289 = arith.constant 31 : i32
        %and3A_290 = vector.broadcast %and3A_289 : i32 to vector<16xi32>
        %and3A_291 = arith.andi %add3A_288, %and3A_290 : vector<16xi32>
        %add3A_292 = arith.addi %get3A_111, %and3A_291 : vector<16xi32>
        %gather3A_293 = tpu.vector_load_idx %arg8[%add3A_105, %add3A_292] : memref<256x128xf32, #tpu.memory_space<vmem>>[vector<16xi32>, vector<16xi32>], vector<16xf32>,
        tpu.vector_store_idx %arg10[%and3A_291, %add3A_105], %gather3A_293 : memref<32x256xf32, #tpu.memory_space<vmem>>[vector<16xi32>, vector<16xi32>], vector<16xf32>,
        %add3A_294 = arith.constant 23 : i32
        %add3A_295 = vector.broadcast %add3A_294 : i32 to vector<16xi32>
        %add3A_296 = arith.addi %add3A_295, %iota3A : vector<16xi32>
        %and3A_297 = arith.constant 31 : i32
        %and3A_298 = vector.broadcast %and3A_297 : i32 to vector<16xi32>
        %and3A_299 = arith.andi %add3A_296, %and3A_298 : vector<16xi32>
        %add3A_300 = arith.addi %get3A_111, %and3A_299 : vector<16xi32>
        %gather3A_301 = tpu.vector_load_idx %arg8[%add3A_105, %add3A_300] : memref<256x128xf32, #tpu.memory_space<vmem>>[vector<16xi32>, vector<16xi32>], vector<16xf32>,
        tpu.vector_store_idx %arg10[%and3A_299, %add3A_105], %gather3A_301 : memref<32x256xf32, #tpu.memory_space<vmem>>[vector<16xi32>, vector<16xi32>], vector<16xf32>,
        %add3A_302 = arith.constant 24 : i32
        %add3A_303 = vector.broadcast %add3A_302 : i32 to vector<16xi32>
        %add3A_304 = arith.addi %add3A_303, %iota3A : vector<16xi32>
        %and3A_305 = arith.constant 31 : i32
        %and3A_306 = vector.broadcast %and3A_305 : i32 to vector<16xi32>
        %and3A_307 = arith.andi %add3A_304, %and3A_306 : vector<16xi32>
        %add3A_308 = arith.addi %get3A_111, %and3A_307 : vector<16xi32>
        %gather3A_309 = tpu.vector_load_idx %arg8[%add3A_105, %add3A_308] : memref<256x128xf32, #tpu.memory_space<vmem>>[vector<16xi32>, vector<16xi32>], vector<16xf32>,
        tpu.vector_store_idx %arg10[%and3A_307, %add3A_105], %gather3A_309 : memref<32x256xf32, #tpu.memory_space<vmem>>[vector<16xi32>, vector<16xi32>], vector<16xf32>,
        %add3A_310 = arith.constant 25 : i32
        %add3A_311 = vector.broadcast %add3A_310 : i32 to vector<16xi32>
        %add3A_312 = arith.addi %add3A_311, %iota3A : vector<16xi32>
        %and3A_313 = arith.constant 31 : i32
        %and3A_314 = vector.broadcast %and3A_313 : i32 to vector<16xi32>
        %and3A_315 = arith.andi %add3A_312, %and3A_314 : vector<16xi32>
        %add3A_316 = arith.addi %get3A_111, %and3A_315 : vector<16xi32>
        %gather3A_317 = tpu.vector_load_idx %arg8[%add3A_105, %add3A_316] : memref<256x128xf32, #tpu.memory_space<vmem>>[vector<16xi32>, vector<16xi32>], vector<16xf32>,
        tpu.vector_store_idx %arg10[%and3A_315, %add3A_105], %gather3A_317 : memref<32x256xf32, #tpu.memory_space<vmem>>[vector<16xi32>, vector<16xi32>], vector<16xf32>,
        %add3A_318 = arith.constant 26 : i32
        %add3A_319 = vector.broadcast %add3A_318 : i32 to vector<16xi32>
        %add3A_320 = arith.addi %add3A_319, %iota3A : vector<16xi32>
        %and3A_321 = arith.constant 31 : i32
        %and3A_322 = vector.broadcast %and3A_321 : i32 to vector<16xi32>
        %and3A_323 = arith.andi %add3A_320, %and3A_322 : vector<16xi32>
        %add3A_324 = arith.addi %get3A_111, %and3A_323 : vector<16xi32>
        %gather3A_325 = tpu.vector_load_idx %arg8[%add3A_105, %add3A_324] : memref<256x128xf32, #tpu.memory_space<vmem>>[vector<16xi32>, vector<16xi32>], vector<16xf32>,
        tpu.vector_store_idx %arg10[%and3A_323, %add3A_105], %gather3A_325 : memref<32x256xf32, #tpu.memory_space<vmem>>[vector<16xi32>, vector<16xi32>], vector<16xf32>,
        %add3A_326 = arith.constant 27 : i32
        %add3A_327 = vector.broadcast %add3A_326 : i32 to vector<16xi32>
        %add3A_328 = arith.addi %add3A_327, %iota3A : vector<16xi32>
        %and3A_329 = arith.constant 31 : i32
        %and3A_330 = vector.broadcast %and3A_329 : i32 to vector<16xi32>
        %and3A_331 = arith.andi %add3A_328, %and3A_330 : vector<16xi32>
        %add3A_332 = arith.addi %get3A_111, %and3A_331 : vector<16xi32>
        %gather3A_333 = tpu.vector_load_idx %arg8[%add3A_105, %add3A_332] : memref<256x128xf32, #tpu.memory_space<vmem>>[vector<16xi32>, vector<16xi32>], vector<16xf32>,
        tpu.vector_store_idx %arg10[%and3A_331, %add3A_105], %gather3A_333 : memref<32x256xf32, #tpu.memory_space<vmem>>[vector<16xi32>, vector<16xi32>], vector<16xf32>,
        %add3A_334 = arith.constant 28 : i32
        %add3A_335 = vector.broadcast %add3A_334 : i32 to vector<16xi32>
        %add3A_336 = arith.addi %add3A_335, %iota3A : vector<16xi32>
        %and3A_337 = arith.constant 31 : i32
        %and3A_338 = vector.broadcast %and3A_337 : i32 to vector<16xi32>
        %and3A_339 = arith.andi %add3A_336, %and3A_338 : vector<16xi32>
        %add3A_340 = arith.addi %get3A_111, %and3A_339 : vector<16xi32>
        %gather3A_341 = tpu.vector_load_idx %arg8[%add3A_105, %add3A_340] : memref<256x128xf32, #tpu.memory_space<vmem>>[vector<16xi32>, vector<16xi32>], vector<16xf32>,
        tpu.vector_store_idx %arg10[%and3A_339, %add3A_105], %gather3A_341 : memref<32x256xf32, #tpu.memory_space<vmem>>[vector<16xi32>, vector<16xi32>], vector<16xf32>,
        %add3A_342 = arith.constant 29 : i32
        %add3A_343 = vector.broadcast %add3A_342 : i32 to vector<16xi32>
        %add3A_344 = arith.addi %add3A_343, %iota3A : vector<16xi32>
        %and3A_345 = arith.constant 31 : i32
        %and3A_346 = vector.broadcast %and3A_345 : i32 to vector<16xi32>
        %and3A_347 = arith.andi %add3A_344, %and3A_346 : vector<16xi32>
        %add3A_348 = arith.addi %get3A_111, %and3A_347 : vector<16xi32>
        %gather3A_349 = tpu.vector_load_idx %arg8[%add3A_105, %add3A_348] : memref<256x128xf32, #tpu.memory_space<vmem>>[vector<16xi32>, vector<16xi32>], vector<16xf32>,
        tpu.vector_store_idx %arg10[%and3A_347, %add3A_105], %gather3A_349 : memref<32x256xf32, #tpu.memory_space<vmem>>[vector<16xi32>, vector<16xi32>], vector<16xf32>,
        %add3A_350 = arith.constant 30 : i32
        %add3A_351 = vector.broadcast %add3A_350 : i32 to vector<16xi32>
        %add3A_352 = arith.addi %add3A_351, %iota3A : vector<16xi32>
        %and3A_353 = arith.constant 31 : i32
        %and3A_354 = vector.broadcast %and3A_353 : i32 to vector<16xi32>
        %and3A_355 = arith.andi %add3A_352, %and3A_354 : vector<16xi32>
        %add3A_356 = arith.addi %get3A_111, %and3A_355 : vector<16xi32>
        %gather3A_357 = tpu.vector_load_idx %arg8[%add3A_105, %add3A_356] : memref<256x128xf32, #tpu.memory_space<vmem>>[vector<16xi32>, vector<16xi32>], vector<16xf32>,
        tpu.vector_store_idx %arg10[%and3A_355, %add3A_105], %gather3A_357 : memref<32x256xf32, #tpu.memory_space<vmem>>[vector<16xi32>, vector<16xi32>], vector<16xf32>,
        %add3A_358 = arith.constant 31 : i32
        %add3A_359 = vector.broadcast %add3A_358 : i32 to vector<16xi32>
        %add3A_360 = arith.addi %add3A_359, %iota3A : vector<16xi32>
        %and3A_361 = arith.constant 31 : i32
        %and3A_362 = vector.broadcast %and3A_361 : i32 to vector<16xi32>
        %and3A_363 = arith.andi %add3A_360, %and3A_362 : vector<16xi32>
        %add3A_364 = arith.addi %get3A_111, %and3A_363 : vector<16xi32>
        %gather3A_365 = tpu.vector_load_idx %arg8[%add3A_105, %add3A_364] : memref<256x128xf32, #tpu.memory_space<vmem>>[vector<16xi32>, vector<16xi32>], vector<16xf32>,
        tpu.vector_store_idx %arg10[%and3A_363, %add3A_105], %gather3A_365 : memref<32x256xf32, #tpu.memory_space<vmem>>[vector<16xi32>, vector<16xi32>], vector<16xf32>,
      }
      %scan3A_59 = arith.constant 16 : i32
      %add3A_60 = arith.constant 0 : i32
      %add3A_61 = arith.addi %mul3A_2, %add3A_60 : i32
      %dma_start3A_62 = arith.constant 0 : i32
      %dma_start3A_63 = tpu.memref_slice %arg4[%scan3A_35, %dma_start3A_62, %add3A_61] : memref<20x32x16384xf32, #tpu.memory_space<hbm>> -> memref<1x32x256xf32, #tpu.memory_space<hbm>>
      %dma_start3A_64 = tpu.memref_squeeze %dma_start3A_63 : memref<1x32x256xf32, #tpu.memory_space<hbm>> -> memref<32x256xf32, #tpu.memory_space<hbm>>
      %dma_start3A_65 = arith.constant 0 : i32
      %dma_start3A_66 = tpu.memref_slice %arg4[%scan3A_35, %dma_start3A_65, %add3A_61] : memref<20x32x16384xf32, #tpu.memory_space<hbm>> -> memref<1x32x256xf32, #tpu.memory_space<hbm>>
      %dma_start3A_67 = tpu.memref_squeeze %dma_start3A_66 : memref<1x32x256xf32, #tpu.memory_space<hbm>> -> memref<32x256xf32, #tpu.memory_space<hbm>>
      tpu.enqueue_dma source(%arg10 : memref<32x256xf32, #tpu.memory_space<vmem>>) target(%dma_start3A_67 : memref<32x256xf32, #tpu.memory_space<hbm>>) target_semaphore(%arg14 : memref<!tpu.dma_semaphore, #tpu.memory_space<semaphore_mem>>)
      %add3A_68 = arith.constant 1 : i32
      %add3A_69 = arith.addi %scan3A_35, %add3A_68 : i32
      %lt3A = arith.constant 20 : i32
      %lt3A_70 = arith.cmpi slt, %add3A_69, %lt3A : i32
      %convert_element_type3A_71 = arith.extui %lt3A_70 : i1 to i32
      %cond3A_72 = arith.constant 0 : i32
      %cond3A_73 = arith.cmpi ne, %convert_element_type3A_71, %cond3A_72 : i32
      scf.if %cond3A_73 {
        %add3A_101 = arith.constant 1 : i32
        %add3A_102 = arith.addi %scan3A_35, %add3A_101 : i32
        %mul3A_103 = arith.constant 512 : i32
        %mul3A_104 = arith.muli %add3A_102, %mul3A_103 : i32
        %add3A_105 = arith.constant 0 : i32
        %add3A_106 = arith.addi %mul3A_104, %add3A_105 : i32
        %dma_start3A_107 = tpu.memref_slice %arg6[%add3A_106] : memref<10240xi32, #tpu.memory_space<vmem>> -> memref<256xi32, #tpu.memory_space<vmem>>
        %dma_start3A_108 = arith.constant 0 : i32
        %dma_start3A_109 = arith.constant 0 : i32
        %dma_start3A_110 = tpu.memref_slice %arg3[%dma_start3A_108, %dma_start3A_109] : memref<250000x128xf32, #tpu.memory_space<hbm>> -> memref<250000x128xf32, #tpu.memory_space<hbm>>
        tpu.enqueue_indirect_dma source(%dma_start3A_110 : memref<250000x128xf32, #tpu.memory_space<hbm>>) target(%arg8 : memref<256x128xf32, #tpu.memory_space<vmem>>) offsets(%dma_start3A_107 : memref<256xi32, #tpu.memory_space<vmem>>) semaphore(%arg12 : memref<!tpu.dma_semaphore, #tpu.memory_space<semaphore_mem>>)
      } else {
      }
      %mul3A_74 = arith.constant 512 : i32
      %mul3A_75 = arith.muli %scan3A_35, %mul3A_74 : i32
      %add3A_76 = arith.constant 256 : i32
      %add3A_77 = arith.addi %mul3A_75, %add3A_76 : i32
      %dma_wait3A_78 = tpu.memref_slice %arg6[%add3A_77] : memref<10240xi32, #tpu.memory_space<vmem>> -> memref<256xi32, #tpu.memory_space<vmem>>
      %dma_wait3A_79 = arith.constant 0 : i32
      %dma_wait3A_80 = arith.constant 0 : i32
      %dma_wait3A_81 = tpu.memref_slice %arg3[%dma_wait3A_79, %dma_wait3A_80] : memref<250000x128xf32, #tpu.memory_space<hbm>> -> memref<250000x128xf32, #tpu.memory_space<hbm>>
      tpu.wait_indirect_dma semaphore(%arg13 : memref<!tpu.dma_semaphore, #tpu.memory_space<semaphore_mem>>) src(%dma_wait3A_81 : memref<250000x128xf32, #tpu.memory_space<hbm>>) dst(%arg9 : memref<256x128xf32, #tpu.memory_space<vmem>>)
      %gt3A_82 = arith.constant 0 : i32
      %gt3A_83 = arith.cmpi sgt, %scan3A_35, %gt3A_82 : i32
      %convert_element_type3A_84 = arith.extui %gt3A_83 : i1 to i32
      %cond3A_85 = arith.constant 0 : i32
      %cond3A_86 = arith.cmpi ne, %convert_element_type3A_84, %cond3A_85 : i32
      scf.if %cond3A_86 {
        %sub3A = arith.constant 1 : i32
        %sub3A_101 = arith.subi %scan3A_35, %sub3A : i32
        %add3A_102 = arith.constant 256 : i32
        %add3A_103 = arith.addi %mul3A_2, %add3A_102 : i32
        %dma_wait3A_104 = arith.constant 0 : i32
        %dma_wait3A_105 = tpu.memref_slice %arg4[%sub3A_101, %dma_wait3A_104, %add3A_103] : memref<20x32x16384xf32, #tpu.memory_space<hbm>> -> memref<1x32x256xf32, #tpu.memory_space<hbm>>
        %dma_wait3A_106 = tpu.memref_squeeze %dma_wait3A_105 : memref<1x32x256xf32, #tpu.memory_space<hbm>> -> memref<32x256xf32, #tpu.memory_space<hbm>>
        %dma_wait3A_107 = arith.constant 0 : i32
        %dma_wait3A_108 = tpu.memref_slice %arg4[%sub3A_101, %dma_wait3A_107, %add3A_103] : memref<20x32x16384xf32, #tpu.memory_space<hbm>> -> memref<1x32x256xf32, #tpu.memory_space<hbm>>
        %dma_wait3A_109 = tpu.memref_squeeze %dma_wait3A_108 : memref<1x32x256xf32, #tpu.memory_space<hbm>> -> memref<32x256xf32, #tpu.memory_space<hbm>>
        tpu.wait_dma2 semaphore(%arg15 : memref<!tpu.dma_semaphore, #tpu.memory_space<semaphore_mem>>) src(%arg11 : memref<32x256xf32, #tpu.memory_space<vmem>>) dst(%dma_wait3A_109 : memref<32x256xf32, #tpu.memory_space<hbm>>)
      } else {
      }
      %scan3A_87 = arith.constant 0 : i32
      %scan3A_88 = arith.constant 0 : i32
      %scan3A_89 = arith.constant 16 : i32
      %scan3A_90 = arith.addi %scan3A_88, %scan3A_89 : i32
      %scan3A_91 = arith.constant 1 : i32
      scf.for %scan3A_101 = %scan3A_88 to %scan3A_90 step %scan3A_91  : i32 {
        %mul3A_102 = arith.constant 16 : i32
        %mul3A_103 = arith.muli %scan3A_101, %mul3A_102 : i32
        %add3A_104 = vector.broadcast %mul3A_103 : i32 to vector<16xi32>
        %add3A_105 = arith.addi %add3A_104, %iota3A : vector<16xi32>
        %mul3A_106 = arith.constant 16 : i32
        %mul3A_107 = arith.muli %scan3A_101, %mul3A_106 : i32
        %add3A_108 = arith.constant 256 : i32
        %add3A_109 = arith.addi %add3A_108, %mul3A_107 : i32
        %get3A = arith.index_cast %scan3A_35 : i32 to index
        %get3A_110 = arith.index_cast %add3A_109 : i32 to index
        %get3A_111 = tpu.vector_load %arg7[%get3A, %get3A_110] {strides = array<i32>} : memref<20x512xi32, #tpu.memory_space<vmem>>, vector<16xi32>,
        %add3A_112 = arith.constant 0 : i32
        %add3A_113 = vector.broadcast %add3A_112 : i32 to vector<16xi32>
        %add3A_114 = arith.addi %add3A_113, %iota3A : vector<16xi32>
        %and3A = arith.constant 31 : i32
        %and3A_115 = vector.broadcast %and3A : i32 to vector<16xi32>
        %and3A_116 = arith.andi %add3A_114, %and3A_115 : vector<16xi32>
        %add3A_117 = arith.addi %get3A_111, %and3A_116 : vector<16xi32>
        %gather3A = tpu.vector_load_idx %arg9[%add3A_105, %add3A_117] : memref<256x128xf32, #tpu.memory_space<vmem>>[vector<16xi32>, vector<16xi32>], vector<16xf32>,
        tpu.vector_store_idx %arg11[%and3A_116, %add3A_105], %gather3A : memref<32x256xf32, #tpu.memory_space<vmem>>[vector<16xi32>, vector<16xi32>], vector<16xf32>,
        %add3A_118 = arith.constant 1 : i32
        %add3A_119 = vector.broadcast %add3A_118 : i32 to vector<16xi32>
        %add3A_120 = arith.addi %add3A_119, %iota3A : vector<16xi32>
        %and3A_121 = arith.constant 31 : i32
        %and3A_122 = vector.broadcast %and3A_121 : i32 to vector<16xi32>
        %and3A_123 = arith.andi %add3A_120, %and3A_122 : vector<16xi32>
        %add3A_124 = arith.addi %get3A_111, %and3A_123 : vector<16xi32>
        %gather3A_125 = tpu.vector_load_idx %arg9[%add3A_105, %add3A_124] : memref<256x128xf32, #tpu.memory_space<vmem>>[vector<16xi32>, vector<16xi32>], vector<16xf32>,
        tpu.vector_store_idx %arg11[%and3A_123, %add3A_105], %gather3A_125 : memref<32x256xf32, #tpu.memory_space<vmem>>[vector<16xi32>, vector<16xi32>], vector<16xf32>,
        %add3A_126 = arith.constant 2 : i32
        %add3A_127 = vector.broadcast %add3A_126 : i32 to vector<16xi32>
        %add3A_128 = arith.addi %add3A_127, %iota3A : vector<16xi32>
        %and3A_129 = arith.constant 31 : i32
        %and3A_130 = vector.broadcast %and3A_129 : i32 to vector<16xi32>
        %and3A_131 = arith.andi %add3A_128, %and3A_130 : vector<16xi32>
        %add3A_132 = arith.addi %get3A_111, %and3A_131 : vector<16xi32>
        %gather3A_133 = tpu.vector_load_idx %arg9[%add3A_105, %add3A_132] : memref<256x128xf32, #tpu.memory_space<vmem>>[vector<16xi32>, vector<16xi32>], vector<16xf32>,
        tpu.vector_store_idx %arg11[%and3A_131, %add3A_105], %gather3A_133 : memref<32x256xf32, #tpu.memory_space<vmem>>[vector<16xi32>, vector<16xi32>], vector<16xf32>,
        %add3A_134 = arith.constant 3 : i32
        %add3A_135 = vector.broadcast %add3A_134 : i32 to vector<16xi32>
        %add3A_136 = arith.addi %add3A_135, %iota3A : vector<16xi32>
        %and3A_137 = arith.constant 31 : i32
        %and3A_138 = vector.broadcast %and3A_137 : i32 to vector<16xi32>
        %and3A_139 = arith.andi %add3A_136, %and3A_138 : vector<16xi32>
        %add3A_140 = arith.addi %get3A_111, %and3A_139 : vector<16xi32>
        %gather3A_141 = tpu.vector_load_idx %arg9[%add3A_105, %add3A_140] : memref<256x128xf32, #tpu.memory_space<vmem>>[vector<16xi32>, vector<16xi32>], vector<16xf32>,
        tpu.vector_store_idx %arg11[%and3A_139, %add3A_105], %gather3A_141 : memref<32x256xf32, #tpu.memory_space<vmem>>[vector<16xi32>, vector<16xi32>], vector<16xf32>,
        %add3A_142 = arith.constant 4 : i32
        %add3A_143 = vector.broadcast %add3A_142 : i32 to vector<16xi32>
        %add3A_144 = arith.addi %add3A_143, %iota3A : vector<16xi32>
        %and3A_145 = arith.constant 31 : i32
        %and3A_146 = vector.broadcast %and3A_145 : i32 to vector<16xi32>
        %and3A_147 = arith.andi %add3A_144, %and3A_146 : vector<16xi32>
        %add3A_148 = arith.addi %get3A_111, %and3A_147 : vector<16xi32>
        %gather3A_149 = tpu.vector_load_idx %arg9[%add3A_105, %add3A_148] : memref<256x128xf32, #tpu.memory_space<vmem>>[vector<16xi32>, vector<16xi32>], vector<16xf32>,
        tpu.vector_store_idx %arg11[%and3A_147, %add3A_105], %gather3A_149 : memref<32x256xf32, #tpu.memory_space<vmem>>[vector<16xi32>, vector<16xi32>], vector<16xf32>,
        %add3A_150 = arith.constant 5 : i32
        %add3A_151 = vector.broadcast %add3A_150 : i32 to vector<16xi32>
        %add3A_152 = arith.addi %add3A_151, %iota3A : vector<16xi32>
        %and3A_153 = arith.constant 31 : i32
        %and3A_154 = vector.broadcast %and3A_153 : i32 to vector<16xi32>
        %and3A_155 = arith.andi %add3A_152, %and3A_154 : vector<16xi32>
        %add3A_156 = arith.addi %get3A_111, %and3A_155 : vector<16xi32>
        %gather3A_157 = tpu.vector_load_idx %arg9[%add3A_105, %add3A_156] : memref<256x128xf32, #tpu.memory_space<vmem>>[vector<16xi32>, vector<16xi32>], vector<16xf32>,
        tpu.vector_store_idx %arg11[%and3A_155, %add3A_105], %gather3A_157 : memref<32x256xf32, #tpu.memory_space<vmem>>[vector<16xi32>, vector<16xi32>], vector<16xf32>,
        %add3A_158 = arith.constant 6 : i32
        %add3A_159 = vector.broadcast %add3A_158 : i32 to vector<16xi32>
        %add3A_160 = arith.addi %add3A_159, %iota3A : vector<16xi32>
        %and3A_161 = arith.constant 31 : i32
        %and3A_162 = vector.broadcast %and3A_161 : i32 to vector<16xi32>
        %and3A_163 = arith.andi %add3A_160, %and3A_162 : vector<16xi32>
        %add3A_164 = arith.addi %get3A_111, %and3A_163 : vector<16xi32>
        %gather3A_165 = tpu.vector_load_idx %arg9[%add3A_105, %add3A_164] : memref<256x128xf32, #tpu.memory_space<vmem>>[vector<16xi32>, vector<16xi32>], vector<16xf32>,
        tpu.vector_store_idx %arg11[%and3A_163, %add3A_105], %gather3A_165 : memref<32x256xf32, #tpu.memory_space<vmem>>[vector<16xi32>, vector<16xi32>], vector<16xf32>,
        %add3A_166 = arith.constant 7 : i32
        %add3A_167 = vector.broadcast %add3A_166 : i32 to vector<16xi32>
        %add3A_168 = arith.addi %add3A_167, %iota3A : vector<16xi32>
        %and3A_169 = arith.constant 31 : i32
        %and3A_170 = vector.broadcast %and3A_169 : i32 to vector<16xi32>
        %and3A_171 = arith.andi %add3A_168, %and3A_170 : vector<16xi32>
        %add3A_172 = arith.addi %get3A_111, %and3A_171 : vector<16xi32>
        %gather3A_173 = tpu.vector_load_idx %arg9[%add3A_105, %add3A_172] : memref<256x128xf32, #tpu.memory_space<vmem>>[vector<16xi32>, vector<16xi32>], vector<16xf32>,
        tpu.vector_store_idx %arg11[%and3A_171, %add3A_105], %gather3A_173 : memref<32x256xf32, #tpu.memory_space<vmem>>[vector<16xi32>, vector<16xi32>], vector<16xf32>,
        %add3A_174 = arith.constant 8 : i32
        %add3A_175 = vector.broadcast %add3A_174 : i32 to vector<16xi32>
        %add3A_176 = arith.addi %add3A_175, %iota3A : vector<16xi32>
        %and3A_177 = arith.constant 31 : i32
        %and3A_178 = vector.broadcast %and3A_177 : i32 to vector<16xi32>
        %and3A_179 = arith.andi %add3A_176, %and3A_178 : vector<16xi32>
        %add3A_180 = arith.addi %get3A_111, %and3A_179 : vector<16xi32>
        %gather3A_181 = tpu.vector_load_idx %arg9[%add3A_105, %add3A_180] : memref<256x128xf32, #tpu.memory_space<vmem>>[vector<16xi32>, vector<16xi32>], vector<16xf32>,
        tpu.vector_store_idx %arg11[%and3A_179, %add3A_105], %gather3A_181 : memref<32x256xf32, #tpu.memory_space<vmem>>[vector<16xi32>, vector<16xi32>], vector<16xf32>,
        %add3A_182 = arith.constant 9 : i32
        %add3A_183 = vector.broadcast %add3A_182 : i32 to vector<16xi32>
        %add3A_184 = arith.addi %add3A_183, %iota3A : vector<16xi32>
        %and3A_185 = arith.constant 31 : i32
        %and3A_186 = vector.broadcast %and3A_185 : i32 to vector<16xi32>
        %and3A_187 = arith.andi %add3A_184, %and3A_186 : vector<16xi32>
        %add3A_188 = arith.addi %get3A_111, %and3A_187 : vector<16xi32>
        %gather3A_189 = tpu.vector_load_idx %arg9[%add3A_105, %add3A_188] : memref<256x128xf32, #tpu.memory_space<vmem>>[vector<16xi32>, vector<16xi32>], vector<16xf32>,
        tpu.vector_store_idx %arg11[%and3A_187, %add3A_105], %gather3A_189 : memref<32x256xf32, #tpu.memory_space<vmem>>[vector<16xi32>, vector<16xi32>], vector<16xf32>,
        %add3A_190 = arith.constant 10 : i32
        %add3A_191 = vector.broadcast %add3A_190 : i32 to vector<16xi32>
        %add3A_192 = arith.addi %add3A_191, %iota3A : vector<16xi32>
        %and3A_193 = arith.constant 31 : i32
        %and3A_194 = vector.broadcast %and3A_193 : i32 to vector<16xi32>
        %and3A_195 = arith.andi %add3A_192, %and3A_194 : vector<16xi32>
        %add3A_196 = arith.addi %get3A_111, %and3A_195 : vector<16xi32>
        %gather3A_197 = tpu.vector_load_idx %arg9[%add3A_105, %add3A_196] : memref<256x128xf32, #tpu.memory_space<vmem>>[vector<16xi32>, vector<16xi32>], vector<16xf32>,
        tpu.vector_store_idx %arg11[%and3A_195, %add3A_105], %gather3A_197 : memref<32x256xf32, #tpu.memory_space<vmem>>[vector<16xi32>, vector<16xi32>], vector<16xf32>,
        %add3A_198 = arith.constant 11 : i32
        %add3A_199 = vector.broadcast %add3A_198 : i32 to vector<16xi32>
        %add3A_200 = arith.addi %add3A_199, %iota3A : vector<16xi32>
        %and3A_201 = arith.constant 31 : i32
        %and3A_202 = vector.broadcast %and3A_201 : i32 to vector<16xi32>
        %and3A_203 = arith.andi %add3A_200, %and3A_202 : vector<16xi32>
        %add3A_204 = arith.addi %get3A_111, %and3A_203 : vector<16xi32>
        %gather3A_205 = tpu.vector_load_idx %arg9[%add3A_105, %add3A_204] : memref<256x128xf32, #tpu.memory_space<vmem>>[vector<16xi32>, vector<16xi32>], vector<16xf32>,
        tpu.vector_store_idx %arg11[%and3A_203, %add3A_105], %gather3A_205 : memref<32x256xf32, #tpu.memory_space<vmem>>[vector<16xi32>, vector<16xi32>], vector<16xf32>,
        %add3A_206 = arith.constant 12 : i32
        %add3A_207 = vector.broadcast %add3A_206 : i32 to vector<16xi32>
        %add3A_208 = arith.addi %add3A_207, %iota3A : vector<16xi32>
        %and3A_209 = arith.constant 31 : i32
        %and3A_210 = vector.broadcast %and3A_209 : i32 to vector<16xi32>
        %and3A_211 = arith.andi %add3A_208, %and3A_210 : vector<16xi32>
        %add3A_212 = arith.addi %get3A_111, %and3A_211 : vector<16xi32>
        %gather3A_213 = tpu.vector_load_idx %arg9[%add3A_105, %add3A_212] : memref<256x128xf32, #tpu.memory_space<vmem>>[vector<16xi32>, vector<16xi32>], vector<16xf32>,
        tpu.vector_store_idx %arg11[%and3A_211, %add3A_105], %gather3A_213 : memref<32x256xf32, #tpu.memory_space<vmem>>[vector<16xi32>, vector<16xi32>], vector<16xf32>,
        %add3A_214 = arith.constant 13 : i32
        %add3A_215 = vector.broadcast %add3A_214 : i32 to vector<16xi32>
        %add3A_216 = arith.addi %add3A_215, %iota3A : vector<16xi32>
        %and3A_217 = arith.constant 31 : i32
        %and3A_218 = vector.broadcast %and3A_217 : i32 to vector<16xi32>
        %and3A_219 = arith.andi %add3A_216, %and3A_218 : vector<16xi32>
        %add3A_220 = arith.addi %get3A_111, %and3A_219 : vector<16xi32>
        %gather3A_221 = tpu.vector_load_idx %arg9[%add3A_105, %add3A_220] : memref<256x128xf32, #tpu.memory_space<vmem>>[vector<16xi32>, vector<16xi32>], vector<16xf32>,
        tpu.vector_store_idx %arg11[%and3A_219, %add3A_105], %gather3A_221 : memref<32x256xf32, #tpu.memory_space<vmem>>[vector<16xi32>, vector<16xi32>], vector<16xf32>,
        %add3A_222 = arith.constant 14 : i32
        %add3A_223 = vector.broadcast %add3A_222 : i32 to vector<16xi32>
        %add3A_224 = arith.addi %add3A_223, %iota3A : vector<16xi32>
        %and3A_225 = arith.constant 31 : i32
        %and3A_226 = vector.broadcast %and3A_225 : i32 to vector<16xi32>
        %and3A_227 = arith.andi %add3A_224, %and3A_226 : vector<16xi32>
        %add3A_228 = arith.addi %get3A_111, %and3A_227 : vector<16xi32>
        %gather3A_229 = tpu.vector_load_idx %arg9[%add3A_105, %add3A_228] : memref<256x128xf32, #tpu.memory_space<vmem>>[vector<16xi32>, vector<16xi32>], vector<16xf32>,
        tpu.vector_store_idx %arg11[%and3A_227, %add3A_105], %gather3A_229 : memref<32x256xf32, #tpu.memory_space<vmem>>[vector<16xi32>, vector<16xi32>], vector<16xf32>,
        %add3A_230 = arith.constant 15 : i32
        %add3A_231 = vector.broadcast %add3A_230 : i32 to vector<16xi32>
        %add3A_232 = arith.addi %add3A_231, %iota3A : vector<16xi32>
        %and3A_233 = arith.constant 31 : i32
        %and3A_234 = vector.broadcast %and3A_233 : i32 to vector<16xi32>
        %and3A_235 = arith.andi %add3A_232, %and3A_234 : vector<16xi32>
        %add3A_236 = arith.addi %get3A_111, %and3A_235 : vector<16xi32>
        %gather3A_237 = tpu.vector_load_idx %arg9[%add3A_105, %add3A_236] : memref<256x128xf32, #tpu.memory_space<vmem>>[vector<16xi32>, vector<16xi32>], vector<16xf32>,
        tpu.vector_store_idx %arg11[%and3A_235, %add3A_105], %gather3A_237 : memref<32x256xf32, #tpu.memory_space<vmem>>[vector<16xi32>, vector<16xi32>], vector<16xf32>,
        %add3A_238 = arith.constant 16 : i32
        %add3A_239 = vector.broadcast %add3A_238 : i32 to vector<16xi32>
        %add3A_240 = arith.addi %add3A_239, %iota3A : vector<16xi32>
        %and3A_241 = arith.constant 31 : i32
        %and3A_242 = vector.broadcast %and3A_241 : i32 to vector<16xi32>
        %and3A_243 = arith.andi %add3A_240, %and3A_242 : vector<16xi32>
        %add3A_244 = arith.addi %get3A_111, %and3A_243 : vector<16xi32>
        %gather3A_245 = tpu.vector_load_idx %arg9[%add3A_105, %add3A_244] : memref<256x128xf32, #tpu.memory_space<vmem>>[vector<16xi32>, vector<16xi32>], vector<16xf32>,
        tpu.vector_store_idx %arg11[%and3A_243, %add3A_105], %gather3A_245 : memref<32x256xf32, #tpu.memory_space<vmem>>[vector<16xi32>, vector<16xi32>], vector<16xf32>,
        %add3A_246 = arith.constant 17 : i32
        %add3A_247 = vector.broadcast %add3A_246 : i32 to vector<16xi32>
        %add3A_248 = arith.addi %add3A_247, %iota3A : vector<16xi32>
        %and3A_249 = arith.constant 31 : i32
        %and3A_250 = vector.broadcast %and3A_249 : i32 to vector<16xi32>
        %and3A_251 = arith.andi %add3A_248, %and3A_250 : vector<16xi32>
        %add3A_252 = arith.addi %get3A_111, %and3A_251 : vector<16xi32>
        %gather3A_253 = tpu.vector_load_idx %arg9[%add3A_105, %add3A_252] : memref<256x128xf32, #tpu.memory_space<vmem>>[vector<16xi32>, vector<16xi32>], vector<16xf32>,
        tpu.vector_store_idx %arg11[%and3A_251, %add3A_105], %gather3A_253 : memref<32x256xf32, #tpu.memory_space<vmem>>[vector<16xi32>, vector<16xi32>], vector<16xf32>,
        %add3A_254 = arith.constant 18 : i32
        %add3A_255 = vector.broadcast %add3A_254 : i32 to vector<16xi32>
        %add3A_256 = arith.addi %add3A_255, %iota3A : vector<16xi32>
        %and3A_257 = arith.constant 31 : i32
        %and3A_258 = vector.broadcast %and3A_257 : i32 to vector<16xi32>
        %and3A_259 = arith.andi %add3A_256, %and3A_258 : vector<16xi32>
        %add3A_260 = arith.addi %get3A_111, %and3A_259 : vector<16xi32>
        %gather3A_261 = tpu.vector_load_idx %arg9[%add3A_105, %add3A_260] : memref<256x128xf32, #tpu.memory_space<vmem>>[vector<16xi32>, vector<16xi32>], vector<16xf32>,
        tpu.vector_store_idx %arg11[%and3A_259, %add3A_105], %gather3A_261 : memref<32x256xf32, #tpu.memory_space<vmem>>[vector<16xi32>, vector<16xi32>], vector<16xf32>,
        %add3A_262 = arith.constant 19 : i32
        %add3A_263 = vector.broadcast %add3A_262 : i32 to vector<16xi32>
        %add3A_264 = arith.addi %add3A_263, %iota3A : vector<16xi32>
        %and3A_265 = arith.constant 31 : i32
        %and3A_266 = vector.broadcast %and3A_265 : i32 to vector<16xi32>
        %and3A_267 = arith.andi %add3A_264, %and3A_266 : vector<16xi32>
        %add3A_268 = arith.addi %get3A_111, %and3A_267 : vector<16xi32>
        %gather3A_269 = tpu.vector_load_idx %arg9[%add3A_105, %add3A_268] : memref<256x128xf32, #tpu.memory_space<vmem>>[vector<16xi32>, vector<16xi32>], vector<16xf32>,
        tpu.vector_store_idx %arg11[%and3A_267, %add3A_105], %gather3A_269 : memref<32x256xf32, #tpu.memory_space<vmem>>[vector<16xi32>, vector<16xi32>], vector<16xf32>,
        %add3A_270 = arith.constant 20 : i32
        %add3A_271 = vector.broadcast %add3A_270 : i32 to vector<16xi32>
        %add3A_272 = arith.addi %add3A_271, %iota3A : vector<16xi32>
        %and3A_273 = arith.constant 31 : i32
        %and3A_274 = vector.broadcast %and3A_273 : i32 to vector<16xi32>
        %and3A_275 = arith.andi %add3A_272, %and3A_274 : vector<16xi32>
        %add3A_276 = arith.addi %get3A_111, %and3A_275 : vector<16xi32>
        %gather3A_277 = tpu.vector_load_idx %arg9[%add3A_105, %add3A_276] : memref<256x128xf32, #tpu.memory_space<vmem>>[vector<16xi32>, vector<16xi32>], vector<16xf32>,
        tpu.vector_store_idx %arg11[%and3A_275, %add3A_105], %gather3A_277 : memref<32x256xf32, #tpu.memory_space<vmem>>[vector<16xi32>, vector<16xi32>], vector<16xf32>,
        %add3A_278 = arith.constant 21 : i32
        %add3A_279 = vector.broadcast %add3A_278 : i32 to vector<16xi32>
        %add3A_280 = arith.addi %add3A_279, %iota3A : vector<16xi32>
        %and3A_281 = arith.constant 31 : i32
        %and3A_282 = vector.broadcast %and3A_281 : i32 to vector<16xi32>
        %and3A_283 = arith.andi %add3A_280, %and3A_282 : vector<16xi32>
        %add3A_284 = arith.addi %get3A_111, %and3A_283 : vector<16xi32>
        %gather3A_285 = tpu.vector_load_idx %arg9[%add3A_105, %add3A_284] : memref<256x128xf32, #tpu.memory_space<vmem>>[vector<16xi32>, vector<16xi32>], vector<16xf32>,
        tpu.vector_store_idx %arg11[%and3A_283, %add3A_105], %gather3A_285 : memref<32x256xf32, #tpu.memory_space<vmem>>[vector<16xi32>, vector<16xi32>], vector<16xf32>,
        %add3A_286 = arith.constant 22 : i32
        %add3A_287 = vector.broadcast %add3A_286 : i32 to vector<16xi32>
        %add3A_288 = arith.addi %add3A_287, %iota3A : vector<16xi32>
        %and3A_289 = arith.constant 31 : i32
        %and3A_290 = vector.broadcast %and3A_289 : i32 to vector<16xi32>
        %and3A_291 = arith.andi %add3A_288, %and3A_290 : vector<16xi32>
        %add3A_292 = arith.addi %get3A_111, %and3A_291 : vector<16xi32>
        %gather3A_293 = tpu.vector_load_idx %arg9[%add3A_105, %add3A_292] : memref<256x128xf32, #tpu.memory_space<vmem>>[vector<16xi32>, vector<16xi32>], vector<16xf32>,
        tpu.vector_store_idx %arg11[%and3A_291, %add3A_105], %gather3A_293 : memref<32x256xf32, #tpu.memory_space<vmem>>[vector<16xi32>, vector<16xi32>], vector<16xf32>,
        %add3A_294 = arith.constant 23 : i32
        %add3A_295 = vector.broadcast %add3A_294 : i32 to vector<16xi32>
        %add3A_296 = arith.addi %add3A_295, %iota3A : vector<16xi32>
        %and3A_297 = arith.constant 31 : i32
        %and3A_298 = vector.broadcast %and3A_297 : i32 to vector<16xi32>
        %and3A_299 = arith.andi %add3A_296, %and3A_298 : vector<16xi32>
        %add3A_300 = arith.addi %get3A_111, %and3A_299 : vector<16xi32>
        %gather3A_301 = tpu.vector_load_idx %arg9[%add3A_105, %add3A_300] : memref<256x128xf32, #tpu.memory_space<vmem>>[vector<16xi32>, vector<16xi32>], vector<16xf32>,
        tpu.vector_store_idx %arg11[%and3A_299, %add3A_105], %gather3A_301 : memref<32x256xf32, #tpu.memory_space<vmem>>[vector<16xi32>, vector<16xi32>], vector<16xf32>,
        %add3A_302 = arith.constant 24 : i32
        %add3A_303 = vector.broadcast %add3A_302 : i32 to vector<16xi32>
        %add3A_304 = arith.addi %add3A_303, %iota3A : vector<16xi32>
        %and3A_305 = arith.constant 31 : i32
        %and3A_306 = vector.broadcast %and3A_305 : i32 to vector<16xi32>
        %and3A_307 = arith.andi %add3A_304, %and3A_306 : vector<16xi32>
        %add3A_308 = arith.addi %get3A_111, %and3A_307 : vector<16xi32>
        %gather3A_309 = tpu.vector_load_idx %arg9[%add3A_105, %add3A_308] : memref<256x128xf32, #tpu.memory_space<vmem>>[vector<16xi32>, vector<16xi32>], vector<16xf32>,
        tpu.vector_store_idx %arg11[%and3A_307, %add3A_105], %gather3A_309 : memref<32x256xf32, #tpu.memory_space<vmem>>[vector<16xi32>, vector<16xi32>], vector<16xf32>,
        %add3A_310 = arith.constant 25 : i32
        %add3A_311 = vector.broadcast %add3A_310 : i32 to vector<16xi32>
        %add3A_312 = arith.addi %add3A_311, %iota3A : vector<16xi32>
        %and3A_313 = arith.constant 31 : i32
        %and3A_314 = vector.broadcast %and3A_313 : i32 to vector<16xi32>
        %and3A_315 = arith.andi %add3A_312, %and3A_314 : vector<16xi32>
        %add3A_316 = arith.addi %get3A_111, %and3A_315 : vector<16xi32>
        %gather3A_317 = tpu.vector_load_idx %arg9[%add3A_105, %add3A_316] : memref<256x128xf32, #tpu.memory_space<vmem>>[vector<16xi32>, vector<16xi32>], vector<16xf32>,
        tpu.vector_store_idx %arg11[%and3A_315, %add3A_105], %gather3A_317 : memref<32x256xf32, #tpu.memory_space<vmem>>[vector<16xi32>, vector<16xi32>], vector<16xf32>,
        %add3A_318 = arith.constant 26 : i32
        %add3A_319 = vector.broadcast %add3A_318 : i32 to vector<16xi32>
        %add3A_320 = arith.addi %add3A_319, %iota3A : vector<16xi32>
        %and3A_321 = arith.constant 31 : i32
        %and3A_322 = vector.broadcast %and3A_321 : i32 to vector<16xi32>
        %and3A_323 = arith.andi %add3A_320, %and3A_322 : vector<16xi32>
        %add3A_324 = arith.addi %get3A_111, %and3A_323 : vector<16xi32>
        %gather3A_325 = tpu.vector_load_idx %arg9[%add3A_105, %add3A_324] : memref<256x128xf32, #tpu.memory_space<vmem>>[vector<16xi32>, vector<16xi32>], vector<16xf32>,
        tpu.vector_store_idx %arg11[%and3A_323, %add3A_105], %gather3A_325 : memref<32x256xf32, #tpu.memory_space<vmem>>[vector<16xi32>, vector<16xi32>], vector<16xf32>,
        %add3A_326 = arith.constant 27 : i32
        %add3A_327 = vector.broadcast %add3A_326 : i32 to vector<16xi32>
        %add3A_328 = arith.addi %add3A_327, %iota3A : vector<16xi32>
        %and3A_329 = arith.constant 31 : i32
        %and3A_330 = vector.broadcast %and3A_329 : i32 to vector<16xi32>
        %and3A_331 = arith.andi %add3A_328, %and3A_330 : vector<16xi32>
        %add3A_332 = arith.addi %get3A_111, %and3A_331 : vector<16xi32>
        %gather3A_333 = tpu.vector_load_idx %arg9[%add3A_105, %add3A_332] : memref<256x128xf32, #tpu.memory_space<vmem>>[vector<16xi32>, vector<16xi32>], vector<16xf32>,
        tpu.vector_store_idx %arg11[%and3A_331, %add3A_105], %gather3A_333 : memref<32x256xf32, #tpu.memory_space<vmem>>[vector<16xi32>, vector<16xi32>], vector<16xf32>,
        %add3A_334 = arith.constant 28 : i32
        %add3A_335 = vector.broadcast %add3A_334 : i32 to vector<16xi32>
        %add3A_336 = arith.addi %add3A_335, %iota3A : vector<16xi32>
        %and3A_337 = arith.constant 31 : i32
        %and3A_338 = vector.broadcast %and3A_337 : i32 to vector<16xi32>
        %and3A_339 = arith.andi %add3A_336, %and3A_338 : vector<16xi32>
        %add3A_340 = arith.addi %get3A_111, %and3A_339 : vector<16xi32>
        %gather3A_341 = tpu.vector_load_idx %arg9[%add3A_105, %add3A_340] : memref<256x128xf32, #tpu.memory_space<vmem>>[vector<16xi32>, vector<16xi32>], vector<16xf32>,
        tpu.vector_store_idx %arg11[%and3A_339, %add3A_105], %gather3A_341 : memref<32x256xf32, #tpu.memory_space<vmem>>[vector<16xi32>, vector<16xi32>], vector<16xf32>,
        %add3A_342 = arith.constant 29 : i32
        %add3A_343 = vector.broadcast %add3A_342 : i32 to vector<16xi32>
        %add3A_344 = arith.addi %add3A_343, %iota3A : vector<16xi32>
        %and3A_345 = arith.constant 31 : i32
        %and3A_346 = vector.broadcast %and3A_345 : i32 to vector<16xi32>
        %and3A_347 = arith.andi %add3A_344, %and3A_346 : vector<16xi32>
        %add3A_348 = arith.addi %get3A_111, %and3A_347 : vector<16xi32>
        %gather3A_349 = tpu.vector_load_idx %arg9[%add3A_105, %add3A_348] : memref<256x128xf32, #tpu.memory_space<vmem>>[vector<16xi32>, vector<16xi32>], vector<16xf32>,
        tpu.vector_store_idx %arg11[%and3A_347, %add3A_105], %gather3A_349 : memref<32x256xf32, #tpu.memory_space<vmem>>[vector<16xi32>, vector<16xi32>], vector<16xf32>,
        %add3A_350 = arith.constant 30 : i32
        %add3A_351 = vector.broadcast %add3A_350 : i32 to vector<16xi32>
        %add3A_352 = arith.addi %add3A_351, %iota3A : vector<16xi32>
        %and3A_353 = arith.constant 31 : i32
        %and3A_354 = vector.broadcast %and3A_353 : i32 to vector<16xi32>
        %and3A_355 = arith.andi %add3A_352, %and3A_354 : vector<16xi32>
        %add3A_356 = arith.addi %get3A_111, %and3A_355 : vector<16xi32>
        %gather3A_357 = tpu.vector_load_idx %arg9[%add3A_105, %add3A_356] : memref<256x128xf32, #tpu.memory_space<vmem>>[vector<16xi32>, vector<16xi32>], vector<16xf32>,
        tpu.vector_store_idx %arg11[%and3A_355, %add3A_105], %gather3A_357 : memref<32x256xf32, #tpu.memory_space<vmem>>[vector<16xi32>, vector<16xi32>], vector<16xf32>,
        %add3A_358 = arith.constant 31 : i32
        %add3A_359 = vector.broadcast %add3A_358 : i32 to vector<16xi32>
        %add3A_360 = arith.addi %add3A_359, %iota3A : vector<16xi32>
        %and3A_361 = arith.constant 31 : i32
        %and3A_362 = vector.broadcast %and3A_361 : i32 to vector<16xi32>
        %and3A_363 = arith.andi %add3A_360, %and3A_362 : vector<16xi32>
        %add3A_364 = arith.addi %get3A_111, %and3A_363 : vector<16xi32>
        %gather3A_365 = tpu.vector_load_idx %arg9[%add3A_105, %add3A_364] : memref<256x128xf32, #tpu.memory_space<vmem>>[vector<16xi32>, vector<16xi32>], vector<16xf32>,
        tpu.vector_store_idx %arg11[%and3A_363, %add3A_105], %gather3A_365 : memref<32x256xf32, #tpu.memory_space<vmem>>[vector<16xi32>, vector<16xi32>], vector<16xf32>,
      }
      %scan3A_92 = arith.constant 16 : i32
      %add3A_93 = arith.constant 256 : i32
      %add3A_94 = arith.addi %mul3A_2, %add3A_93 : i32
      %dma_start3A_95 = arith.constant 0 : i32
      %dma_start3A_96 = tpu.memref_slice %arg4[%scan3A_35, %dma_start3A_95, %add3A_94] : memref<20x32x16384xf32, #tpu.memory_space<hbm>> -> memref<1x32x256xf32, #tpu.memory_space<hbm>>
      %dma_start3A_97 = tpu.memref_squeeze %dma_start3A_96 : memref<1x32x256xf32, #tpu.memory_space<hbm>> -> memref<32x256xf32, #tpu.memory_space<hbm>>
      %dma_start3A_98 = arith.constant 0 : i32
      %dma_start3A_99 = tpu.memref_slice %arg4[%scan3A_35, %dma_start3A_98, %add3A_94] : memref<20x32x16384xf32, #tpu.memory_space<hbm>> -> memref<1x32x256xf32, #tpu.memory_space<hbm>>
      %dma_start3A_100 = tpu.memref_squeeze %dma_start3A_99 : memref<1x32x256xf32, #tpu.memory_space<hbm>> -> memref<32x256xf32, #tpu.memory_space<hbm>>
      tpu.enqueue_dma source(%arg11 : memref<32x256xf32, #tpu.memory_space<vmem>>) target(%dma_start3A_100 : memref<32x256xf32, #tpu.memory_space<hbm>>) target_semaphore(%arg15 : memref<!tpu.dma_semaphore, #tpu.memory_space<semaphore_mem>>)
    }
    %scan3A_17 = arith.constant 20 : i32
    %add3A_18 = arith.constant 0 : i32
    %add3A_19 = arith.addi %mul3A_2, %add3A_18 : i32
    %dma_wait3A = arith.constant 19 : i32
    %dma_wait3A_20 = arith.constant 0 : i32
    %dma_wait3A_21 = tpu.memref_slice %arg4[%dma_wait3A, %dma_wait3A_20, %add3A_19] : memref<20x32x16384xf32, #tpu.memory_space<hbm>> -> memref<1x32x256xf32, #tpu.memory_space<hbm>>
    %dma_wait3A_22 = tpu.memref_squeeze %dma_wait3A_21 : memref<1x32x256xf32, #tpu.memory_space<hbm>> -> memref<32x256xf32, #tpu.memory_space<hbm>>
    %dma_wait3A_23 = arith.constant 0 : i32
    %dma_wait3A_24 = tpu.memref_slice %arg4[%dma_wait3A, %dma_wait3A_23, %add3A_19] : memref<20x32x16384xf32, #tpu.memory_space<hbm>> -> memref<1x32x256xf32, #tpu.memory_space<hbm>>
    %dma_wait3A_25 = tpu.memref_squeeze %dma_wait3A_24 : memref<1x32x256xf32, #tpu.memory_space<hbm>> -> memref<32x256xf32, #tpu.memory_space<hbm>>
    tpu.wait_dma2 semaphore(%arg14 : memref<!tpu.dma_semaphore, #tpu.memory_space<semaphore_mem>>) src(%arg10 : memref<32x256xf32, #tpu.memory_space<vmem>>) dst(%dma_wait3A_25 : memref<32x256xf32, #tpu.memory_space<hbm>>)
    %add3A_26 = arith.constant 256 : i32
    %add3A_27 = arith.addi %mul3A_2, %add3A_26 : i32
    %dma_wait3A_28 = arith.constant 19 : i32
    %dma_wait3A_29 = arith.constant 0 : i32
    %dma_wait3A_30 = tpu.memref_slice %arg4[%dma_wait3A_28, %dma_wait3A_29, %add3A_27] : memref<20x32x16384xf32, #tpu.memory_space<hbm>> -> memref<1x32x256xf32, #tpu.memory_space<hbm>>
    %dma_wait3A_31 = tpu.memref_squeeze %dma_wait3A_30 : memref<1x32x256xf32, #tpu.memory_space<hbm>> -> memref<32x256xf32, #tpu.memory_space<hbm>>
    %dma_wait3A_32 = arith.constant 0 : i32
    %dma_wait3A_33 = tpu.memref_slice %arg4[%dma_wait3A_28, %dma_wait3A_32, %add3A_27] : memref<20x32x16384xf32, #tpu.memory_space<hbm>> -> memref<1x32x256xf32, #tpu.memory_space<hbm>>
    %dma_wait3A_34 = tpu.memref_squeeze %dma_wait3A_33 : memref<1x32x256xf32, #tpu.memory_space<hbm>> -> memref<32x256xf32, #tpu.memory_space<hbm>>
    tpu.wait_dma2 semaphore(%arg15 : memref<!tpu.dma_semaphore, #tpu.memory_space<semaphore_mem>>) src(%arg11 : memref<32x256xf32, #tpu.memory_space<vmem>>) dst(%dma_wait3A_34 : memref<32x256xf32, #tpu.memory_space<hbm>>)
    return
  }
}

</mosaic_0001>

<sc_bundles>
// kernel: kernel.3.cloned.1.call-start
scs
__scs_entry_jumppad:
0x0: {  	(pc) =	sbr.rel $0x88, $3  }
0x1: {  	(tag) =	ssettag $0x0;
	lr =	simm.s32 $0x1  }
0x2: {  	[smem:$0x3F9F] =	sst lr;
	_ =	strace $0xD0000000  }
0x3: {  	_ = 	snop  }
0x4: {  	_ = 	snop  }
0x5: {  	_ = 	snop  }
0x6: {  	_ = 	snop  }
0x7: {  	_ = 	snop  }
__scs_overlays_trampoline_lowered:
0x8: {  	[smem:$0x3FAE] =	sst s0  }
0x9: {  	[smem:$0x3FAF] =	sst s1  }
0xa: {  	[smem:$0x3FB0] =	sst s2  }
0xb: {  	[smem:$0x3FB1] =	sst s3  }
0xc: {  	[smem:$0x3FB2] =	sst s4  }
0xd: {  	[smem:$0x3FB3] =	sst s5  }
0xe: {  	[smem:$0x3FB4] =	sst s6  }
0xf: {  	[smem:$0x3FB5] =	sst s7  }
0x10: {  	[smem:$0x3FB6] =	sst s8  }
0x11: {  	[smem:$0x3FB7] =	sst s9;
	s0 =	simm.s32 @!p0 $0x0  }
0x12: {  	s1 =	sld [smem:$0x3F9D];
	s0 =	simm.s32 @p0 $0x1  }
0x13: {  	[smem:$0x3FB8] =	sst s0;
	s0 =	simm.s32 @!p1 $0x0  }
0x14: {  	s2 =	sld [smem:$0x3F9C];
	s0 =	simm.s32 @p1 $0x1  }
0x15: {  	[smem:$0x3FB9] =	sst s0;
	s0 =	simm.s32 @!p2 $0x0  }
0x16: {  	s3 =	sld [smem:$0x3FDB];
	s0 =	simm.s32 @p2 $0x1  }
0x17: {  	s4 =	simm.s32 $0x1BF5;
	[smem:$0x3FBB] =	sst s0  }
0x18: {  	s0 =	sld [smem:$0x3F9E];
	_ =	swait.ge [sflag:s4], $0x0  }
0x19: {  	s7 =	sld [smem:$0x3F9F]  }
0x1a: {  	s8 =	sadd.s32 $0xFFFFE003, lr  }
0x1b: {  	s9 =	sadd.s32 $0xFFFFFEF7, lr;
	s5 =	simm.s32 $0xFFFFFFFF;
	p2 =	slt.u32 s8, $0xFFFFF086  }
0x1c: {  	p1 =	slt.u32 s9, $0xF7A;
	s5 =	simm.s32 @!p2 $0x0  }
0x1d: {  	s5 =	simm.s32 @p1 $0x1;
	p0 =	seq.s32 s7, s2  }
0x1e: {  	s7 =	smul.u32 @!p0 $0xF7A, s2;
	p2 =	seq.s32 @!p0 s5, $0x0  }
0x1f: {  	s9 =	smul.u32 $0xF7A, s1;
	s8 =	simm.s32 @!p0 $0x1BF5;
	p2 =	por !p2, p0  }
0x20: {  	[sflag:s8] =	ssyncset.s32 @!p0 $0xFFFFF086;
	s6 =	sadd.s32 @!p0 s3, s7;
	s7 =	simm.s32 @!p0 $0x108  }
0x21: {  	s3 =	sadd.s32 s3, s9;
	s6 =	sadd.s32 @!p0 $0x88, s6;
	s7 =	simm.s32 @p2 $0x1082  }
0x22: {  	[simem:s7], [sflag:s8] =	dma.local @!p0 [hbm:s6], $0xF7A  }
0x23: {  	s9 =	sor.u32 $0xD0000000, s2;
	s6 =	simm.s32 $0x108;
	_ =	swait.ge @!p0 [sflag:s8], $0x0  }
0x24: {  	s3 =	sadd.s32 $0x88, s3;
	s6 =	simm.s32 @!p1 $0x1082;
	[sflag:s4] =	ssyncset.s32 $0xFFFFF086  }
0x25: {  	[simem:s6], [sflag:s4] =	dma.local [hbm:s3], $0xF7A  }
0x26: {  	[smem:$0x3F9F] =	sst s1;
	(tag) =	ssettag s2;
	_ =	strace s9  }
0x27: {  	s1 =	sld [smem:$0x3FAF]  }
0x28: {  	s2 =	sld [smem:$0x3FB0]  }
0x29: {  	s4 =	sld [smem:$0x3FB2]  }
0x2a: {  	p0 =	seq.s32 s5, $0x0;
	s5 =	sld [smem:$0x3FB3]  }
0x2b: {  	s6 =	sld [smem:$0x3FB4]  }
0x2c: {  	s7 =	sld [smem:$0x3FB5]  }
0x2d: {  	s3 =	simm.s32 $0x108;
	s8 =	sld [smem:$0x3FB6]  }
0x2e: {  	s3 =	simm.s32 @!p0 $0x1082;
	s9 =	sld [smem:$0x3FB7]  }
0x2f: {  	lr =	sadd.s32 s0, s3;
	s0 =	sld [smem:$0x3FAE]  }
0x30: {  	s3 =	sld [smem:$0x3FB1]  }
0x31: {  	[smem:$0x3FBA] =	sst s10  }
0x32: {  	s10 =	sld [smem:$0x3FB8];
	_ =	sdelay $0x3  }
0x33: {  	p0 =	seq.s32 s10, $0x1;
	s10 =	sld [smem:$0x3FBA];
	_ =	sdelay $0x3  }
0x34: {  	[smem:$0x3FBA] =	sst s10  }
0x35: {  	s10 =	sld [smem:$0x3FB9];
	_ =	sdelay $0x3  }
0x36: {  	p1 =	seq.s32 s10, $0x1;
	s10 =	sld [smem:$0x3FBA];
	_ =	sdelay $0x3  }
0x37: {  	[smem:$0x3FBA] =	sst s10  }
0x38: {  	s10 =	sld [smem:$0x3FBB]  }
0x39: {  	_ = 	snop;
	(pc) =	sbr.ind lr, $3  }
0x3a: {  	_ = 	snop  }
0x3b: {  	_ = 	snop  }
0x3c: {  	p2 =	seq.s32 s10, $0x1;
	s10 =	sld [smem:$0x3FBA]  }
0x3d: {  	_ =	shalt  }
0x3e: {  	_ =	shalt  }
0x3f: {  	_ =	shalt  }
0x40: {  	_ =	shalt  }
0x41: {  	_ =	shalt  }
0x42: {  	_ =	shalt  }
0x43: {  	_ =	shalt  }
0x44: {  	_ =	shalt  }
0x45: {  	_ =	shalt  }
0x46: {  	_ =	shalt  }
0x47: {  	_ =	shalt  }
0x48: {  	_ =	shalt  }
0x49: {  	_ =	shalt  }
0x4a: {  	_ =	shalt  }
0x4b: {  	_ =	shalt  }
0x4c: {  	_ =	shalt  }
0x4d: {  	_ =	shalt  }
0x4e: {  	_ =	shalt  }
0x4f: {  	_ =	shalt  }
0x50: {  	_ =	shalt  }
0x51: {  	_ =	shalt  }
0x52: {  	_ =	shalt  }
0x53: {  	_ =	shalt  }
0x54: {  	_ =	shalt  }
0x55: {  	_ =	shalt  }
0x56: {  	_ =	shalt  }
0x57: {  	_ =	shalt  }
0x58: {  	_ =	shalt  }
0x59: {  	_ =	shalt  }
0x5a: {  	_ =	shalt  }
0x5b: {  	_ =	shalt  }
0x5c: {  	_ =	shalt  }
0x5d: {  	_ =	shalt  }
0x5e: {  	_ =	shalt  }
0x5f: {  	_ =	shalt  }
0x60: {  	_ =	shalt  }
0x61: {  	_ =	shalt  }
0x62: {  	_ =	shalt  }
0x63: {  	_ =	shalt  }
0x64: {  	_ =	shalt  }
0x65: {  	_ =	shalt  }
0x66: {  	_ =	shalt  }
0x67: {  	_ =	shalt  }
0x68: {  	_ =	shalt  }
0x69: {  	_ =	shalt  }
0x6a: {  	_ =	shalt  }
0x6b: {  	_ =	shalt  }
0x6c: {  	_ =	shalt  }
0x6d: {  	_ =	shalt  }
0x6e: {  	_ =	shalt  }
0x6f: {  	_ =	shalt  }
0x70: {  	_ =	shalt  }
0x71: {  	_ =	shalt  }
0x72: {  	_ =	shalt  }
0x73: {  	_ =	shalt  }
0x74: {  	_ =	shalt  }
0x75: {  	_ =	shalt  }
0x76: {  	_ =	shalt  }
0x77: {  	_ =	shalt  }
0x78: {  	_ =	shalt  }
0x79: {  	_ =	shalt  }
0x7a: {  	_ =	shalt  }
0x7b: {  	_ =	shalt  }
0x7c: {  	_ =	shalt  }
0x7d: {  	_ =	shalt  }
0x7e: {  	_ =	shalt  }
0x7f: {  	_ =	shalt  }
0x80: {  	_ =	shalt  }
0x81: {  	_ =	shalt  }
0x82: {  	_ =	shalt  }
0x83: {  	_ =	shalt  }
0x84: {  	_ =	shalt  }
0x85: {  	_ =	shalt  }
0x86: {  	_ =	shalt  }
0x87: {  	_ =	shalt  }
.Lfunc_end0:
.L_simem_size_0:
called_computation_lowered:
.L_overlay_start_0:
0x88: {  	s2 =	sld [smem:$0x3FD9]  }
0x89: {  	s3 =	sld [smem:$0x3FFE];
	_ =	sdelay $0x1  }
0x8a: {  	s1 =	srdreg.scid  }
0x8b: {  	s0 =	sand.u32 $0x1, s1  }
0x8c: {  	s17 =	sshll.u32 s0, $0xA;
	s2 =	sadd.s32 s3, s2  }
0x8d: {  	s2 =	sadd.s32 s2, s17  }
0x8e: {  	[smem:$0x3FC6] =	sst s2  }
0x8f: {  	_ = 	snop  }
0x90: {  	s2 =	sld [smem:$0x3FC9]  }
0x91: {  	s18 =	sld [smem:$0x3FD0];
	(tm) =	ssettm $0x1  }
0x92: {  	s4 =	sld [smem:$0x3FFB];
	_ =	sdelay $0x3  }
0x93: {  	_ =	strace s4  }
0x94: {  	s4 =	sld [smem:$0x3FFC];
	_ =	sdelay $0x3  }
0x95: {  	_ =	strace s4  }
0x96: {  	s4 =	sld [smem:$0x3FFD];
	_ =	sdelay $0x3  }
0x97: {  	_ =	strace s4  }
0x98: {  	_ =	strace $0x8FFFFFFF  }
0x99: {  	s19 =	sld [smem:$0x3FDB];
	_ =	sdelay $0x1  }
0x9a: {  	s5 =	simm.s32 $_scs_section_size  }
0x9b: {  	s6 =	simm.s32 $_size__tile_overlayer_lowered;
	s7 =	simm.s32 $_tile_overlayer_lowered  }
0x9c: {  	s22 =	simm.s32 $0x1BFF;
	s21 =	sshll.u32 s7, $0x1;
	s4 =	sadd.s32 s5, s19  }
0x9d: {  	s8 =	simm.s32 $0x0;
	s20 =	sshll.u32 s6, $0x1;
	s6 =	sadd.s32 s21, s4  }
0x9e: {  	[timem:s8], [sflag:s22] =	dma.local [hbm:s6], s20  }
0x9f: {  	_ =	swait.ge [sflag:s22], s20  }
0xa0: {  	s5 =	ssub.s32 $0x0, s20;
	[sflag:s22] =	ssyncset.done $0x0  }
0xa1: {  	[sflag:s22] =	ssyncadd.s32 s5;
	_ =	sdelay $0x1  }
0xa2: {  	s23 =	simm.s32 $0x1B8B  }
0xa3: {  	_ =	swait.ge [sflag:s23], $0x1  }
0xa4: {  	[sflag:s23] =	ssyncset.done $0x0  }
0xa5: {  	s25 =	simm.s32 $0x1B8E;
	s24 =	sld [smem:$0x3FFE];
	[sflag:s23] =	ssyncadd.s32 $0xFFFFFFFF  }
0xa6: {  	s26 =	simm.s32 $execute0_lowered;
	[smem:$0x3FD2] =	sst s25  }
0xa7: {  	s6 =	sshll.u32 s26, $0x1;
	_ =	strace $0x80000046;
	[dreg:$0x1] =	wrdreg $0xFFFFFFFF  }
0xa8: {  	s28 =	simm.s32 $_size_execute0_lowered;
	s4 =	sadd.s32 s4, s6;
	[dreg:$0x0] =	wrdreg $0x0  }
0xa9: {  	s6 =	sshll.u32 s28, $0x1;
	[dreg:$0x2] =	wrdreg s4  }
0xaa: {  	[dreg:$0x3] =	wrdreg s6  }
0xab: {  	[dreg:$0x4] =	wrdreg $0xC0  }
0xac: {  	_ =	task [dreg:s8], $0x5FFFF  }
0xad: {  	[dreg:$0x1] =	wrdreg $0xFFFFFFFF  }
0xae: {  	[dreg:$0x0] =	wrdreg $0x60  }
0xaf: {  	[dreg:$0x2] =	wrdreg s2  }
0xb0: {  	[dreg:$0x3] =	wrdreg s24  }
0xb1: {  	[dreg:$0x4] =	wrdreg s18  }
0xb2: {  	[dreg:$0x5] =	wrdreg $0x9  }
0xb3: {  	_ =	task.clear_ibuf [dreg:s8], $0x6FFFF;
	_ =	strace $0x90000046  }
0xb4: {  	s29 =	simm.s32 $0x9;
	_ =	strace $0x80000048  }
0xb5: {  	_ =	swait.ge [sflag:s29], $0x1  }
0xb6: {  	[sflag:s29] =	ssyncadd.s32 $0xFFFFFFFF  }
0xb7: {  	_ =	strace $0x90000048  }
0xb8: {  	_ =	sfence  }
0xb9: {  	s30 =	sld [smem:$0x0];
	_ =	sdelay $0x2  }
0xba: {  	s31 =	sshll.u32 s1, $0xD;
	s1 =	sshrl.u32 s1, $0x2  }
0xbb: {  	s3 =	sand.u32 $0x4000, s31;
	s1 =	sadd.s32 s1, s30  }
0xbc: {  	s0 =	sor.u32 s3, s0;
	s1 =	sshll.u32 s1, $0x11  }
0xbd: {  	s0 =	sor.u32 s1, s0  }
0xbe: {  	s0 =	sadd.s32 $0x8F2B, s0  }
0xbf: {  	[sflag:s0] =	ssyncadd.remote.s32 $0x1  }
0xc0: {  	_ =	sfence.sel $0xFFFF  }
0xc1: {  	[dreg:$0x0] =	wrdreg $0xFFFFFFFF;
	(pc) =	sbr.abs _section_cstart, $3  }
0xc2: {  	[dreg:$0x1] =	wrdreg $0xFFFFFFFF  }
0xc3: {  	_ =	task.clear_ibuf [dreg:s8], $0x2FFFF;
	_ =	strace $0x9FFFFFFF  }
0xc4: {  	(tm) =	ssettm $0x7FFFFFFF  }
0xc5: {  	_ =	shalt  }
tec
execute0_lowered:
.L_overlay_start_1:
0x0: {  	(tag) =	ssettag $0x1  }
0x1: {  	v0 =	vimm.s32 $0x14131211  }
0x2: {  	v1 =	vimm.s32 $0x18171615;
	v2 =	vimm.s32 $0x1C1B1A19;
	v3 =	vimm.s32 $0x1F1E1D  }
0x3: {  	vm0 =	vcmask $0x1F10;
	v4 =	vimm.s32 $0x15141312;
	v5 =	vimm.s32 $0x1D1C1B1A  }
0x4: {  	v6 =	vimm.s32 $0x1001F1E;
	v7 =	vimm.s32 $0x16151413;
	v8 =	vimm.s32 $0x1A191817  }
0x5: {  	v9 =	vimm.s32 $0x1E1D1C1B;
	v10 =	vimm.s32 $0x201001F;
	v11 =	vimm.s32 $0x3020100  }
0x6: {  	v12 =	vimm.s32 $0x1F1E1D1C;
	v13 =	vimm.s32 $0x5040302;
	v14 =	vimm.s32 $0x6050403  }
0x7: {  	v15 =	vimm.s32 $0x32107654;
	vm12 =	vcmask $0x2F10;
	vm1 =	vcmask $0x3F30  }
0x8: {  	vm13 =	vcmask $0x300;
	v16 =	vimm.s32 $0x1B80;
	v17 =	vimm.s32 $0x0  }
0x9: {  	v18 =	vimm.s32 $0x80;
	v19 =	vimm.s32 $0x100;
	v20 =	vimm.s32 $0x180  }
0xa: {  	v21 =	vimm.s32 $0x200;
	v22 =	vimm.s32 $0x280;
	v23 =	vimm.s32 $0x300  }
0xb: {  	v24 =	vimm.s32 $0x380;
	v25 =	vimm.s32 $0x800;
	v26 =	vimm.s32 $0x880  }
0xc: {  	v27 =	vimm.s32 $0x900;
	v28 =	vimm.s32 $0x980;
	v29 =	vimm.s32 $0xA00  }
0xd: {  	v30 =	vimm.s32 $0xA80;
	v31 =	vimm.s32 $0xB00;
	vm14 =	vcmask $0x704  }
0xe: {  	vm15 =	vcmask $0xB08;
	vm4 =	vcmask $0xF0C;
	vm5 =	vcmask $0x1310  }
0xf: {  	vm6 =	vcmask $0x1714;
	vm7 =	vcmask $0x1B18;
	vm8 =	vcmask $0x1F1C  }
0x10: {  	vm9 =	vcmask $0x2320;
	vm10 =	vcmask $0x2724;
	vm11 =	vcmask $0x2B28  }
0x11: {  	v0 =	vunpack.c.0.s8.s32 v0;
	v1 =	vunpack.c.0.s8.s32 v1;
	v2 =	vunpack.c.0.s8.s32 v2  }
0x12: {  	v3 =	vunpack.c.0.s8.s32 v3;
	v5 =	vunpack.c.0.s8.s32 v5;
	v6 =	vunpack.c.0.s8.s32 v6  }
0x13: {  	v7 =	vunpack.c.0.s8.s32 v7;
	v8 =	vunpack.c.0.s8.s32 v8;
	v9 =	vunpack.c.0.s8.s32 v9  }
0x14: {  	v10 =	vunpack.c.0.s8.s32 v10;
	v11 =	vunpack.c.0.s8.s32 v11;
	v12 =	vunpack.c.0.s8.s32 v12  }
0x15: {  	v13 =	vunpack.c.0.s8.s32 v13;
	v16 =	vsel vm13, $0x1000, v16;
	v17 =	vsel vm13, $0x1080, v17  }
0x16: {  	v18 =	vsel vm13, $0x1100, v18;
	v19 =	vsel vm13, $0x1180, v19;
	v20 =	vsel vm13, $0x1200, v20  }
0x17: {  	v21 =	vsel vm13, $0x1280, v21;
	v22 =	vsel vm13, $0x1300, v22;
	v23 =	vsel vm13, $0x1380, v23  }
0x18: {  	v24 =	vsel vm13, $0x1800, v24;
	v25 =	vsel vm13, $0x1880, v25;
	v26 =	vsel vm13, $0x1900, v26  }
0x19: {  	v27 =	vsel vm13, $0x1980, v27;
	v28 =	vsel vm13, $0x1A00, v28;
	v29 =	vsel vm13, $0x1A80, v29  }
0x1a: {  	v30 =	vsel vm13, $0x1B00, v30;
	v31 =	vsel vm13, $0x1B80, v31;
	v16 =	vsel vm14, $0x1080, v16  }
0x1b: {  	v17 =	vsel vm14, $0x1100, v17;
	v18 =	vsel vm14, $0x1180, v18;
	v19 =	vsel vm14, $0x1200, v19  }
0x1c: {  	v20 =	vsel vm14, $0x1280, v20;
	v21 =	vsel vm14, $0x1300, v21;
	v22 =	vsel vm14, $0x1380, v22  }
0x1d: {  	v23 =	vsel vm14, $0x1800, v23;
	v24 =	vsel vm14, $0x1880, v24;
	v25 =	vsel vm14, $0x1900, v25  }
0x1e: {  	v26 =	vsel vm14, $0x1980, v26;
	v27 =	vsel vm14, $0x1A00, v27;
	v28 =	vsel vm14, $0x1A80, v28  }
0x1f: {  	v29 =	vsel vm14, $0x1B00, v29;
	v30 =	vsel vm14, $0x1B80, v30;
	v31 =	vsel vm14, $0x0, v31  }
0x20: {  	v38 =	vsel vm0, v1, v0;
	v56 =	vsel vm0, v3, v2;
	v0 =	vunpack.c.0.s8.s32 v4  }
0x21: {  	v4 =	vimm.s32 $0x19181716;
	v59 =	vsel vm0, v6, v5;
	v51 =	vsel vm0, v10, v9  }
0x22: {  	v48 =	vsel vm0, v11, v12;
	v11 =	vimm.s32 $0x4030201;
	v50 =	vsel vm0, v2, v1  }
0x23: {  	v54 =	vsel vm0, v13, v6;
	v52 =	vsel vm0, v9, v8;
	v1 =	vimm.s32 $0x43218765  }
0x24: {  	v2 =	vimm.s32 $0xB0A0908;
	v9 =	vimm.s32 $0x1800;
	v13 =	vimm.s32 $0x1A00  }
0x25: {  	v16 =	vsel vm15, $0x1100, v16;
	v17 =	vsel vm15, $0x1180, v17;
	v18 =	vsel vm15, $0x1200, v18  }
0x26: {  	v19 =	vsel vm15, $0x1280, v19;
	v20 =	vsel vm15, $0x1300, v20;
	v21 =	vsel vm15, $0x1380, v21  }
0x27: {  	v22 =	vsel vm15, $0x1800, v22;
	v23 =	vsel vm15, $0x1880, v23;
	v24 =	vsel vm15, $0x1900, v24  }
0x28: {  	v25 =	vsel vm15, $0x1980, v25;
	v26 =	vsel vm15, $0x1A00, v26;
	v27 =	vsel vm15, $0x1A80, v27  }
0x29: {  	v28 =	vsel vm15, $0x1B00, v28;
	v29 =	vsel vm15, $0x1B80, v29;
	v30 =	vsel vm15, $0x0, v30  }
0x2a: {  	v31 =	vsel vm15, $0x80, v31;
	v4 =	vunpack.c.0.s8.s32 v4;
	v11 =	vunpack.c.0.s8.s32 v11  }
0x2b: {  	v1 =	vunpack.c.l.s4.s8 v1;
	v2 =	vunpack.c.0.s8.s32 v2;
	v9 =	vsel vm13, $0x880, v9  }
0x2c: {  	v13 =	vsel vm13, $0xA80, v13;
	v16 =	vsel vm4, $0x1180, v16;
	v17 =	vsel vm4, $0x1200, v17  }
0x2d: {  	v18 =	vsel vm4, $0x1280, v18;
	v19 =	vsel vm4, $0x1300, v19;
	v20 =	vsel vm4, $0x1380, v20  }
0x2e: {  	v21 =	vsel vm4, $0x1800, v21;
	v22 =	vsel vm4, $0x1880, v22;
	v23 =	vsel vm4, $0x1900, v23  }
0x2f: {  	v24 =	vsel vm4, $0x1980, v24;
	v25 =	vsel vm4, $0x1A00, v25;
	v26 =	vsel vm4, $0x1A80, v26  }
0x30: {  	v27 =	vsel vm4, $0x1B00, v27;
	v28 =	vsel vm4, $0x1B80, v28;
	v29 =	vsel vm4, $0x0, v29  }
0x31: {  	v30 =	vsel vm4, $0x80, v30;
	v31 =	vsel vm4, $0x100, v31;
	v9 =	vsel vm14, $0x900, v9  }
0x32: {  	v13 =	vsel vm14, $0xB00, v13;
	v16 =	vsel vm5, $0x1200, v16;
	v17 =	vsel vm5, $0x1280, v17  }
0x33: {  	v18 =	vsel vm5, $0x1300, v18;
	v19 =	vsel vm5, $0x1380, v19;
	v20 =	vsel vm5, $0x1800, v20  }
0x34: {  	v21 =	vsel vm5, $0x1880, v21;
	v22 =	vsel vm5, $0x1900, v22;
	v23 =	vsel vm5, $0x1980, v23  }
0x35: {  	v24 =	vsel vm5, $0x1A00, v24;
	v25 =	vsel vm5, $0x1A80, v25;
	v26 =	vsel vm5, $0x1B00, v26  }
0x36: {  	v27 =	vsel vm5, $0x1B80, v27;
	v28 =	vsel vm5, $0x0, v28;
	v29 =	vsel vm5, $0x80, v29  }
0x37: {  	v30 =	vsel vm5, $0x100, v30;
	v31 =	vsel vm5, $0x180, v31;
	v58 =	vsel vm0, v4, v0  }
0x38: {  	v0 =	vsel vm0, v8, v7;
	v7 =	vimm.s32 $0x1B1A1918;
	v49 =	vsel vm0, v11, v3  }
0x39: {  	v57 =	vsel vm0, v5, v4;
	v4 =	vimm.s32 $0x54329876;
	v1 =	vunpack.c.0.s8.s32 v1  }
0x3a: {  	v5 =	vimm.s32 $0x6543A987;
	v8 =	vimm.s32 $0xE0D0C0B;
	v11 =	vimm.s32 $0x1900  }
0x3b: {  	v9 =	vsel vm15, $0x980, v9;
	v13 =	vsel vm15, $0xB80, v13;
	v16 =	vsel vm6, $0x1280, v16  }
0x3c: {  	v17 =	vsel vm6, $0x1300, v17;
	v18 =	vsel vm6, $0x1380, v18;
	v19 =	vsel vm6, $0x1800, v19  }
0x3d: {  	v20 =	vsel vm6, $0x1880, v20;
	v21 =	vsel vm6, $0x1900, v21;
	v22 =	vsel vm6, $0x1980, v22  }
0x3e: {  	v23 =	vsel vm6, $0x1A00, v23;
	v24 =	vsel vm6, $0x1A80, v24;
	v25 =	vsel vm6, $0x1B00, v25  }
0x3f: {  	v26 =	vsel vm6, $0x1B80, v26;
	v27 =	vsel vm6, $0x0, v27;
	v28 =	vsel vm6, $0x80, v28  }
0x40: {  	v29 =	vsel vm6, $0x100, v29;
	v30 =	vsel vm6, $0x180, v30;
	v31 =	vsel vm6, $0x200, v31  }
0x41: {  	[tilespmem:$0x1FC70] =	vst v0;
	v0 =	vimm.s32 $0x17161514;
	v7 =	vunpack.c.0.s8.s32 v7;
	v4 =	vunpack.c.l.s4.s8 v4  }
0x42: {  	v5 =	vunpack.c.l.s4.s8 v5;
	v8 =	vunpack.c.0.s8.s32 v8;
	v11 =	vsel vm13, $0x980, v11  }
0x43: {  	v9 =	vsel vm4, $0xA00, v9;
	v13 =	vsel vm4, $0x1000, v13;
	v16 =	vsel vm7, $0x1300, v16  }
0x44: {  	v17 =	vsel vm7, $0x1380, v17;
	v18 =	vsel vm7, $0x1800, v18;
	v19 =	vsel vm7, $0x1880, v19  }
0x45: {  	v20 =	vsel vm7, $0x1900, v20;
	v21 =	vsel vm7, $0x1980, v21;
	v22 =	vsel vm7, $0x1A00, v22  }
0x46: {  	v23 =	vsel vm7, $0x1A80, v23;
	v24 =	vsel vm7, $0x1B00, v24;
	v25 =	vsel vm7, $0x1B80, v25  }
0x47: {  	v26 =	vsel vm7, $0x0, v26;
	v27 =	vsel vm7, $0x80, v27;
	v28 =	vsel vm7, $0x100, v28  }
0x48: {  	v29 =	vsel vm7, $0x180, v29;
	v30 =	vsel vm7, $0x200, v30;
	v31 =	vsel vm7, $0x280, v31  }
0x49: {  	v62 =	vcombine.low v58, v59;
	v0 =	vunpack.c.0.s8.s32 v0;
	v1 =	vand.u32 $0xF, v1  }
0x4a: {  	v11 =	vsel vm14, $0xA00, v11;
	v9 =	vsel vm5, $0xA80, v9;
	v13 =	vsel vm5, $0x1080, v13  }
0x4b: {  	v16 =	vsel vm8, $0x1380, v16;
	v17 =	vsel vm8, $0x1800, v17;
	v18 =	vsel vm8, $0x1880, v18  }
0x4c: {  	v19 =	vsel vm8, $0x1900, v19;
	v20 =	vsel vm8, $0x1980, v20;
	v21 =	vsel vm8, $0x1A00, v21  }
0x4d: {  	v22 =	vsel vm8, $0x1A80, v22;
	v23 =	vsel vm8, $0x1B00, v23;
	v24 =	vsel vm8, $0x1B80, v24  }
0x4e: {  	v25 =	vsel vm8, $0x0, v25;
	v26 =	vsel vm8, $0x80, v26;
	v27 =	vsel vm8, $0x100, v27  }
0x4f: {  	v28 =	vsel vm8, $0x180, v28;
	v29 =	vsel vm8, $0x200, v29;
	v30 =	vsel vm8, $0x280, v30  }
0x50: {  	v31 =	vsel vm8, $0x300, v31;
	v55 =	vsel vm0, v12, v7;
	v4 =	vunpack.c.0.s8.s32 v4  }
0x51: {  	v1 =	vsel vm12, v1, v3;
	v5 =	vunpack.c.0.s8.s32 v5;
	v11 =	vsel vm15, $0xA80, v11  }
0x52: {  	v9 =	vsel vm6, $0xB00, v9;
	v13 =	vsel vm6, $0x1100, v13;
	v16 =	vsel vm9, $0x1800, v16  }
0x53: {  	v17 =	vsel vm9, $0x1880, v17;
	v18 =	vsel vm9, $0x1900, v18;
	v19 =	vsel vm9, $0x1980, v19  }
0x54: {  	v20 =	vsel vm9, $0x1A00, v20;
	v21 =	vsel vm9, $0x1A80, v21;
	v22 =	vsel vm9, $0x1B00, v22  }
0x55: {  	v23 =	vsel vm9, $0x1B80, v23;
	v24 =	vsel vm9, $0x0, v24;
	v25 =	vsel vm9, $0x80, v25  }
0x56: {  	v26 =	vsel vm9, $0x100, v26;
	v27 =	vsel vm9, $0x180, v27;
	v28 =	vsel vm9, $0x200, v28  }
0x57: {  	v29 =	vsel vm9, $0x280, v29;
	v30 =	vsel vm9, $0x300, v30;
	v31 =	vsel vm9, $0x380, v31  }
0x58: {  	v60 =	vsel vm0, v7, v0;
	v0 =	vunpack.c.0.s8.s32 v14;
	v14 =	vunpack.c.l.s4.s8 v15  }
0x59: {  	v7 =	vimm.s32 $0xC0B0A09;
	v15 =	vimm.s32 $0x1B00;
	v11 =	vsel vm4, $0xB00, v11  }
0x5a: {  	v9 =	vsel vm7, $0xB80, v9;
	v13 =	vsel vm7, $0x1180, v13;
	v16 =	vsel vm10, $0x1880, v16  }
0x5b: {  	v17 =	vsel vm10, $0x1900, v17;
	v18 =	vsel vm10, $0x1980, v18;
	v19 =	vsel vm10, $0x1A00, v19  }
0x5c: {  	v20 =	vsel vm10, $0x1A80, v20;
	v21 =	vsel vm10, $0x1B00, v21;
	v22 =	vsel vm10, $0x1B80, v22  }
0x5d: {  	v23 =	vsel vm10, $0x0, v23;
	v24 =	vsel vm10, $0x80, v24;
	v25 =	vsel vm10, $0x100, v25  }
0x5e: {  	v26 =	vsel vm10, $0x180, v26;
	v27 =	vsel vm10, $0x200, v27;
	v28 =	vsel vm10, $0x280, v28  }
0x5f: {  	v29 =	vsel vm10, $0x300, v29;
	v30 =	vsel vm10, $0x380, v30;
	v31 =	vsel vm10, $0x800, v31  }
0x60: {  	v3 =	vunpack.c.0.s8.s32 v7;
	v4 =	vand.u32 $0xF, v4;
	v7 =	vimm.s32 $0xD0C0B0A  }
0x61: {  	v5 =	vand.u32 $0xF, v5;
	v15 =	vsel vm13, $0xB80, v15;
	v11 =	vsel vm5, $0xB80, v11  }
0x62: {  	v9 =	vsel vm8, $0x1000, v9;
	v13 =	vsel vm8, $0x1200, v13;
	v16 =	vsel vm11, $0x1900, v16  }
0x63: {  	v17 =	vsel vm11, $0x1980, v17;
	v18 =	vsel vm11, $0x1A00, v18;
	v19 =	vsel vm11, $0x1A80, v19  }
0x64: {  	v20 =	vsel vm11, $0x1B00, v20;
	v21 =	vsel vm11, $0x1B80, v21;
	v22 =	vsel vm11, $0x0, v22  }
0x65: {  	v23 =	vsel vm11, $0x80, v23;
	v24 =	vsel vm11, $0x100, v24;
	v25 =	vsel vm11, $0x180, v25  }
0x66: {  	v26 =	vsel vm11, $0x200, v26;
	v27 =	vsel vm11, $0x280, v27;
	v28 =	vsel vm11, $0x300, v28  }
0x67: {  	v29 =	vsel vm11, $0x380, v29;
	v30 =	vsel vm11, $0x800, v30;
	v31 =	vsel vm11, $0x880, v31  }
0x68: {  	v48 =	vcombine.low v60, v48;
	v53 =	vsel vm0, v0, v10;
	v0 =	vunpack.c.0.s8.s32 v14  }
0x69: {  	v7 =	vunpack.c.0.s8.s32 v7;
	v4 =	vsel vm12, v4, v6;
	v5 =	vsel vm12, v5, v10  }
0x6a: {  	v6 =	vimm.s32 $0x1280;
	v10 =	vimm.s32 $0x1880;
	v14 =	vimm.s32 $0x1A80  }
0x6b: {  	v15 =	vsel vm14, $0x1000, v15;
	v11 =	vsel vm6, $0x1000, v11;
	v9 =	vsel vm9, $0x1080, v9  }
0x6c: {  	v13 =	vsel vm9, $0x1280, v13;
	v33 =	vsel vm1, v3, v1;
	v1 =	vimm.s32 $0x1000  }
0x6d: {  	v3 =	vimm.s32 $0x1100;
	v6 =	vsel vm13, $0x300, v6;
	v10 =	vsel vm13, $0x900, v10  }
0x6e: {  	v14 =	vsel vm13, $0xB00, v14;
	v15 =	vsel vm15, $0x1080, v15;
	v11 =	vsel vm7, $0x1080, v11  }
0x6f: {  	v9 =	vsel vm10, $0x1100, v9;
	v13 =	vsel vm10, $0x1300, v13;
	v52 =	vcombine.low v52, v53  }
0x70: {  	v0 =	vand.u32 $0xF, v0;
	v34 =	vsel vm1, v7, v4;
	v1 =	vsel vm13, $0x80, v1  }
0x71: {  	v4 =	vimm.s32 $0x1180;
	v3 =	vsel vm13, $0x180, v3;
	v7 =	vimm.s32 $0x1300  }
0x72: {  	v6 =	vsel vm14, $0x380, v6;
	v10 =	vsel vm14, $0x980, v10;
	v14 =	vsel vm14, $0xB80, v14  }
0x73: {  	v15 =	vsel vm4, $0x1100, v15;
	v11 =	vsel vm8, $0x1100, v11;
	v9 =	vsel vm11, $0x1180, v9  }
0x74: {  	v13 =	vsel vm11, $0x1380, v13;
	v0 =	vsel vm12, v0, v12;
	v4 =	vsel vm13, $0x200, v4  }
0x75: {  	v7 =	vsel vm13, $0x380, v7;
	v12 =	vimm.s32 $0x1980;
	v1 =	vsel vm14, $0x100, v1  }
0x76: {  	v3 =	vsel vm14, $0x200, v3;
	v6 =	vsel vm15, $0x800, v6;
	v10 =	vsel vm15, $0xA00, v10  }
0x77: {  	v14 =	vsel vm15, $0x1000, v14;
	v15 =	vsel vm5, $0x1180, v15;
	v11 =	vsel vm9, $0x1180, v11  }
0x78: {  	vm12 =	vcmask $0x2F2C;
	v32 =	vsel vm1, v2, v0;
	v0 =	vsel vm1, v8, v5  }
0x79: {  	v2 =	vimm.s32 $0x1080;
	v5 =	vimm.s32 $0x1200;
	v8 =	vimm.s32 $0x1380  }
0x7a: {  	v12 =	vsel vm13, $0xA00, v12;
	v4 =	vsel vm14, $0x280, v4;
	v7 =	vsel vm14, $0x800, v7  }
0x7b: {  	v1 =	vsel vm15, $0x180, v1;
	v3 =	vsel vm15, $0x280, v3;
	v6 =	vsel vm4, $0x880, v6  }
0x7c: {  	v10 =	vsel vm4, $0xA80, v10;
	v14 =	vsel vm4, $0x1080, v14;
	v15 =	vsel vm6, $0x1200, v15  }
0x7d: {  	v11 =	vsel vm10, $0x1200, v11;
	v9 =	vsel vm12, $0x1200, v9;
	v13 =	vsel vm12, $0x1800, v13  }
0x7e: {  	v16 =	vsel vm12, $0x1980, v16;
	v17 =	vsel vm12, $0x1A00, v17;
	v18 =	vsel vm12, $0x1A80, v18  }
0x7f: {  	v19 =	vsel vm12, $0x1B00, v19;
	v20 =	vsel vm12, $0x1B80, v20;
	v21 =	vsel vm12, $0x0, v21  }
0x80: {  	v22 =	vsel vm12, $0x80, v22;
	v23 =	vsel vm12, $0x100, v23;
	v24 =	vsel vm12, $0x180, v24  }
0x81: {  	v25 =	vsel vm12, $0x200, v25;
	v26 =	vsel vm12, $0x280, v26;
	v27 =	vsel vm12, $0x300, v27  }
0x82: {  	v28 =	vsel vm12, $0x380, v28;
	v29 =	vsel vm12, $0x800, v29;
	v30 =	vsel vm12, $0x880, v30  }
0x83: {  	v31 =	vsel vm12, $0x900, v31;
	[tilespmem:$0x1FC40] =	vst v0;
	v0 =	vimm.s32 $0xB80;
	v2 =	vsel vm13, $0x100, v2  }
0x84: {  	v5 =	vsel vm13, $0x280, v5;
	v8 =	vsel vm13, $0x800, v8;
	v12 =	vsel vm14, $0xA80, v12  }
0x85: {  	v4 =	vsel vm15, $0x300, v4;
	v7 =	vsel vm15, $0x880, v7;
	v1 =	vsel vm4, $0x200, v1  }
0x86: {  	v3 =	vsel vm4, $0x300, v3;
	v6 =	vsel vm5, $0x900, v6;
	v10 =	vsel vm5, $0xB00, v10  }
0x87: {  	v14 =	vsel vm5, $0x1100, v14;
	v15 =	vsel vm7, $0x1280, v15;
	v11 =	vsel vm11, $0x1280, v11  }
0x88: {  	v0 =	vsel vm13, $0x0, v0;
	v2 =	vsel vm14, $0x180, v2;
	v5 =	vsel vm14, $0x300, v5  }
0x89: {  	v8 =	vsel vm14, $0x880, v8;
	v12 =	vsel vm15, $0xB00, v12;
	v4 =	vsel vm4, $0x380, v4  }
0x8a: {  	v7 =	vsel vm4, $0x900, v7;
	v1 =	vsel vm5, $0x280, v1;
	v3 =	vsel vm5, $0x380, v3  }
0x8b: {  	v6 =	vsel vm6, $0x980, v6;
	v10 =	vsel vm6, $0xB80, v10;
	v14 =	vsel vm6, $0x1180, v14  }
0x8c: {  	v15 =	vsel vm8, $0x1300, v15;
	v11 =	vsel vm12, $0x1300, v11;
	vm13 =	vcmask $0x3330  }
0x8d: {  	v0 =	vsel vm14, $0x80, v0;
	v2 =	vsel vm15, $0x200, v2;
	v5 =	vsel vm15, $0x380, v5  }
0x8e: {  	v8 =	vsel vm15, $0x900, v8;
	v12 =	vsel vm4, $0xB80, v12;
	v4 =	vsel vm5, $0x800, v4  }
0x8f: {  	v7 =	vsel vm5, $0x980, v7;
	v1 =	vsel vm6, $0x300, v1;
	v3 =	vsel vm6, $0x800, v3  }
0x90: {  	v6 =	vsel vm7, $0xA00, v6;
	v10 =	vsel vm7, $0x1000, v10;
	v14 =	vsel vm7, $0x1200, v14  }
0x91: {  	v15 =	vsel vm9, $0x1380, v15;
	v9 =	vsel vm13, $0x1280, v9;
	v11 =	vsel vm13, $0x1380, v11  }
0x92: {  	v13 =	vsel vm13, $0x1880, v13;
	v16 =	vsel vm13, $0x1A00, v16;
	v17 =	vsel vm13, $0x1A80, v17  }
0x93: {  	v18 =	vsel vm13, $0x1B00, v18;
	v19 =	vsel vm13, $0x1B80, v19;
	v21 =	vsel vm13, $0x80, v21  }
0x94: {  	v22 =	vsel vm13, $0x100, v22;
	v23 =	vsel vm13, $0x180, v23;
	v24 =	vsel vm13, $0x200, v24  }
0x95: {  	v25 =	vsel vm13, $0x280, v25;
	v26 =	vsel vm13, $0x300, v26;
	v27 =	vsel vm13, $0x380, v27  }
0x96: {  	v28 =	vsel vm13, $0x800, v28;
	v29 =	vsel vm13, $0x880, v29;
	v30 =	vsel vm13, $0x900, v30  }
0x97: {  	v31 =	vsel vm13, $0x980, v31;
	vm14 =	vcmask $0x3734;
	v0 =	vsel vm15, $0x100, v0  }
0x98: {  	v2 =	vsel vm4, $0x280, v2;
	v5 =	vsel vm4, $0x800, v5;
	v8 =	vsel vm4, $0x980, v8  }
0x99: {  	v12 =	vsel vm5, $0x1000, v12;
	v4 =	vsel vm6, $0x880, v4;
	v7 =	vsel vm6, $0xA00, v7  }
0x9a: {  	v1 =	vsel vm7, $0x380, v1;
	v3 =	vsel vm7, $0x880, v3;
	v6 =	vsel vm8, $0xA80, v6  }
0x9b: {  	v10 =	vsel vm8, $0x1080, v10;
	v14 =	vsel vm8, $0x1280, v14;
	v15 =	vsel vm10, $0x1800, v15  }
0x9c: {  	v9 =	vsel vm14, $0x1300, v9;
	v11 =	vsel vm14, $0x1800, v11;
	v13 =	vsel vm14, $0x1900, v13  }
0x9d: {  	v16 =	vsel vm14, $0x1A80, v16;
	v17 =	vsel vm14, $0x1B00, v17;
	v18 =	vsel vm14, $0x1B80, v18  }
0x9e: {  	v19 =	vsel vm14, $0x0, v19;
	v21 =	vsel vm14, $0x100, v21;
	v22 =	vsel vm14, $0x180, v22  }
0x9f: {  	v23 =	vsel vm14, $0x200, v23;
	v24 =	vsel vm14, $0x280, v24;
	v25 =	vsel vm14, $0x300, v25  }
0xa0: {  	v26 =	vsel vm14, $0x380, v26;
	v27 =	vsel vm14, $0x800, v27;
	v28 =	vsel vm14, $0x880, v28  }
0xa1: {  	v29 =	vsel vm14, $0x900, v29;
	v30 =	vsel vm14, $0x980, v30;
	v31 =	vsel vm14, $0xA00, v31  }
0xa2: {  	vm15 =	vcmask $0x3B38;
	v0 =	vsel vm4, $0x180, v0;
	v2 =	vsel vm5, $0x300, v2  }
0xa3: {  	v5 =	vsel vm5, $0x880, v5;
	v8 =	vsel vm5, $0xA00, v8;
	v12 =	vsel vm6, $0x1080, v12  }
0xa4: {  	v4 =	vsel vm7, $0x900, v4;
	v7 =	vsel vm7, $0xA80, v7;
	v1 =	vsel vm8, $0x800, v1  }
0xa5: {  	v3 =	vsel vm8, $0x900, v3;
	v6 =	vsel vm9, $0xB00, v6;
	v10 =	vsel vm9, $0x1100, v10  }
0xa6: {  	v14 =	vsel vm9, $0x1300, v14;
	v15 =	vsel vm11, $0x1880, v15;
	v46 =	vsel vm15, $0x1880, v11  }
0xa7: {  	v41 =	vsel vm15, $0x1980, v13;
	v42 =	vsel vm15, $0x1B00, v16;
	v44 =	vsel vm15, $0x1B80, v17  }
0xa8: {  	v45 =	vsel vm15, $0x0, v18;
	v17 =	vsel vm15, $0x380, v25;
	v13 =	vsel vm15, $0x880, v27  }
0xa9: {  	v11 =	vsel vm15, $0x900, v28;
	v16 =	vlaneseq.u32;
	v0 =	vsel vm5, $0x200, v0  }
0xaa: {  	s0 =	rddreg [dreg:$0x0];
	v2 =	vsel vm6, $0x380, v2;
	v5 =	vsel vm6, $0x900, v5;
	v8 =	vsel vm6, $0xA80, v8  }
0xab: {  	s2 =	rddreg [dreg:$0x1];
	s1 =	simm.s32 $0x0;
	v12 =	vsel vm7, $0x1100, v12;
	v4 =	vsel vm8, $0x980, v4;
	v7 =	vsel vm8, $0xB00, v7  }
0xac: {  	[smem:$0x7FF] =	sst s1;
	[tilespmem:$0x1FCA0] =	vst v48;
	v1 =	vsel vm9, $0x880, v1;
	v3 =	vsel vm9, $0x980, v3;
	v10 =	vsel vm10, $0x1180, v10  }
0xad: {  	s4 =	rddreg [dreg:$0x2];
	_ =	strace $0x80000047;
	[tilespmem:$0x1FF50] =	vst v62;
	v14 =	vsel vm10, $0x1380, v14;
	v15 =	vsel vm12, $0x1900, v15;
	v27 =	vadd.s32 $0x3, v16  }
0xae: {  	[tilespmem:$0x1FFE0] =	vst v52;
	v28 =	vadd.s32 $0x4, v16;
	v63 =	vadd.s32 $0xB, v16;
	v0 =	vsel vm6, $0x280, v0  }
0xaf: {  	[tilespmem:$0x1FD20] =	vst v46;
	v2 =	vsel vm7, $0x800, v2;
	v5 =	vsel vm7, $0x980, v5;
	v8 =	vsel vm7, $0xB00, v8  }
0xb0: {  	[tilespmem:$0x1FD40] =	vst v41;
	v12 =	vsel vm8, $0x1180, v12;
	v7 =	vsel vm9, $0xB80, v7;
	v1 =	vsel vm10, $0x900, v1  }
0xb1: {  	[tilespmem:$0x1FD70] =	vst v42;
	v3 =	vsel vm10, $0xA00, v3;
	v10 =	vsel vm11, $0x1200, v10;
	v14 =	vsel vm11, $0x1800, v14  }
0xb2: {  	[tilespmem:$0x1FD80] =	vst v44;
	v15 =	vsel vm13, $0x1980, v15;
	v18 =	vmovc v34;
	v34 =	vsel vm15, $0x80, v19;
	v19 =	vsel vm15, $0x300, v24  }
0xb3: {  	[tilespmem:$0x1FD90] =	vst v45;
	v48 =	vmovc v63;
	v63 =	vcombine.low v50, v49;
	v0 =	vsel vm7, $0x300, v0;
	v2 =	vsel vm8, $0x880, v2  }
0xb4: {  	[tilespmem:$0x1FE20] =	vst v13;
	v5 =	vsel vm8, $0xA00, v5;
	v8 =	vsel vm8, $0xB80, v8;
	v12 =	vsel vm9, $0x1200, v12  }
0xb5: {  	[tilespmem:$0x1FE30] =	vst v11;
	v7 =	vsel vm10, $0x1000, v7;
	v1 =	vsel vm11, $0x980, v1;
	v3 =	vsel vm11, $0xA80, v3  }
0xb6: {  	[tilespmem:$0x1FF00] =	vst v17;
	v10 =	vsel vm12, $0x1280, v10;
	v14 =	vsel vm12, $0x1880, v14;
	v15 =	vsel vm14, $0x1A00, v15  }
0xb7: {  	[tilespmem:$0x1FE90] =	vst v27;
	v0 =	vsel vm8, $0x380, v0;
	v2 =	vsel vm9, $0x900, v2;
	v5 =	vsel vm9, $0xA80, v5  }
0xb8: {  	[tilespmem:$0x1FEA0] =	vst v28;
	v8 =	vsel vm9, $0x1000, v8;
	v12 =	vsel vm10, $0x1280, v12;
	v7 =	vsel vm11, $0x1080, v7  }
0xb9: {  	[tilespmem:$0x1FDB0] =	vst v34;
	v1 =	vsel vm12, $0xA00, v1;
	v3 =	vsel vm12, $0xB00, v3;
	v10 =	vsel vm13, $0x1300, v10  }
0xba: {  	[tilespmem:$0x1FE80] =	vst v19;
	v14 =	vsel vm13, $0x1900, v14;
	v39 =	vsel vm15, $0x1A80, v15;
	v0 =	vsel vm9, $0x800, v0  }
0xbb: {  	[tilespmem:$0x1FF90] =	vst v18;
	v5 =	vsel vm10, $0xB00, v5;
	v8 =	vsel vm10, $0x1080, v8;
	v12 =	vsel vm11, $0x1300, v12  }
0xbc: {  	[tilespmem:$0x1FFC0] =	vst v63;
	v7 =	vsel vm12, $0x1100, v7;
	v1 =	vsel vm13, $0xA80, v1;
	v10 =	vsel vm14, $0x1380, v10  }
0xbd: {  	v3 =	vsel vm13, $0xB80, v3;
	v14 =	vsel vm14, $0x1980, v14;
	[tilespmem:$0x1FD60] =	vst v39;
	v47 =	vsel vm15, $0x1800, v10  }
0xbe: {  	v0 =	vsel vm10, $0x880, v0;
	v5 =	vsel vm11, $0xB80, v5;
	v40 =	vsel vm15, $0x1A00, v14;
	[tilespmem:$0x1FD10] =	vst v47  }
0xbf: {  	v8 =	vsel vm11, $0x1100, v8;
	v12 =	vsel vm12, $0x1380, v12;
	v14 =	vsel vm15, $0x800, v26;
	[tilespmem:$0x1FD50] =	vst v40  }
0xc0: {  	v7 =	vsel vm13, $0x1180, v7;
	v1 =	vsel vm14, $0xB00, v1;
	v10 =	vsel vm15, $0x980, v29;
	[tilespmem:$0x1FE10] =	vst v14  }
0xc1: {  	v3 =	vsel vm14, $0x1000, v3;
	v29 =	vadd.s32 $0x5, v16;
	v12 =	vsel vm13, $0x1800, v12;
	[tilespmem:$0x1FE40] =	vst v10  }
0xc2: {  	v5 =	vsel vm12, $0x1000, v5;
	v37 =	vsel vm15, $0xB80, v1;
	[tilespmem:$0x1FEB0] =	vst v29;
	v12 =	vsel vm14, $0x1880, v12  }
0xc3: {  	v8 =	vsel vm12, $0x1180, v8;
	v7 =	vsel vm14, $0x1200, v7;
	[tilespmem:$0x1FCC0] =	vst v37;
	v43 =	vsel vm15, $0x1900, v12  }
0xc4: {  	v1 =	vsel vm15, $0x1080, v3;
	v5 =	vsel vm13, $0x1080, v5;
	v12 =	vsel vm15, $0xA80, v31;
	[tilespmem:$0x1FD30] =	vst v43  }
0xc5: {  	v8 =	vsel vm13, $0x1200, v8;
	v5 =	vsel vm14, $0x1100, v5;
	v31 =	vadd.s32 $0x7, v16;
	[tilespmem:$0x1FE60] =	vst v12  }
0xc6: {  	v8 =	vsel vm14, $0x1280, v8;
	v35 =	vsel vm15, $0x1180, v5;
	v5 =	vsel vm15, $0x1280, v7;
	[tilespmem:$0x1FED0] =	vst v31  }
0xc7: {  	v0 =	vsel vm11, $0x900, v0;
	v3 =	vsel vm15, $0x1300, v8;
	v8 =	vsel vm15, $0x200, v22;
	v22 =	vmovc v1;
	[tilespmem:$0x1FCE0] =	vst v5  }
0xc8: {  	v0 =	vsel vm12, $0x980, v0;
	v7 =	vsel vm15, $0x180, v21;
	v21 =	vadd.s32 $0x2, v16;
	[tilespmem:$0x1FE00] =	vst v22  }
0xc9: {  	v6 =	vsel vm10, $0xB80, v6;
	v2 =	vsel vm10, $0x980, v2;
	v0 =	vsel vm13, $0xA00, v0;
	[tilespmem:$0x1FF10] =	vst v21  }
0xca: {  	v4 =	vsel vm9, $0xA00, v4;
	v2 =	vsel vm11, $0xA00, v2;
	v0 =	vsel vm14, $0xA80, v0;
	v50 =	vmovc v3;
	[tilespmem:$0x1FFB0] =	vst v35  }
0xcb: {  	v6 =	vsel vm11, $0x1000, v6;
	v2 =	vsel vm12, $0xA80, v2;
	v36 =	vsel vm15, $0xB00, v0;
	[tilespmem:$0x1FCF0] =	vst v50  }
0xcc: {  	v4 =	vsel vm10, $0xA80, v4;
	v6 =	vsel vm12, $0x1080, v6;
	v2 =	vsel vm13, $0xB00, v2;
	v25 =	vmovc v7;
	[tilespmem:$0x1FDA0] =	vst v36  }
0xcd: {  	v6 =	vsel vm13, $0x1100, v6;
	v2 =	vsel vm14, $0xB80, v2;
	v1 =	vsel vm15, $0x280, v23;
	v23 =	vmovc v8;
	[tilespmem:$0x1FDD0] =	vst v25  }
0xce: {  	v4 =	vsel vm11, $0xB00, v4;
	v6 =	vsel vm14, $0x1180, v6;
	v0 =	vsel vm15, $0x1000, v2;
	v24 =	vmovc v1;
	[tilespmem:$0x1FDE0] =	vst v23  }
0xcf: {  	v2 =	vsel vm15, $0x1200, v6;
	v6 =	vsel vm15, $0x1380, v9;
	v9 =	vsel vm15, $0xA00, v30;
	[tilespmem:$0x1FDF0] =	vst v24  }
0xd0: {  	v20 =	vsel vm13, $0x0, v20;
	v4 =	vsel vm12, $0xB80, v4;
	v30 =	vadd.s32 $0x6, v16;
	[tilespmem:$0x1FE50] =	vst v9  }
0xd1: {  	v20 =	vsel vm14, $0x80, v20;
	v4 =	vsel vm13, $0x1000, v4;
	v49 =	vmovc v6;
	v6 =	vcombine.low v57, v54;
	v54 =	vmovc v2;
	[tilespmem:$0x1FEC0] =	vst v30  }
0xd2: {  	v8 =	vadd.s32 $0x9, v16;
	v1 =	vadd.s32 $0xA, v16;
	v15 =	vmovc v0;
	v0 =	vsel vm15, $0x100, v20;
	[tilespmem:$0x1FCD0] =	vst v54  }
0xd3: {  	v20 =	vadd.s32 $0x1, v16;
	v60 =	vmovc v1;
	v1 =	vimm.s32 $0x87654321;
	v26 =	vmovc v0;
	v0 =	vimm.s32 $0x76543210;
	[tilespmem:$0x1FD00] =	vst v49  }
0xd4: {  	v57 =	vmovc v33;
	v33 =	vmovc v8;
	v2 =	vimm.s32 $0x98765432;
	v1 =	vunpack.c.l.s4.s8 v1;
	[tilespmem:$0x1FE70] =	vst v20;
	v0 =	vunpack.c.l.s4.s8 v0  }
0xd5: {  	v4 =	vsel vm14, $0x1080, v4;
	v2 =	vunpack.c.l.s4.s8 v2;
	[tilespmem:$0x1FEF0] =	vst v33  }
0xd6: {  	v8 =	vadd.s32 $0xC, v16;
	[tilespmem:$0x1FF20] =	vst v60;
	v1 =	vunpack.c.0.s8.s32 v1;
	v0 =	vunpack.c.0.s8.s32 v0  }
0xd7: {  	v4 =	vsel vm15, $0x1100, v4;
	[tilespmem:$0x1FFF0] =	vst v8;
	v2 =	vunpack.c.0.s8.s32 v2  }
0xd8: {  	v3 =	vimm.s32 $0xA9876543;
	[tilespmem:$0x1FDC0] =	vst v26;
	v1 =	vand.u32 $0xF, v1;
	v61 =	vcombine.low v55, v0  }
0xd9: {  	[tilespmem:$0x1FFD0] =	vst v6;
	v55 =	vmovc v4;
	v4 =	vcombine.low v56, v1;
	v1 =	vand.u32 $0xF, v2;
	v2 =	vadd.s32 $0xF, v16  }
0xda: {  	v0 =	vunpack.c.l.s4.s8 v3;
	v3 =	vadd.s32 $0xD, v16;
	[tilespmem:$0x1FC60] =	vst v2;
	v2 =	vld [tilespmem:$0x1FC70]  }
0xdb: {  	v7 =	vadd.s32 $0x8, v16;
	[tilespmem:$0x1FC50] =	vst v3  }
0xdc: {  	s3 =	srdreg.scid;
	s6 =	stileid.u32;
	v3 =	vcombine.low v38, v56;
	v56 =	vmovc v32;
	v32 =	vmov v7;
	[tilespmem:$0x1FFA0] =	vst v55;
	v0 =	vunpack.c.0.s8.s32 v0  }
0xdd: {  	s8 =	simm.s32 $0x1000;
	s9 =	simm.s32 $0x20000;
	s10 =	simm.s32 $0x5;
	v38 =	vadd.s32 $0xE, v16;
	[tilespmem:$0x1FEE0] =	vst v32  }
0xde: {  	s11 =	simm.s32 $0x100;
	s12 =	simm.s32 $0x3000;
	s13 =	simm.s32 $0x8800;
	v7 =	vcombine.low v59, v1;
	[tilespmem:$0x1FF40] =	vst v38;
	v0 =	vand.u32 $0xF, v0  }
0xdf: {  	s14 =	simm.s32 $0x10800;
	s15 =	simm.s32 $0x1;
	s16 =	simm.s32 $0x18800;
	[tilespmem:$0x1FF80] =	vst v4;
	v0 =	vcombine.low v51, v0;
	v2 =	vcombine.low v2, v51  }
0xe0: {  	s17 =	simm.s32 $0x800;
	s18 =	simm.s32 $0x2;
	s19 =	simm.s32 $0x4;
	[tilespmem:$0x1FF60] =	vst v7  }
0xe1: {  	s20 =	simm.s32 $0x1A800;
	s21 =	simm.s32 $0x3;
	s3 =	sand.u32 $0x1, s3;
	[tilespmem:$0x1FC90] =	vst v0  }
0xe2: {  	s6 =	sshll.u32 s6, $0xA;
	s5 =	ssub.s32 $0x2, s3;
	s3 =	sshll.u32 s3, $0x9;
	v0 =	vor.u32 $0x10, v16;
	[tilespmem:$0x1FC80] =	vst v2  }
0xe3: {  	s22 =	simm.s32 $0x0;
	s7 =	sshrl.u32 s5, $0x1;
	s6 =	sor.u32 s3, s6;
	[tilespmem:$0x1FCB0] =	vst v0;
	v2 =	vmov v61;
	v61 =	vmov v3  }
0xe4: {  	s3 =	sadd.s32 $0xF42800, s2;
	s31 =	ssub.s32 s5, s7;
	s4 =	sadd.s32 s4, s6;
	[tilespmem:$0x1FF30] =	vst v61  }
0xe5: {  	s5 =	sadd.s32 s0, s6;
	s6 =	sadd.s32 $0x100, s4;
	s7 =	smax.u32 s31, $0x1;
	v58 =	vmovc v52;
	v53 =	vmov v5;
	v59 =	vmov v4;
	v51 =	vmov v8;
	v3 =	vld [tilespmem:$0x1FCA0];
	[tilespmem:$0x1FF70] =	vst v2  }
.LBB2_1:
0xe6: {  	[tilespmem:s1], [sflag:$0x5] =	stream.strided.gather [hbm4b:s5+s8], $0x3000, s9, s8, $0x38;
	[tilespmem:$0x1C800] =	vst v63  }
0xe7: {  	s0 =	simm.s32 $0x0  }
0xe8: {  	s2 =	sand.u32 $0x70, s1;
	s23 =	sand.u32 $0xC00, s1;
	s24 =	simm.s32 $0x0  }
0xe9: {  	_ =	swait.ge [sflag:s10], $0x3000;
	s0 =	sand.u32 $0x3000, s0;
	s2 =	sor.u32 s23, s2  }
0xea: {  	s26 =	sand.u32 $0x380, s24;
	[sflag:s10] =	ssyncset.done $0x0;
	s0 =	sor.u32 s0, s2  }
0xeb: {  	[sflag:s10] =	ssyncadd.s32 $0xFFFFD000;
	s0 =	sor.u32 s26, s0  }
0xec: {  	v0 =	vld [tilespmem:s0+$0x0];
	_ =	sdelay $0x1  }
0xed: {  	s25 =	simm.s32 $0x80;
	s24 =	simm.s32 $0x10  }
0xee: {  	s23 =	sand.u32 $0xC00, s25;
	s2 =	sand.u32 $0x70, s24;
	s26 =	simm.s32 $0x10  }
0xef: {  	s25 =	simm.s32 $0x4;
	s2 =	sor.u32 s23, s2;
	s24 =	sand.u32 $0x3000, s26  }
0xf0: {  	s26 =	sand.u32 $0x380, s25;
	s2 =	sor.u32 s24, s2;
	v1 =	vshrl.u32 v0, $0x2  }
0xf1: {  	s23 =	sor.u32 s26, s2;
	v0 =	vshll.u32 v0, $0x5;
	[tilespmem:s12+$0x0] =	vst v1  }
0xf2: {  	v1 =	vand.u32 $0x60, v0;
	v0 =	vld [tilespmem:s23+$0x0]  }
0xf3: {  	s30 =	simm.s32 $0x20;
	s29 =	simm.s32 $0x8  }
0xf4: {  	s28 =	simm.s32 $0x3;
	s24 =	simm.s32 $0x20;
	s26 =	simm.s32 $0x100  }
0xf5: {  	s25 =	simm.s32 $0x3000;
	s31 =	sand.u32 $0x70, s24;
	[tilespmem:s0+$0x5800] =	vst v1;
	s0 =	sand.u32 $0xC00, s26  }
.LBB2_2:
0xf6: {  	p0 =	sne.s32 s28, $0x27F;
	s2 =	sand.u32 $0x3000, s30;
	s0 =	sor.u32 s0, s31  }
0xf7: {  	s29 =	sand.u32 $0x380, s29;
	s25 =	sadd.s32 $0x10, s25;
	s0 =	sor.u32 s2, s0;
	v1 =	vshrl.u32 v0, $0x2;
	v0 =	vshll.u32 v0, $0x5  }
.Ltmp0:
0xf8: {  	s0 =	sor.u32 s29, s0;
	[tilespmem:s25+$0x0] =	vst v1;
	v1 =	vand.u32 $0x60, v0;
	(pc) =	sbr.rel @p0 .LBB2_2-.Ltmp0, $4  }
0xf9: {  	v0 =	vld [tilespmem:s0+$0x0];
	[tilespmem:s23+$0x5800] =	vst v1;
	s23 =	smov.u32 s0  }
0xfa: {  	s24 =	sadd.s32 $0x10, s24  }
0xfb: {  	s30 =	sshll.u32 s28, $0x4;
	s26 =	sadd.s32 $0x80, s26;
	s29 =	sshll.u32 s28, $0x2  }
0xfc: {  	s31 =	sand.u32 $0x70, s24;
	s28 =	sadd.s32 $0x1, s28;
	s0 =	sand.u32 $0xC00, s26  }
0xfd: {  	s2 =	sand.u32 $0x3000, s30;
	s0 =	sor.u32 s0, s31  }
0xfe: {  	s24 =	sand.u32 $0x380, s29;
	s31 =	sadd.s32 $0x10, s25;
	s0 =	sor.u32 s2, s0;
	v1 =	vshrl.u32 v0, $0x2  }
0xff: {  	s0 =	sor.u32 s24, s0;
	[tilespmem:s31+$0x0] =	vst v1  }
0x100: {  	v1 =	vld [tilespmem:s0+$0x0];
	_ =	sdelay $0x2  }
0x101: {  	v0 =	vshll.u32 v0, $0x5  }
0x102: {  	v0 =	vand.u32 $0x60, v0  }
0x103: {  	s2 =	sadd.s32 $0x10, s31;
	[tilespmem:s23+$0x5800] =	vst v0;
	v0 =	vshrl.u32 v1, $0x2;
	v1 =	vshll.u32 v1, $0x5  }
0x104: {  	[tilespmem:s2+$0x0] =	vst v0;
	v0 =	vand.u32 $0x60, v1  }
0x105: {  	s28 =	simm.s32 $0x0;
	s23 =	simm.s32 $0x0;
	[tilespmem:s0+$0x5800] =	vst v0  }
0x106: {  	[tilespmem:s13], [sflag:$0x1] =	stream.indirect.gather [hbm4b:s3+s11], $0x80, s12, s11, $0xb8;
	[tilespmem:$0x1C800] =	vst v63  }
.LBB2_4:
0x107: {  	s0 =	sshll.u32 s28, $0x9  }
0x108: {  	s2 =	sand.u32 $0x3FFFFE00, s0  }
0x109: {  	s2 =	sadd.s32 $0x3100, s2  }
0x10a: {  	[tilespmem:s14], [sflag:$0x2] =	stream.indirect.gather [hbm4b:s3+s11], $0x80, s2, s11, $0xb8;
	[tilespmem:$0x1C800] =	vst v63  }
0x10b: {  	p0 =	seq.s32 s28, $0x0;
	s26 =	sshll.u32 s28, $0x7;
	_ =	swait.ge [sflag:s15], $0x8000  }
0x10c: {  	s0 =	sand.u32 $0x3000, s0;
	s29 =	simm.s32 @!p0 $0x3;
	[sflag:s15] =	ssyncset.done $0x0  }
0x10d: {  	s24 =	sand.u32 $0x380, s26;
	s25 =	sadd.s32 $0x5800, s0;
	[sflag:s15] =	ssyncadd.s32 $0xFFFF8000  }
0x10e: {  	s0 =	sand.u32 $0x400, s23;
	s26 =	sor.u32 s24, s25;
	_ =	swait.ge @!p0 [sflag:s29], $0x2000  }
0x10f: {  	s2 =	sand.u32 $0x70, s23;
	s0 =	sadd.s32 s0, s26;
	[sflag:s29] =	ssyncset.done @!p0 $0x0  }
0x110: {  	s0 =	sadd.s32 s2, s0;
	[sflag:s29] =	ssyncadd.s32 @!p0 $0xFFFFE000  }
0x111: {  	v0 =	vld [tilespmem:s0+$0x0];
	_ =	sdelay $0x4  }
0x112: {  	v8 =	vmovc v2;
	v2 =	vor.u32 s23, v16;
	v52 =	vmov v3;
	v3 =	vadd.s32 v16, v0  }
0x113: {  	v1 =	vshll.u32 v2, $0x7;
	v4 =	vand.u32 $0xFFFFFF80, v3  }
0x114: {  	v3 =	vand.u32 $0x7F, v3;
	v4 =	vadd.s32 v1, v4  }
0x115: {  	v3 =	vor.u32 v3, v4  }
0x116: {  	v63 =	vmov s23  }
0x117: {  	v4 =	vshll.u32 v63, $0x3  }
0x118: {  	v2 =	vand.u32 $0x7F, v2;
	v5 =	vadd.s32 v20, v0;
	v4 =	vand.u32 $0x400, v4  }
0x119: {  	v63 =	vmov v6;
	v6 =	vand.u32 $0xFFFFFF80, v5;
	v2 =	vor.u32 v4, v2  }
0x11a: {  	v5 =	vand.u32 $0x7F, v5;
	v4 =	vadd.s32 v1, v6;
	v6 =	vor.u32 v36, v2;
	v3 =	vld.idx.msk [tilespmem:v3+s13+$0x0], $0xffff  }
0x11b: {  	v4 =	vor.u32 v5, v4;
	_ =	sdelay $0x2  }
0x11c: {  	v5 =	vadd.s32 v21, v0  }
0x11d: {  	[tilespmem:v6+s16+$0x0] =	vst.idx.msk $0xffff, v3;
	v3 =	vand.u32 $0xFFFFFF80, v5  }
0x11e: {  	v6 =	vor.u32 v37, v2;
	v5 =	vand.u32 $0x7F, v5;
	v3 =	vadd.s32 v1, v3;
	v4 =	vld.idx.msk [tilespmem:v4+s13+$0x0], $0xffff  }
0x11f: {  	v3 =	vor.u32 v5, v3;
	_ =	sdelay $0x2  }
0x120: {  	v5 =	vadd.s32 v27, v0  }
0x121: {  	[tilespmem:v6+s16+$0x0] =	vst.idx.msk $0xffff, v4;
	v4 =	vand.u32 $0xFFFFFF80, v5  }
0x122: {  	v6 =	vor.u32 v15, v2;
	v5 =	vand.u32 $0x7F, v5;
	v4 =	vadd.s32 v1, v4;
	v3 =	vld.idx.msk [tilespmem:v3+s13+$0x0], $0xffff  }
0x123: {  	v4 =	vor.u32 v5, v4;
	_ =	sdelay $0x2  }
0x124: {  	v5 =	vadd.s32 v28, v0  }
0x125: {  	[tilespmem:v6+s16+$0x0] =	vst.idx.msk $0xffff, v3;
	v3 =	vand.u32 $0xFFFFFF80, v5  }
0x126: {  	v6 =	vor.u32 v22, v2;
	v5 =	vand.u32 $0x7F, v5;
	v3 =	vadd.s32 v1, v3;
	v4 =	vld.idx.msk [tilespmem:v4+s13+$0x0], $0xffff  }
0x127: {  	v3 =	vor.u32 v5, v3;
	_ =	sdelay $0x2  }
0x128: {  	v5 =	vadd.s32 v29, v0  }
0x129: {  	[tilespmem:v6+s16+$0x0] =	vst.idx.msk $0xffff, v4;
	v4 =	vand.u32 $0xFFFFFF80, v5  }
0x12a: {  	v6 =	vor.u32 v55, v2;
	v5 =	vand.u32 $0x7F, v5;
	v4 =	vadd.s32 v1, v4;
	v3 =	vld.idx.msk [tilespmem:v3+s13+$0x0], $0xffff  }
0x12b: {  	v4 =	vor.u32 v5, v4;
	_ =	sdelay $0x2  }
0x12c: {  	v5 =	vadd.s32 v30, v0  }
0x12d: {  	[tilespmem:v6+s16+$0x0] =	vst.idx.msk $0xffff, v3;
	v3 =	vand.u32 $0xFFFFFF80, v5  }
0x12e: {  	v6 =	vor.u32 v35, v2;
	v5 =	vand.u32 $0x7F, v5;
	v3 =	vadd.s32 v1, v3;
	v4 =	vld.idx.msk [tilespmem:v4+s13+$0x0], $0xffff  }
0x12f: {  	v3 =	vor.u32 v5, v3;
	_ =	sdelay $0x2  }
0x130: {  	v5 =	vadd.s32 v31, v0  }
0x131: {  	[tilespmem:v6+s16+$0x0] =	vst.idx.msk $0xffff, v4;
	v4 =	vand.u32 $0xFFFFFF80, v5  }
0x132: {  	v54 =	vor.u32 v54, v2;
	v5 =	vand.u32 $0x7F, v5;
	v4 =	vadd.s32 v1, v4;
	v3 =	vld.idx.msk [tilespmem:v3+s13+$0x0], $0xffff  }
0x133: {  	v4 =	vor.u32 v5, v4;
	_ =	sdelay $0x2  }
0x134: {  	v5 =	vadd.s32 v32, v0  }
0x135: {  	[tilespmem:v54+s16+$0x0] =	vst.idx.msk $0xffff, v3;
	v3 =	vand.u32 $0xFFFFFF80, v5  }
0x136: {  	v54 =	vor.u32 v53, v2;
	v5 =	vand.u32 $0x7F, v5;
	v3 =	vadd.s32 v1, v3;
	v4 =	vld.idx.msk [tilespmem:v4+s13+$0x0], $0xffff  }
0x137: {  	v3 =	vor.u32 v5, v3;
	_ =	sdelay $0x2  }
0x138: {  	v5 =	vadd.s32 v33, v0  }
0x139: {  	v53 =	vand.u32 $0xFFFFFF80, v5;
	[tilespmem:v54+s16+$0x0] =	vst.idx.msk $0xffff, v4  }
0x13a: {  	v5 =	vand.u32 $0x7F, v5;
	v4 =	vadd.s32 v1, v53;
	v54 =	vor.u32 v50, v2;
	v3 =	vld.idx.msk [tilespmem:v3+s13+$0x0], $0xffff  }
0x13b: {  	v4 =	vor.u32 v5, v4;
	_ =	sdelay $0x2  }
0x13c: {  	v50 =	vadd.s32 v60, v0  }
0x13d: {  	[tilespmem:v54+s16+$0x0] =	vst.idx.msk $0xffff, v3;
	v3 =	vand.u32 $0xFFFFFF80, v50  }
0x13e: {  	v53 =	vor.u32 v49, v2;
	v5 =	vand.u32 $0x7F, v50;
	v3 =	vadd.s32 v1, v3;
	v4 =	vld.idx.msk [tilespmem:v4+s13+$0x0], $0xffff  }
0x13f: {  	v3 =	vor.u32 v5, v3;
	_ =	sdelay $0x2  }
0x140: {  	v54 =	vadd.s32 v48, v0  }
0x141: {  	v49 =	vand.u32 $0xFFFFFF80, v54;
	[tilespmem:v53+s16+$0x0] =	vst.idx.msk $0xffff, v4  }
0x142: {  	v50 =	vor.u32 v47, v2;
	v5 =	vand.u32 $0x7F, v54;
	v4 =	vadd.s32 v1, v49;
	v3 =	vld.idx.msk [tilespmem:v3+s13+$0x0], $0xffff  }
0x143: {  	v4 =	vor.u32 v5, v4;
	_ =	sdelay $0x2  }
0x144: {  	v51 =	vadd.s32 v51, v0  }
0x145: {  	v54 =	vld [tilespmem:$0x1FC50];
	[tilespmem:v50+s16+$0x0] =	vst.idx.msk $0xffff, v3;
	v3 =	vand.u32 $0xFFFFFF80, v51  }
0x146: {  	v53 =	vor.u32 v46, v2;
	v5 =	vand.u32 $0x7F, v51;
	v3 =	vadd.s32 v1, v3;
	v4 =	vld.idx.msk [tilespmem:v4+s13+$0x0], $0xffff  }
0x147: {  	v3 =	vor.u32 v5, v3;
	_ =	sdelay $0x2  }
0x148: {  	v5 =	vadd.s32 v54, v0  }
0x149: {  	v46 =	vand.u32 $0xFFFFFF80, v5;
	[tilespmem:v53+s16+$0x0] =	vst.idx.msk $0xffff, v4  }
0x14a: {  	v47 =	vor.u32 v43, v2;
	v5 =	vand.u32 $0x7F, v5;
	v4 =	vadd.s32 v1, v46;
	v3 =	vld.idx.msk [tilespmem:v3+s13+$0x0], $0xffff  }
0x14b: {  	v4 =	vor.u32 v5, v4;
	_ =	sdelay $0x2  }
0x14c: {  	v49 =	vadd.s32 v38, v0  }
0x14d: {  	v51 =	vld [tilespmem:$0x1FC60];
	[tilespmem:v47+s16+$0x0] =	vst.idx.msk $0xffff, v3;
	v3 =	vand.u32 $0xFFFFFF80, v49  }
0x14e: {  	v50 =	vor.u32 v41, v2;
	v5 =	vand.u32 $0x7F, v49;
	v3 =	vadd.s32 v1, v3;
	v4 =	vld.idx.msk [tilespmem:v4+s13+$0x0], $0xffff  }
0x14f: {  	v3 =	vor.u32 v5, v3;
	_ =	sdelay $0x2  }
0x150: {  	v5 =	vadd.s32 v51, v0  }
0x151: {  	v38 =	vld [tilespmem:$0x1FCB0];
	v53 =	vand.u32 $0xFFFFFF80, v5;
	[tilespmem:v50+s16+$0x0] =	vst.idx.msk $0xffff, v4  }
0x152: {  	v54 =	vor.u32 v40, v2;
	v5 =	vand.u32 $0x7F, v5;
	v4 =	vadd.s32 v1, v53;
	v3 =	vld.idx.msk [tilespmem:v3+s13+$0x0], $0xffff  }
0x153: {  	v4 =	vor.u32 v5, v4;
	_ =	sdelay $0x2  }
0x154: {  	v5 =	vadd.s32 v38, v0  }
0x155: {  	[tilespmem:v54+s16+$0x0] =	vst.idx.msk $0xffff, v3;
	v3 =	vand.u32 $0xFFFFFF80, v5  }
0x156: {  	v39 =	vor.u32 v39, v2;
	v5 =	vand.u32 $0x7F, v5;
	v3 =	vadd.s32 v1, v3;
	v4 =	vld.idx.msk [tilespmem:v4+s13+$0x0], $0xffff  }
0x157: {  	v3 =	vor.u32 v5, v3;
	_ =	sdelay $0x2  }
0x158: {  	v40 =	vadd.s32 v61, v0  }
0x159: {  	v41 =	vand.u32 $0xFFFFFF80, v40;
	[tilespmem:v39+s16+$0x0] =	vst.idx.msk $0xffff, v4  }
0x15a: {  	v42 =	vor.u32 v42, v2;
	v5 =	vand.u32 $0x7F, v40;
	v4 =	vadd.s32 v1, v41;
	v3 =	vld.idx.msk [tilespmem:v3+s13+$0x0], $0xffff  }
0x15b: {  	v4 =	vor.u32 v5, v4;
	_ =	sdelay $0x2  }
0x15c: {  	v43 =	vadd.s32 v62, v0  }
0x15d: {  	v46 =	vld [tilespmem:$0x1FC80];
	[tilespmem:v42+s16+$0x0] =	vst.idx.msk $0xffff, v3;
	v3 =	vand.u32 $0xFFFFFF80, v43  }
0x15e: {  	v44 =	vor.u32 v44, v2;
	v5 =	vand.u32 $0x7F, v43;
	v3 =	vadd.s32 v1, v3;
	v4 =	vld.idx.msk [tilespmem:v4+s13+$0x0], $0xffff  }
0x15f: {  	v3 =	vor.u32 v5, v3;
	_ =	sdelay $0x2  }
0x160: {  	v5 =	vadd.s32 v46, v0  }
0x161: {  	v47 =	vand.u32 $0xFFFFFF80, v5;
	[tilespmem:v44+s16+$0x0] =	vst.idx.msk $0xffff, v4  }
0x162: {  	v49 =	vor.u32 v45, v2;
	v5 =	vand.u32 $0x7F, v5;
	v4 =	vadd.s32 v1, v47;
	v3 =	vld.idx.msk [tilespmem:v3+s13+$0x0], $0xffff  }
0x163: {  	v4 =	vor.u32 v5, v4;
	_ =	sdelay $0x2  }
0x164: {  	v50 =	vadd.s32 v52, v0  }
0x165: {  	v52 =	vld [tilespmem:$0x1FFC0];
	[tilespmem:v49+s16+$0x0] =	vst.idx.msk $0xffff, v3;
	v3 =	vand.u32 $0xFFFFFF80, v50  }
0x166: {  	v51 =	vor.u32 v34, v2;
	v5 =	vand.u32 $0x7F, v50;
	v3 =	vadd.s32 v1, v3;
	v4 =	vld.idx.msk [tilespmem:v4+s13+$0x0], $0xffff  }
0x167: {  	v3 =	vor.u32 v5, v3;
	_ =	sdelay $0x2  }
0x168: {  	v5 =	vadd.s32 v52, v0  }
0x169: {  	v53 =	vand.u32 $0xFFFFFF80, v5;
	[tilespmem:v51+s16+$0x0] =	vst.idx.msk $0xffff, v4  }
0x16a: {  	v54 =	vor.u32 v26, v2;
	v5 =	vand.u32 $0x7F, v5;
	v4 =	vadd.s32 v1, v53;
	v3 =	vld.idx.msk [tilespmem:v3+s13+$0x0], $0xffff  }
0x16b: {  	v4 =	vor.u32 v5, v4;
	_ =	sdelay $0x2  }
0x16c: {  	v61 =	vadd.s32 v63, v0  }
0x16d: {  	[tilespmem:v54+s16+$0x0] =	vst.idx.msk $0xffff, v3;
	v3 =	vand.u32 $0xFFFFFF80, v61  }
0x16e: {  	v62 =	vor.u32 v25, v2;
	v5 =	vand.u32 $0x7F, v61;
	v3 =	vadd.s32 v1, v3;
	v4 =	vld.idx.msk [tilespmem:v4+s13+$0x0], $0xffff  }
0x16f: {  	v3 =	vor.u32 v5, v3;
	_ =	sdelay $0x2  }
0x170: {  	v63 =	vadd.s32 v58, v0  }
0x171: {  	v34 =	vand.u32 $0xFFFFFF80, v63;
	[tilespmem:v62+s16+$0x0] =	vst.idx.msk $0xffff, v4  }
0x172: {  	v38 =	vor.u32 v23, v2;
	v5 =	vand.u32 $0x7F, v63;
	v4 =	vadd.s32 v1, v34;
	v3 =	vld.idx.msk [tilespmem:v3+s13+$0x0], $0xffff  }
0x173: {  	v4 =	vor.u32 v5, v4;
	_ =	sdelay $0x2  }
0x174: {  	v39 =	vadd.s32 v8, v0  }
0x175: {  	[tilespmem:v38+s16+$0x0] =	vst.idx.msk $0xffff, v3;
	v3 =	vand.u32 $0xFFFFFF80, v39  }
0x176: {  	v40 =	vor.u32 v24, v2;
	v5 =	vand.u32 $0x7F, v39;
	v3 =	vadd.s32 v1, v3;
	v4 =	vld.idx.msk [tilespmem:v4+s13+$0x0], $0xffff  }
0x177: {  	v3 =	vor.u32 v5, v3;
	_ =	sdelay $0x2  }
0x178: {  	v41 =	vadd.s32 v59, v0  }
0x179: {  	v42 =	vand.u32 $0xFFFFFF80, v41;
	[tilespmem:v40+s16+$0x0] =	vst.idx.msk $0xffff, v4  }
0x17a: {  	v43 =	vor.u32 v19, v2;
	v5 =	vand.u32 $0x7F, v41;
	v4 =	vadd.s32 v1, v42;
	v3 =	vld.idx.msk [tilespmem:v3+s13+$0x0], $0xffff  }
0x17b: {  	v4 =	vor.u32 v5, v4;
	_ =	sdelay $0x2  }
0x17c: {  	v44 =	vadd.s32 v7, v0  }
0x17d: {  	v46 =	vld [tilespmem:$0x1FC90];
	[tilespmem:v43+s16+$0x0] =	vst.idx.msk $0xffff, v3;
	v3 =	vand.u32 $0xFFFFFF80, v44  }
0x17e: {  	v45 =	vor.u32 v17, v2;
	v5 =	vand.u32 $0x7F, v44;
	v3 =	vadd.s32 v1, v3;
	v4 =	vld.idx.msk [tilespmem:v4+s13+$0x0], $0xffff  }
0x17f: {  	v3 =	vor.u32 v5, v3;
	_ =	sdelay $0x2  }
0x180: {  	v5 =	vadd.s32 v46, v0  }
0x181: {  	v47 =	vand.u32 $0xFFFFFF80, v5;
	[tilespmem:v45+s16+$0x0] =	vst.idx.msk $0xffff, v4  }
0x182: {  	v49 =	vor.u32 v14, v2;
	v5 =	vand.u32 $0x7F, v5;
	v4 =	vadd.s32 v1, v47;
	v3 =	vld.idx.msk [tilespmem:v3+s13+$0x0], $0xffff  }
0x183: {  	v4 =	vor.u32 v5, v4;
	_ =	sdelay $0x2  }
0x184: {  	v50 =	vadd.s32 v56, v0  }
0x185: {  	[tilespmem:v49+s16+$0x0] =	vst.idx.msk $0xffff, v3;
	v3 =	vand.u32 $0xFFFFFF80, v50  }
0x186: {  	v51 =	vor.u32 v13, v2;
	v5 =	vand.u32 $0x7F, v50;
	v3 =	vadd.s32 v1, v3;
	v4 =	vld.idx.msk [tilespmem:v4+s13+$0x0], $0xffff  }
0x187: {  	v3 =	vor.u32 v5, v3;
	_ =	sdelay $0x2  }
0x188: {  	v52 =	vadd.s32 v57, v0  }
0x189: {  	v53 =	vand.u32 $0xFFFFFF80, v52;
	[tilespmem:v51+s16+$0x0] =	vst.idx.msk $0xffff, v4  }
0x18a: {  	v54 =	vor.u32 v11, v2;
	v5 =	vand.u32 $0x7F, v52;
	v4 =	vadd.s32 v1, v53;
	v3 =	vld.idx.msk [tilespmem:v3+s13+$0x0], $0xffff  }
0x18b: {  	v4 =	vor.u32 v5, v4;
	_ =	sdelay $0x2  }
0x18c: {  	v58 =	vadd.s32 v18, v0  }
0x18d: {  	v61 =	vld [tilespmem:$0x1FC40];
	[tilespmem:v54+s16+$0x0] =	vst.idx.msk $0xffff, v3;
	v3 =	vand.u32 $0xFFFFFF80, v58  }
0x18e: {  	v59 =	vor.u32 v10, v2;
	v5 =	vand.u32 $0x7F, v58;
	v3 =	vadd.s32 v1, v3;
	v4 =	vld.idx.msk [tilespmem:v4+s13+$0x0], $0xffff  }
0x18f: {  	v3 =	vor.u32 v5, v3;
	_ =	sdelay $0x2  }
0x190: {  	v0 =	vadd.s32 v61, v0  }
0x191: {  	v62 =	vand.u32 $0xFFFFFF80, v0;
	[tilespmem:v59+s16+$0x0] =	vst.idx.msk $0xffff, v4  }
0x192: {  	v63 =	vor.u32 v9, v2;
	v0 =	vand.u32 $0x7F, v0;
	v1 =	vadd.s32 v1, v62;
	v3 =	vld.idx.msk [tilespmem:v3+s13+$0x0], $0xffff  }
0x193: {  	v1 =	vor.u32 v0, v1;
	_ =	sdelay $0x2  }
0x194: {  	s30 =	simm.s32 $0x80  }
0x195: {  	s2 =	sand.u32 $0x400, s30;
	s29 =	simm.s32 $0x10;
	[tilespmem:v63+s16+$0x0] =	vst.idx.msk $0xffff, v3  }
0x196: {  	s31 =	simm.s32 $0x20;
	s2 =	sadd.s32 s2, s26;
	s0 =	sand.u32 $0x70, s29;
	v61 =	vmov v35;
	v62 =	vmov v48;
	v0 =	vor.u32 v12, v2;
	v1 =	vld.idx.msk [tilespmem:v1+s13+$0x0], $0xffff  }
.LBB2_5:
0x197: {  	_ =	sdelay $0x3  }
0x198: {  	s0 =	sadd.s32 s0, s2;
	[tilespmem:v0+s16+$0x0] =	vst.idx.msk $0xffff, v1  }
0x199: {  	v1 =	vld [tilespmem:s0+$0x0]  }
0x19a: {  	v0 =	vmov s29  }
0x19b: {  	v2 =	vor.u32 s29, v16;
	v0 =	vshll.u32 v0, $0x3  }
0x19c: {  	v38 =	vld [tilespmem:$0x1FC50];
	v4 =	vand.u32 $0x7F, v2;
	v0 =	vand.u32 $0x400, v0  }
0x19d: {  	v3 =	vshll.u32 v2, $0x7;
	v0 =	vor.u32 v0, v4  }
0x19e: {  	v10 =	vor.u32 v15, v0;
	v2 =	vadd.s32 v16, v1;
	v5 =	vadd.s32 v20, v1  }
0x19f: {  	v6 =	vadd.s32 v21, v1;
	v4 =	vadd.s32 v29, v1;
	v50 =	vadd.s32 v30, v1  }
0x1a0: {  	v49 =	vadd.s32 v31, v1;
	v47 =	vadd.s32 v32, v1;
	v44 =	vadd.s32 v33, v1  }
0x1a1: {  	v39 =	vld [tilespmem:$0x1FF40];
	v43 =	vadd.s32 v60, v1;
	v38 =	vadd.s32 v38, v1;
	v7 =	vand.u32 $0xFFFFFF80, v2  }
0x1a2: {  	v2 =	vand.u32 $0x7F, v2;
	v8 =	vand.u32 $0xFFFFFF80, v5;
	v35 =	vand.u32 $0xFFFFFF80, v6  }
0x1a3: {  	v63 =	vmovc v15;
	v15 =	vand.u32 $0xFFFFFF80, v4;
	v5 =	vand.u32 $0x7F, v5;
	v7 =	vadd.s32 v3, v7  }
0x1a4: {  	v58 =	vand.u32 $0xFFFFFF80, v38;
	v8 =	vadd.s32 v3, v8;
	v2 =	vor.u32 v2, v7  }
0x1a5: {  	v9 =	vadd.s32 v3, v35;
	v5 =	vor.u32 v5, v8;
	v8 =	vand.u32 $0xFFFFFF80, v49  }
0x1a6: {  	v35 =	vadd.s32 v39, v1;
	v51 =	vadd.s32 v3, v8;
	v8 =	vand.u32 $0xFFFFFF80, v47  }
0x1a7: {  	v39 =	vadd.s32 v3, v58;
	v58 =	vld [tilespmem:$0x1FF30];
	v48 =	vadd.s32 v3, v8;
	v8 =	vand.u32 $0xFFFFFF80, v43  }
0x1a8: {  	v54 =	vadd.s32 v3, v15;
	v15 =	vand.u32 $0xFFFFFF80, v50;
	v45 =	vadd.s32 v3, v8;
	v8 =	vld [tilespmem:$0x1FC60]  }
0x1a9: {  	v34 =	vor.u32 v36, v0;
	v52 =	vadd.s32 v3, v15;
	v15 =	vand.u32 $0xFFFFFF80, v44;
	v2 =	vld.idx.msk [tilespmem:v2+s13+$0x0], $0xffff  }
0x1aa: {  	v46 =	vadd.s32 v3, v15;
	v15 =	vld [tilespmem:$0x1FFF0]  }
0x1ab: {  	v13 =	vadd.s32 v28, v1  }
0x1ac: {  	v11 =	vadd.s32 v27, v1;
	v41 =	vadd.s32 v62, v1;
	v33 =	vld [tilespmem:$0x1FCB0];
	v14 =	vand.u32 $0xFFFFFF80, v13  }
0x1ad: {  	v12 =	vand.u32 $0xFFFFFF80, v11;
	v53 =	vadd.s32 v3, v14;
	v32 =	vadd.s32 v8, v1  }
0x1ae: {  	v14 =	vor.u32 v37, v0;
	v29 =	vadd.s32 v58, v1;
	v8 =	vld [tilespmem:$0x1FF50];
	v60 =	vand.u32 $0xFFFFFF80, v32;
	[tilespmem:v34+s16+$0x0] =	vst.idx.msk $0xffff, v2  }
0x1af: {  	v37 =	vadd.s32 v15, v1;
	v34 =	vadd.s32 v3, v60;
	v60 =	vand.u32 $0xFFFFFF80, v29;
	v5 =	vld.idx.msk [tilespmem:v5+s13+$0x0], $0xffff  }
0x1b0: {  	v12 =	vadd.s32 v3, v12;
	v36 =	vand.u32 $0xFFFFFF80, v37;
	v30 =	vadd.s32 v3, v60;
	v60 =	vld [tilespmem:$0x1FC80]  }
0x1b1: {  	v59 =	vand.u32 $0xFFFFFF80, v35;
	v31 =	vadd.s32 v33, v1;
	v40 =	vadd.s32 v3, v36  }
0x1b2: {  	v36 =	vadd.s32 v3, v59;
	v59 =	vand.u32 $0xFFFFFF80, v31;
	v2 =	vand.u32 $0xFFFFFF80, v41  }
0x1b3: {  	v33 =	vadd.s32 v3, v59;
	v59 =	vand.u32 $0x7F, v11;
	v42 =	vadd.s32 v3, v2  }
0x1b4: {  	v6 =	vand.u32 $0x7F, v6;
	v26 =	vadd.s32 v8, v1;
	[tilespmem:v14+s16+$0x0] =	vst.idx.msk $0xffff, v5;
	v5 =	vor.u32 v59, v12;
	v59 =	vld [tilespmem:$0x1FCA0]  }
0x1b5: {  	v2 =	vor.u32 v6, v9;
	v58 =	vand.u32 $0xFFFFFF80, v26;
	v25 =	vadd.s32 v60, v1  }
0x1b6: {  	v28 =	vadd.s32 v3, v58;
	v58 =	vand.u32 $0xFFFFFF80, v25  }
0x1b7: {  	v27 =	vadd.s32 v3, v58;
	v58 =	vld [tilespmem:$0x1FFC0];
	_ =	sdelay $0x1  }
0x1b8: {  	v8 =	vld [tilespmem:$0x1FF70];
	v23 =	vadd.s32 v59, v1  }
0x1b9: {  	v2 =	vld.idx.msk [tilespmem:v2+s13+$0x0], $0xffff;
	v60 =	vand.u32 $0xFFFFFF80, v23  }
0x1ba: {  	v24 =	vadd.s32 v3, v60;
	v60 =	vld [tilespmem:$0x1FFD0]  }
0x1bb: {  	v20 =	vadd.s32 v58, v1;
	v58 =	vld [tilespmem:$0x1FFE0];
	_ =	sdelay $0x1  }
0x1bc: {  	v14 =	vadd.s32 v8, v1  }
0x1bd: {  	v9 =	vor.u32 v22, v0;
	[tilespmem:v10+s16+$0x0] =	vst.idx.msk $0xffff, v2;
	v2 =	vand.u32 $0xFFFFFF80, v14  }
0x1be: {  	v16 =	vadd.s32 v3, v2;
	v59 =	vand.u32 $0xFFFFFF80, v20;
	v19 =	vadd.s32 v60, v1  }
0x1bf: {  	v2 =	vld [tilespmem:$0x1FF80];
	v22 =	vadd.s32 v3, v59;
	v17 =	vadd.s32 v58, v1;
	v59 =	vand.u32 $0xFFFFFF80, v19  }
0x1c0: {  	v60 =	vand.u32 $0xFFFFFF80, v17;
	v21 =	vadd.s32 v3, v59;
	v59 =	vld [tilespmem:$0x1FF60]  }
0x1c1: {  	v18 =	vadd.s32 v3, v60;
	v60 =	vld [tilespmem:$0x1FC90];
	_ =	sdelay $0x2  }
0x1c2: {  	v58 =	vand.u32 $0x7F, v13;
	v13 =	vadd.s32 v2, v1  }
0x1c3: {  	v2 =	vand.u32 $0xFFFFFF80, v13;
	v11 =	vadd.s32 v59, v1  }
0x1c4: {  	v15 =	vadd.s32 v3, v2;
	v8 =	vadd.s32 v60, v1;
	v2 =	vand.u32 $0xFFFFFF80, v11  }
0x1c5: {  	v12 =	vadd.s32 v3, v2;
	v2 =	vand.u32 $0xFFFFFF80, v8  }
0x1c6: {  	v10 =	vadd.s32 v3, v2;
	v2 =	vld [tilespmem:$0x1FF90]  }
0x1c7: {  	v6 =	vld.idx.msk [tilespmem:v5+s13+$0x0], $0xffff;
	_ =	sdelay $0x1  }
0x1c8: {  	v53 =	vor.u32 v58, v53  }
0x1c9: {  	v7 =	vadd.s32 v56, v1  }
0x1ca: {  	v5 =	vadd.s32 v57, v1;
	v58 =	vmovc v56;
	v56 =	vand.u32 $0xFFFFFF80, v7;
	v2 =	vadd.s32 v2, v1  }
0x1cb: {  	[tilespmem:v9+s16+$0x0] =	vst.idx.msk $0xffff, v6;
	v9 =	vadd.s32 v3, v56;
	v59 =	vmovc v57;
	v57 =	vand.u32 $0xFFFFFF80, v5;
	v56 =	vand.u32 $0xFFFFFF80, v2  }
0x1cc: {  	v6 =	vadd.s32 v3, v57;
	v57 =	vand.u32 $0x7F, v4;
	v4 =	vadd.s32 v3, v56;
	v56 =	vld [tilespmem:$0x1FC40]  }
0x1cd: {  	v53 =	vld.idx.msk [tilespmem:v53+s13+$0x0], $0xffff;
	v60 =	vor.u32 v55, v0  }
0x1ce: {  	v54 =	vor.u32 v57, v54;
	_ =	sdelay $0x2  }
0x1cf: {  	v1 =	vadd.s32 v56, v1  }
0x1d0: {  	[tilespmem:v60+s16+$0x0] =	vst.idx.msk $0xffff, v53;
	v56 =	vand.u32 $0xFFFFFF80, v1  }
0x1d1: {  	v50 =	vand.u32 $0x7F, v50;
	v53 =	vld.idx.msk [tilespmem:v54+s13+$0x0], $0xffff;
	v3 =	vadd.s32 v3, v56;
	v56 =	vor.u32 v61, v0  }
0x1d2: {  	v50 =	vor.u32 v50, v52;
	v54 =	vld [tilespmem:$0x1FCD0];
	_ =	sdelay $0x3  }
0x1d3: {  	[tilespmem:v56+s16+$0x0] =	vst.idx.msk $0xffff, v53  }
0x1d4: {  	v49 =	vand.u32 $0x7F, v49;
	v52 =	vor.u32 v54, v0;
	v50 =	vld.idx.msk [tilespmem:v50+s13+$0x0], $0xffff  }
0x1d5: {  	v49 =	vor.u32 v49, v51;
	v53 =	vld [tilespmem:$0x1FCE0];
	_ =	sdelay $0x3  }
0x1d6: {  	[tilespmem:v52+s16+$0x0] =	vst.idx.msk $0xffff, v50  }
0x1d7: {  	v47 =	vand.u32 $0x7F, v47;
	v51 =	vor.u32 v53, v0;
	v49 =	vld.idx.msk [tilespmem:v49+s13+$0x0], $0xffff  }
0x1d8: {  	v47 =	vor.u32 v47, v48;
	v50 =	vld [tilespmem:$0x1FCF0];
	_ =	sdelay $0x3  }
0x1d9: {  	[tilespmem:v51+s16+$0x0] =	vst.idx.msk $0xffff, v49  }
0x1da: {  	v44 =	vand.u32 $0x7F, v44;
	v48 =	vor.u32 v50, v0;
	v47 =	vld.idx.msk [tilespmem:v47+s13+$0x0], $0xffff  }
0x1db: {  	v44 =	vor.u32 v44, v46;
	v49 =	vld [tilespmem:$0x1FD00];
	_ =	sdelay $0x3  }
0x1dc: {  	[tilespmem:v48+s16+$0x0] =	vst.idx.msk $0xffff, v47  }
0x1dd: {  	v43 =	vand.u32 $0x7F, v43;
	v52 =	vor.u32 v49, v0;
	v44 =	vld.idx.msk [tilespmem:v44+s13+$0x0], $0xffff  }
0x1de: {  	v43 =	vor.u32 v43, v45;
	v47 =	vld [tilespmem:$0x1FD10];
	_ =	sdelay $0x3  }
0x1df: {  	[tilespmem:v52+s16+$0x0] =	vst.idx.msk $0xffff, v44  }
0x1e0: {  	v41 =	vand.u32 $0x7F, v41;
	v48 =	vor.u32 v47, v0;
	v43 =	vld.idx.msk [tilespmem:v43+s13+$0x0], $0xffff  }
0x1e1: {  	v46 =	vld [tilespmem:$0x1FD20];
	v41 =	vor.u32 v41, v42;
	_ =	sdelay $0x3  }
0x1e2: {  	[tilespmem:v48+s16+$0x0] =	vst.idx.msk $0xffff, v43  }
0x1e3: {  	v37 =	vand.u32 $0x7F, v37;
	v51 =	vor.u32 v46, v0;
	v41 =	vld.idx.msk [tilespmem:v41+s13+$0x0], $0xffff  }
0x1e4: {  	v37 =	vor.u32 v37, v40;
	v43 =	vld [tilespmem:$0x1FD30];
	_ =	sdelay $0x3  }
0x1e5: {  	[tilespmem:v51+s16+$0x0] =	vst.idx.msk $0xffff, v41  }
0x1e6: {  	v38 =	vand.u32 $0x7F, v38;
	v52 =	vor.u32 v43, v0;
	v37 =	vld.idx.msk [tilespmem:v37+s13+$0x0], $0xffff  }
0x1e7: {  	v38 =	vor.u32 v38, v39;
	v41 =	vld [tilespmem:$0x1FD40];
	_ =	sdelay $0x3  }
0x1e8: {  	[tilespmem:v52+s16+$0x0] =	vst.idx.msk $0xffff, v37  }
0x1e9: {  	v35 =	vand.u32 $0x7F, v35;
	v48 =	vor.u32 v41, v0;
	v37 =	vld.idx.msk [tilespmem:v38+s13+$0x0], $0xffff  }
0x1ea: {  	v40 =	vld [tilespmem:$0x1FD50];
	v35 =	vor.u32 v35, v36;
	_ =	sdelay $0x3  }
0x1eb: {  	[tilespmem:v48+s16+$0x0] =	vst.idx.msk $0xffff, v37  }
0x1ec: {  	v32 =	vand.u32 $0x7F, v32;
	v51 =	vor.u32 v40, v0;
	v35 =	vld.idx.msk [tilespmem:v35+s13+$0x0], $0xffff  }
0x1ed: {  	v39 =	vld [tilespmem:$0x1FD60];
	v32 =	vor.u32 v32, v34;
	_ =	sdelay $0x3  }
0x1ee: {  	[tilespmem:v51+s16+$0x0] =	vst.idx.msk $0xffff, v35  }
0x1ef: {  	v31 =	vand.u32 $0x7F, v31;
	v52 =	vor.u32 v39, v0;
	v32 =	vld.idx.msk [tilespmem:v32+s13+$0x0], $0xffff  }
0x1f0: {  	v31 =	vor.u32 v31, v33;
	v42 =	vld [tilespmem:$0x1FD70];
	_ =	sdelay $0x3  }
0x1f1: {  	[tilespmem:v52+s16+$0x0] =	vst.idx.msk $0xffff, v32  }
0x1f2: {  	v29 =	vand.u32 $0x7F, v29;
	v48 =	vor.u32 v42, v0;
	v31 =	vld.idx.msk [tilespmem:v31+s13+$0x0], $0xffff  }
0x1f3: {  	v29 =	vor.u32 v29, v30;
	v44 =	vld [tilespmem:$0x1FD80];
	_ =	sdelay $0x3  }
0x1f4: {  	[tilespmem:v48+s16+$0x0] =	vst.idx.msk $0xffff, v31  }
0x1f5: {  	v26 =	vand.u32 $0x7F, v26;
	v30 =	vor.u32 v44, v0;
	v29 =	vld.idx.msk [tilespmem:v29+s13+$0x0], $0xffff  }
0x1f6: {  	v45 =	vld [tilespmem:$0x1FD90];
	v26 =	vor.u32 v26, v28;
	_ =	sdelay $0x3  }
0x1f7: {  	[tilespmem:v30+s16+$0x0] =	vst.idx.msk $0xffff, v29  }
0x1f8: {  	v28 =	vor.u32 v45, v0;
	v25 =	vand.u32 $0x7F, v25;
	v26 =	vld.idx.msk [tilespmem:v26+s13+$0x0], $0xffff  }
0x1f9: {  	v34 =	vld [tilespmem:$0x1FDB0];
	v25 =	vor.u32 v25, v27;
	_ =	sdelay $0x3  }
0x1fa: {  	[tilespmem:v28+s16+$0x0] =	vst.idx.msk $0xffff, v26  }
0x1fb: {  	v27 =	vor.u32 v34, v0;
	v23 =	vand.u32 $0x7F, v23;
	v25 =	vld.idx.msk [tilespmem:v25+s13+$0x0], $0xffff  }
0x1fc: {  	v23 =	vor.u32 v23, v24;
	v26 =	vld [tilespmem:$0x1FDC0];
	_ =	sdelay $0x3  }
0x1fd: {  	[tilespmem:v27+s16+$0x0] =	vst.idx.msk $0xffff, v25  }
0x1fe: {  	v20 =	vand.u32 $0x7F, v20;
	v24 =	vor.u32 v26, v0;
	v23 =	vld.idx.msk [tilespmem:v23+s13+$0x0], $0xffff  }
0x1ff: {  	v20 =	vor.u32 v20, v22;
	v25 =	vld [tilespmem:$0x1FDD0];
	_ =	sdelay $0x3  }
0x200: {  	[tilespmem:v24+s16+$0x0] =	vst.idx.msk $0xffff, v23  }
0x201: {  	v19 =	vand.u32 $0x7F, v19;
	v22 =	vor.u32 v25, v0;
	v20 =	vld.idx.msk [tilespmem:v20+s13+$0x0], $0xffff  }
0x202: {  	v19 =	vor.u32 v19, v21;
	v23 =	vld [tilespmem:$0x1FDE0];
	_ =	sdelay $0x3  }
0x203: {  	[tilespmem:v22+s16+$0x0] =	vst.idx.msk $0xffff, v20  }
0x204: {  	v17 =	vand.u32 $0x7F, v17;
	v21 =	vor.u32 v23, v0;
	v19 =	vld.idx.msk [tilespmem:v19+s13+$0x0], $0xffff  }
0x205: {  	v17 =	vor.u32 v17, v18;
	v24 =	vld [tilespmem:$0x1FDF0];
	_ =	sdelay $0x3  }
0x206: {  	[tilespmem:v21+s16+$0x0] =	vst.idx.msk $0xffff, v19  }
0x207: {  	v14 =	vand.u32 $0x7F, v14;
	v18 =	vor.u32 v24, v0;
	v17 =	vld.idx.msk [tilespmem:v17+s13+$0x0], $0xffff  }
0x208: {  	v14 =	vor.u32 v14, v16;
	v19 =	vld [tilespmem:$0x1FE80];
	_ =	sdelay $0x3  }
0x209: {  	[tilespmem:v18+s16+$0x0] =	vst.idx.msk $0xffff, v17  }
0x20a: {  	v13 =	vand.u32 $0x7F, v13;
	v16 =	vor.u32 v19, v0;
	v14 =	vld.idx.msk [tilespmem:v14+s13+$0x0], $0xffff  }
0x20b: {  	v13 =	vor.u32 v13, v15;
	v17 =	vld [tilespmem:$0x1FF00];
	_ =	sdelay $0x3  }
0x20c: {  	[tilespmem:v16+s16+$0x0] =	vst.idx.msk $0xffff, v14  }
0x20d: {  	v11 =	vand.u32 $0x7F, v11;
	v15 =	vor.u32 v17, v0;
	v13 =	vld.idx.msk [tilespmem:v13+s13+$0x0], $0xffff  }
0x20e: {  	v11 =	vor.u32 v11, v12;
	v14 =	vld [tilespmem:$0x1FE10];
	_ =	sdelay $0x3  }
0x20f: {  	[tilespmem:v15+s16+$0x0] =	vst.idx.msk $0xffff, v13  }
0x210: {  	v8 =	vand.u32 $0x7F, v8;
	v12 =	vor.u32 v14, v0;
	v11 =	vld.idx.msk [tilespmem:v11+s13+$0x0], $0xffff  }
0x211: {  	v8 =	vor.u32 v8, v10;
	v13 =	vld [tilespmem:$0x1FE20];
	_ =	sdelay $0x3  }
0x212: {  	[tilespmem:v12+s16+$0x0] =	vst.idx.msk $0xffff, v11  }
0x213: {  	v7 =	vand.u32 $0x7F, v7;
	v10 =	vor.u32 v13, v0;
	v8 =	vld.idx.msk [tilespmem:v8+s13+$0x0], $0xffff  }
0x214: {  	v7 =	vor.u32 v7, v9;
	v11 =	vld [tilespmem:$0x1FE30];
	_ =	sdelay $0x3  }
0x215: {  	v36 =	vld [tilespmem:$0x1FDA0];
	[tilespmem:v10+s16+$0x0] =	vst.idx.msk $0xffff, v8  }
0x216: {  	v5 =	vand.u32 $0x7F, v5;
	v9 =	vor.u32 v11, v0;
	v7 =	vld.idx.msk [tilespmem:v7+s13+$0x0], $0xffff  }
0x217: {  	v5 =	vor.u32 v5, v6;
	v10 =	vld [tilespmem:$0x1FE40]  }
0x218: {  	v33 =	vld [tilespmem:$0x1FEF0]  }
0x219: {  	v60 =	vld [tilespmem:$0x1FF20]  }
0x21a: {  	v37 =	vld [tilespmem:$0x1FCC0]  }
0x21b: {  	v32 =	vld [tilespmem:$0x1FEE0];
	[tilespmem:v9+s16+$0x0] =	vst.idx.msk $0xffff, v7  }
0x21c: {  	v2 =	vand.u32 $0x7F, v2;
	v51 =	vor.u32 v10, v0;
	v5 =	vld.idx.msk [tilespmem:v5+s13+$0x0], $0xffff  }
0x21d: {  	v2 =	vor.u32 v2, v4;
	v9 =	vld [tilespmem:$0x1FE50]  }
0x21e: {  	v31 =	vld [tilespmem:$0x1FED0]  }
0x21f: {  	v30 =	vld [tilespmem:$0x1FEC0]  }
0x220: {  	v29 =	vld [tilespmem:$0x1FEB0]  }
0x221: {  	v28 =	vld [tilespmem:$0x1FEA0];
	[tilespmem:v51+s16+$0x0] =	vst.idx.msk $0xffff, v5  }
0x222: {  	v1 =	vand.u32 $0x7F, v1;
	v52 =	vor.u32 v9, v0;
	v2 =	vld.idx.msk [tilespmem:v2+s13+$0x0], $0xffff  }
0x223: {  	p1 =	sne.s32 s31, $0xF0;
	v1 =	vor.u32 v1, v3;
	v12 =	vld [tilespmem:$0x1FE60]  }
.Ltmp1:
0x224: {  	v27 =	vld [tilespmem:$0x1FE90];
	(pc) =	sbr.rel @p1 .LBB2_5-.Ltmp1, $4  }
0x225: {  	v20 =	vld [tilespmem:$0x1FE70]  }
0x226: {  	s2 =	smov.u32 s31;
	s30 =	sadd.s32 $0x80, s30;
	v22 =	vld [tilespmem:$0x1FE00]  }
0x227: {  	s29 =	smov.u32 s2;
	s2 =	sand.u32 $0x400, s30;
	v21 =	vld [tilespmem:$0x1FF10];
	[tilespmem:v52+s16+$0x0] =	vst.idx.msk $0xffff, v2  }
0x228: {  	s31 =	sadd.s32 $0x10, s31;
	s0 =	sand.u32 $0x70, s29;
	s2 =	sadd.s32 s2, s26;
	v57 =	vmovc v59;
	v56 =	vmovc v58;
	v16 =	vlaneseq.u32;
	v15 =	vmov v63;
	v0 =	vor.u32 v12, v0;
	v1 =	vld.idx.msk [tilespmem:v1+s13+$0x0], $0xffff  }
0x229: {  	_ =	sdelay $0x3  }
0x22a: {  	s0 =	sadd.s32 s0, s2;
	[tilespmem:v0+s16+$0x0] =	vst.idx.msk $0xffff, v1  }
0x22b: {  	v0 =	vld [tilespmem:s0+$0x0];
	_ =	sdelay $0x4  }
0x22c: {  	v2 =	vor.u32 s29, v16;
	v3 =	vadd.s32 v16, v0  }
0x22d: {  	v1 =	vshll.u32 v2, $0x7;
	v4 =	vand.u32 $0xFFFFFF80, v3  }
0x22e: {  	v3 =	vand.u32 $0x7F, v3;
	v4 =	vadd.s32 v1, v4  }
0x22f: {  	v3 =	vor.u32 v3, v4  }
0x230: {  	v4 =	vmov s29  }
0x231: {  	v4 =	vshll.u32 v4, $0x3  }
0x232: {  	v2 =	vand.u32 $0x7F, v2;
	v5 =	vadd.s32 v20, v0;
	v4 =	vand.u32 $0x400, v4  }
0x233: {  	v6 =	vand.u32 $0xFFFFFF80, v5;
	v2 =	vor.u32 v4, v2  }
0x234: {  	v5 =	vand.u32 $0x7F, v5;
	v4 =	vadd.s32 v1, v6;
	v6 =	vor.u32 v36, v2;
	v3 =	vld.idx.msk [tilespmem:v3+s13+$0x0], $0xffff  }
0x235: {  	v4 =	vor.u32 v5, v4;
	_ =	sdelay $0x2  }
0x236: {  	v5 =	vadd.s32 v21, v0  }
0x237: {  	v38 =	vand.u32 $0xFFFFFF80, v5;
	[tilespmem:v6+s16+$0x0] =	vst.idx.msk $0xffff, v3  }
0x238: {  	v5 =	vand.u32 $0x7F, v5;
	v3 =	vadd.s32 v1, v38;
	v6 =	vor.u32 v37, v2;
	v4 =	vld.idx.msk [tilespmem:v4+s13+$0x0], $0xffff  }
0x239: {  	v3 =	vor.u32 v5, v3;
	_ =	sdelay $0x2  }
0x23a: {  	v5 =	vadd.s32 v27, v0  }
0x23b: {  	[tilespmem:v6+s16+$0x0] =	vst.idx.msk $0xffff, v4;
	v4 =	vand.u32 $0xFFFFFF80, v5  }
0x23c: {  	v6 =	vor.u32 v15, v2;
	v5 =	vand.u32 $0x7F, v5;
	v4 =	vadd.s32 v1, v4;
	v3 =	vld.idx.msk [tilespmem:v3+s13+$0x0], $0xffff  }
0x23d: {  	v4 =	vor.u32 v5, v4;
	_ =	sdelay $0x2  }
0x23e: {  	v5 =	vadd.s32 v28, v0  }
0x23f: {  	v48 =	vand.u32 $0xFFFFFF80, v5;
	[tilespmem:v6+s16+$0x0] =	vst.idx.msk $0xffff, v3  }
0x240: {  	v5 =	vand.u32 $0x7F, v5;
	v3 =	vadd.s32 v1, v48;
	v6 =	vor.u32 v22, v2;
	v4 =	vld.idx.msk [tilespmem:v4+s13+$0x0], $0xffff  }
0x241: {  	v3 =	vor.u32 v5, v3;
	_ =	sdelay $0x2  }
0x242: {  	v5 =	vadd.s32 v29, v0  }
0x243: {  	[tilespmem:v6+s16+$0x0] =	vst.idx.msk $0xffff, v4;
	v4 =	vand.u32 $0xFFFFFF80, v5  }
0x244: {  	v6 =	vor.u32 v55, v2;
	v5 =	vand.u32 $0x7F, v5;
	v4 =	vadd.s32 v1, v4;
	v3 =	vld.idx.msk [tilespmem:v3+s13+$0x0], $0xffff  }
0x245: {  	v4 =	vor.u32 v5, v4;
	_ =	sdelay $0x2  }
0x246: {  	v5 =	vadd.s32 v30, v0  }
0x247: {  	v51 =	vand.u32 $0xFFFFFF80, v5;
	[tilespmem:v6+s16+$0x0] =	vst.idx.msk $0xffff, v3  }
0x248: {  	v5 =	vand.u32 $0x7F, v5;
	v3 =	vadd.s32 v1, v51;
	v6 =	vor.u32 v61, v2;
	v4 =	vld.idx.msk [tilespmem:v4+s13+$0x0], $0xffff  }
0x249: {  	v3 =	vor.u32 v5, v3;
	_ =	sdelay $0x2  }
0x24a: {  	v5 =	vadd.s32 v31, v0  }
0x24b: {  	[tilespmem:v6+s16+$0x0] =	vst.idx.msk $0xffff, v4;
	v4 =	vand.u32 $0xFFFFFF80, v5  }
0x24c: {  	v6 =	vor.u32 v54, v2;
	v5 =	vand.u32 $0x7F, v5;
	v4 =	vadd.s32 v1, v4;
	v3 =	vld.idx.msk [tilespmem:v3+s13+$0x0], $0xffff  }
0x24d: {  	v4 =	vor.u32 v5, v4;
	_ =	sdelay $0x2  }
0x24e: {  	v5 =	vadd.s32 v32, v0  }
0x24f: {  	v52 =	vand.u32 $0xFFFFFF80, v5;
	[tilespmem:v6+s16+$0x0] =	vst.idx.msk $0xffff, v3  }
0x250: {  	v5 =	vand.u32 $0x7F, v5;
	v3 =	vadd.s32 v1, v52;
	v6 =	vor.u32 v53, v2;
	v4 =	vld.idx.msk [tilespmem:v4+s13+$0x0], $0xffff  }
0x251: {  	v3 =	vor.u32 v5, v3;
	_ =	sdelay $0x2  }
0x252: {  	v5 =	vadd.s32 v33, v0  }
0x253: {  	[tilespmem:v6+s16+$0x0] =	vst.idx.msk $0xffff, v4;
	v4 =	vand.u32 $0xFFFFFF80, v5  }
0x254: {  	v6 =	vor.u32 v50, v2;
	v5 =	vand.u32 $0x7F, v5;
	v4 =	vadd.s32 v1, v4;
	v3 =	vld.idx.msk [tilespmem:v3+s13+$0x0], $0xffff  }
0x255: {  	v4 =	vor.u32 v5, v4;
	_ =	sdelay $0x2  }
0x256: {  	v5 =	vadd.s32 v60, v0  }
0x257: {  	v8 =	vmov v61;
	v61 =	vand.u32 $0xFFFFFF80, v5;
	[tilespmem:v6+s16+$0x0] =	vst.idx.msk $0xffff, v3  }
0x258: {  	v5 =	vand.u32 $0x7F, v5;
	v3 =	vadd.s32 v1, v61;
	v6 =	vor.u32 v49, v2;
	v4 =	vld.idx.msk [tilespmem:v4+s13+$0x0], $0xffff  }
0x259: {  	v3 =	vor.u32 v5, v3;
	_ =	sdelay $0x2  }
0x25a: {  	v5 =	vadd.s32 v62, v0  }
0x25b: {  	[tilespmem:v6+s16+$0x0] =	vst.idx.msk $0xffff, v4;
	v4 =	vand.u32 $0xFFFFFF80, v5  }
0x25c: {  	v6 =	vor.u32 v47, v2;
	v5 =	vand.u32 $0x7F, v5;
	v4 =	vadd.s32 v1, v4;
	v3 =	vld.idx.msk [tilespmem:v3+s13+$0x0], $0xffff  }
0x25d: {  	v4 =	vor.u32 v5, v4  }
0x25e: {  	v51 =	vld [tilespmem:$0x1FFF0];
	_ =	sdelay $0x2  }
0x25f: {  	v52 =	vld [tilespmem:$0x1FC50];
	[tilespmem:v6+s16+$0x0] =	vst.idx.msk $0xffff, v3  }
0x260: {  	v6 =	vor.u32 v46, v2;
	v4 =	vld.idx.msk [tilespmem:v4+s13+$0x0], $0xffff  }
0x261: {  	v5 =	vadd.s32 v51, v0  }
0x262: {  	v35 =	vand.u32 $0xFFFFFF80, v5  }
0x263: {  	v5 =	vand.u32 $0x7F, v5;
	v3 =	vadd.s32 v1, v35  }
0x264: {  	v3 =	vor.u32 v5, v3;
	v5 =	vadd.s32 v52, v0  }
0x265: {  	[tilespmem:v6+s16+$0x0] =	vst.idx.msk $0xffff, v4;
	v4 =	vand.u32 $0xFFFFFF80, v5  }
0x266: {  	v5 =	vand.u32 $0x7F, v5;
	v4 =	vadd.s32 v1, v4  }
0x267: {  	v4 =	vor.u32 v5, v4;
	v5 =	vld [tilespmem:$0x1FF40];
	_ =	sdelay $0x1  }
0x268: {  	v6 =	vor.u32 v43, v2;
	v3 =	vld.idx.msk [tilespmem:v3+s13+$0x0], $0xffff;
	_ =	sdelay $0x2  }
0x269: {  	v5 =	vadd.s32 v5, v0  }
0x26a: {  	v38 =	vand.u32 $0xFFFFFF80, v5  }
0x26b: {  	[tilespmem:v6+s16+$0x0] =	vst.idx.msk $0xffff, v3;
	v5 =	vand.u32 $0x7F, v5;
	v3 =	vadd.s32 v1, v38  }
0x26c: {  	v3 =	vor.u32 v5, v3;
	v5 =	vld [tilespmem:$0x1FC60]  }
0x26d: {  	v6 =	vor.u32 v41, v2;
	v4 =	vld.idx.msk [tilespmem:v4+s13+$0x0], $0xffff;
	_ =	sdelay $0x3  }
0x26e: {  	v5 =	vadd.s32 v5, v0  }
0x26f: {  	[tilespmem:v6+s16+$0x0] =	vst.idx.msk $0xffff, v4;
	v4 =	vand.u32 $0xFFFFFF80, v5  }
0x270: {  	v5 =	vand.u32 $0x7F, v5;
	v4 =	vadd.s32 v1, v4  }
0x271: {  	v4 =	vor.u32 v5, v4;
	v5 =	vld [tilespmem:$0x1FCB0];
	_ =	sdelay $0x1  }
0x272: {  	v6 =	vor.u32 v40, v2;
	v3 =	vld.idx.msk [tilespmem:v3+s13+$0x0], $0xffff;
	_ =	sdelay $0x2  }
0x273: {  	v5 =	vadd.s32 v5, v0  }
0x274: {  	v61 =	vand.u32 $0xFFFFFF80, v5  }
0x275: {  	[tilespmem:v6+s16+$0x0] =	vst.idx.msk $0xffff, v3;
	v5 =	vand.u32 $0x7F, v5;
	v3 =	vadd.s32 v1, v61  }
0x276: {  	v3 =	vor.u32 v5, v3;
	v5 =	vld [tilespmem:$0x1FF30]  }
0x277: {  	v6 =	vor.u32 v39, v2;
	v4 =	vld.idx.msk [tilespmem:v4+s13+$0x0], $0xffff;
	_ =	sdelay $0x3  }
0x278: {  	v5 =	vadd.s32 v5, v0  }
0x279: {  	[tilespmem:v6+s16+$0x0] =	vst.idx.msk $0xffff, v4;
	v4 =	vand.u32 $0xFFFFFF80, v5  }
0x27a: {  	v5 =	vand.u32 $0x7F, v5;
	v4 =	vadd.s32 v1, v4  }
0x27b: {  	v4 =	vor.u32 v5, v4;
	v5 =	vld [tilespmem:$0x1FF50];
	_ =	sdelay $0x1  }
0x27c: {  	v6 =	vor.u32 v42, v2;
	v3 =	vld.idx.msk [tilespmem:v3+s13+$0x0], $0xffff;
	_ =	sdelay $0x2  }
0x27d: {  	v5 =	vadd.s32 v5, v0  }
0x27e: {  	v48 =	vmov v62;
	v62 =	vand.u32 $0xFFFFFF80, v5  }
0x27f: {  	[tilespmem:v6+s16+$0x0] =	vst.idx.msk $0xffff, v3;
	v5 =	vand.u32 $0x7F, v5;
	v3 =	vadd.s32 v1, v62  }
0x280: {  	v3 =	vor.u32 v5, v3;
	v5 =	vld [tilespmem:$0x1FC80]  }
0x281: {  	v6 =	vor.u32 v44, v2;
	v4 =	vld.idx.msk [tilespmem:v4+s13+$0x0], $0xffff;
	_ =	sdelay $0x3  }
0x282: {  	v5 =	vadd.s32 v5, v0  }
0x283: {  	[tilespmem:v6+s16+$0x0] =	vst.idx.msk $0xffff, v4;
	v4 =	vand.u32 $0xFFFFFF80, v5  }
0x284: {  	v5 =	vand.u32 $0x7F, v5;
	v4 =	vadd.s32 v1, v4  }
0x285: {  	v4 =	vor.u32 v5, v4;
	v5 =	vld [tilespmem:$0x1FCA0]  }
0x286: {  	v6 =	vor.u32 v45, v2;
	v3 =	vld.idx.msk [tilespmem:v3+s13+$0x0], $0xffff;
	_ =	sdelay $0x3  }
0x287: {  	v5 =	vadd.s32 v5, v0  }
0x288: {  	v62 =	vld [tilespmem:$0x1FFC0];
	[tilespmem:v6+s16+$0x0] =	vst.idx.msk $0xffff, v3;
	v35 =	vand.u32 $0xFFFFFF80, v5  }
0x289: {  	v6 =	vor.u32 v34, v2;
	v4 =	vld.idx.msk [tilespmem:v4+s13+$0x0], $0xffff;
	v5 =	vand.u32 $0x7F, v5;
	v3 =	vadd.s32 v1, v35  }
0x28a: {  	v3 =	vor.u32 v5, v3;
	_ =	sdelay $0x2  }
0x28b: {  	v35 =	vld [tilespmem:$0x1FFD0];
	v5 =	vadd.s32 v62, v0  }
0x28c: {  	[tilespmem:v6+s16+$0x0] =	vst.idx.msk $0xffff, v4;
	v4 =	vand.u32 $0xFFFFFF80, v5  }
0x28d: {  	v6 =	vor.u32 v26, v2;
	v5 =	vand.u32 $0x7F, v5;
	v4 =	vadd.s32 v1, v4;
	v3 =	vld.idx.msk [tilespmem:v3+s13+$0x0], $0xffff  }
0x28e: {  	v4 =	vor.u32 v5, v4;
	_ =	sdelay $0x1  }
0x28f: {  	v5 =	vadd.s32 v35, v0  }
0x290: {  	v38 =	vand.u32 $0xFFFFFF80, v5  }
0x291: {  	[tilespmem:v6+s16+$0x0] =	vst.idx.msk $0xffff, v3;
	v3 =	vadd.s32 v1, v38;
	v38 =	vld [tilespmem:$0x1FFE0]  }
0x292: {  	v6 =	vor.u32 v25, v2;
	v4 =	vld.idx.msk [tilespmem:v4+s13+$0x0], $0xffff;
	_ =	sdelay $0x2  }
0x293: {  	v5 =	vand.u32 $0x7F, v5  }
0x294: {  	v3 =	vor.u32 v5, v3;
	v5 =	vadd.s32 v38, v0  }
0x295: {  	[tilespmem:v6+s16+$0x0] =	vst.idx.msk $0xffff, v4;
	v4 =	vand.u32 $0xFFFFFF80, v5  }
0x296: {  	v5 =	vand.u32 $0x7F, v5;
	v4 =	vadd.s32 v1, v4  }
0x297: {  	v4 =	vor.u32 v5, v4;
	v5 =	vld [tilespmem:$0x1FF70];
	_ =	sdelay $0x1  }
0x298: {  	v6 =	vor.u32 v23, v2;
	v3 =	vld.idx.msk [tilespmem:v3+s13+$0x0], $0xffff;
	_ =	sdelay $0x2  }
0x299: {  	v5 =	vadd.s32 v5, v0  }
0x29a: {  	v61 =	vand.u32 $0xFFFFFF80, v5  }
0x29b: {  	[tilespmem:v6+s16+$0x0] =	vst.idx.msk $0xffff, v3;
	v3 =	vadd.s32 v1, v61;
	v61 =	vld [tilespmem:$0x1FF80]  }
0x29c: {  	v6 =	vor.u32 v24, v2;
	v4 =	vld.idx.msk [tilespmem:v4+s13+$0x0], $0xffff;
	_ =	sdelay $0x1  }
0x29d: {  	v5 =	vand.u32 $0x7F, v5  }
0x29e: {  	v3 =	vor.u32 v5, v3  }
0x29f: {  	v5 =	vadd.s32 v61, v0  }
0x2a0: {  	[tilespmem:v6+s16+$0x0] =	vst.idx.msk $0xffff, v4;
	v4 =	vand.u32 $0xFFFFFF80, v5  }
0x2a1: {  	v5 =	vand.u32 $0x7F, v5;
	v4 =	vadd.s32 v1, v4  }
0x2a2: {  	v4 =	vor.u32 v5, v4;
	v5 =	vld [tilespmem:$0x1FF60]  }
0x2a3: {  	v6 =	vor.u32 v19, v2;
	v3 =	vld.idx.msk [tilespmem:v3+s13+$0x0], $0xffff;
	_ =	sdelay $0x3  }
0x2a4: {  	v5 =	vadd.s32 v5, v0  }
0x2a5: {  	[tilespmem:v6+s16+$0x0] =	vst.idx.msk $0xffff, v3;
	v3 =	vand.u32 $0xFFFFFF80, v5  }
0x2a6: {  	v5 =	vand.u32 $0x7F, v5;
	v3 =	vadd.s32 v1, v3  }
0x2a7: {  	v3 =	vor.u32 v5, v3;
	v5 =	vld [tilespmem:$0x1FC90]  }
0x2a8: {  	v6 =	vor.u32 v17, v2;
	v4 =	vld.idx.msk [tilespmem:v4+s13+$0x0], $0xffff;
	_ =	sdelay $0x3  }
0x2a9: {  	v5 =	vadd.s32 v5, v0  }
0x2aa: {  	[tilespmem:v6+s16+$0x0] =	vst.idx.msk $0xffff, v4;
	v4 =	vand.u32 $0xFFFFFF80, v5  }
0x2ab: {  	v6 =	vor.u32 v14, v2;
	v3 =	vld.idx.msk [tilespmem:v3+s13+$0x0], $0xffff;
	v5 =	vand.u32 $0x7F, v5;
	v4 =	vadd.s32 v1, v4  }
0x2ac: {  	v4 =	vor.u32 v5, v4;
	_ =	sdelay $0x2  }
0x2ad: {  	v5 =	vadd.s32 v56, v0  }
0x2ae: {  	[tilespmem:v6+s16+$0x0] =	vst.idx.msk $0xffff, v3;
	v3 =	vand.u32 $0xFFFFFF80, v5  }
0x2af: {  	v6 =	vor.u32 v13, v2;
	v5 =	vand.u32 $0x7F, v5;
	v3 =	vadd.s32 v1, v3;
	v4 =	vld.idx.msk [tilespmem:v4+s13+$0x0], $0xffff  }
0x2b0: {  	v3 =	vor.u32 v5, v3;
	_ =	sdelay $0x2  }
0x2b1: {  	v5 =	vadd.s32 v57, v0  }
0x2b2: {  	v18 =	vld [tilespmem:$0x1FF90];
	[tilespmem:v6+s16+$0x0] =	vst.idx.msk $0xffff, v4;
	v4 =	vand.u32 $0xFFFFFF80, v5  }
0x2b3: {  	v6 =	vor.u32 v11, v2;
	v5 =	vand.u32 $0x7F, v5;
	v4 =	vadd.s32 v1, v4;
	v3 =	vld.idx.msk [tilespmem:v3+s13+$0x0], $0xffff  }
0x2b4: {  	v4 =	vor.u32 v5, v4;
	_ =	sdelay $0x2  }
0x2b5: {  	v5 =	vadd.s32 v18, v0  }
0x2b6: {  	v7 =	vld [tilespmem:$0x1FC40];
	[tilespmem:v6+s16+$0x0] =	vst.idx.msk $0xffff, v3;
	v3 =	vand.u32 $0xFFFFFF80, v5  }
0x2b7: {  	v6 =	vor.u32 v10, v2;
	v5 =	vand.u32 $0x7F, v5;
	v3 =	vadd.s32 v1, v3;
	v4 =	vld.idx.msk [tilespmem:v4+s13+$0x0], $0xffff  }
0x2b8: {  	v3 =	vor.u32 v5, v3;
	_ =	sdelay $0x2  }
0x2b9: {  	v0 =	vadd.s32 v7, v0  }
0x2ba: {  	[tilespmem:v6+s16+$0x0] =	vst.idx.msk $0xffff, v4;
	v4 =	vand.u32 $0xFFFFFF80, v0  }
0x2bb: {  	v0 =	vand.u32 $0x7F, v0;
	v1 =	vadd.s32 v1, v4;
	v4 =	vor.u32 v9, v2;
	v3 =	vld.idx.msk [tilespmem:v3+s13+$0x0], $0xffff  }
0x2bc: {  	v0 =	vor.u32 v0, v1;
	_ =	sdelay $0x3  }
0x2bd: {  	[tilespmem:v4+s16+$0x0] =	vst.idx.msk $0xffff, v3  }
0x2be: {  	v1 =	vor.u32 v12, v2;
	v0 =	vld.idx.msk [tilespmem:v0+s13+$0x0], $0xffff  }
0x2bf: {  	p1 =	sne.s32 s28, $0x13  }
.Ltmp2:
0x2c0: {  	_ = 	snop;
	(pc) =	sbr.rel @p1 .LBB2_8-.Ltmp2, $4  }
0x2c1: {  	_ = 	snop  }
0x2c2: {  	s26 =	sshll.u32 s28, $0x10  }
0x2c3: {  	s28 =	sadd.s32 $0x1, s28;
	s31 =	sadd.s32 s26, s4;
	[tilespmem:v1+s16+$0x0] =	vst.idx.msk $0xffff, v0  }
0x2c4: {  	[hbm4b:s31+s17] =	stream.strided.scatter [tilespmem:s16], [sflag:$0x3], $0x2000, s9, s17, $0x38;
	[tilespmem:$0x1C800] =	vst v63  }
.Ltmp3:
0x2c5: {  	(pc) =	sbr.rel .LBB2_9-.Ltmp3, $4  }
0x2c6: {  	_ = 	snop  }
0x2c7: {  	_ =	swait.ge [sflag:s18], $0x8000  }
0x2c8: {  	[sflag:s18] =	ssyncset.done $0x0  }
0x2c9: {  	[sflag:s18] =	ssyncadd.s32 $0xFFFF8000  }
.LBB2_8:
0x2ca: {  	s0 =	sshll.u32 s28, $0x9  }
0x2cb: {  	s0 =	sand.u32 $0x3FFFFE00, s0  }
.Ltmp4:
0x2cc: {  	s0 =	sadd.s32 $0x3000, s0;
	(pc) =	sbr.rel @p0 .LBB2_10-.Ltmp4, $4  }
0x2cd: {  	[tilespmem:s13], [sflag:$0x1] =	stream.indirect.gather [hbm4b:s3+s11], $0x80, s0, s11, $0xb8;
	[tilespmem:$0x1C800] =	vst v63  }
0x2ce: {  	_ =	swait.ge [sflag:s18], $0x8000  }
0x2cf: {  	[sflag:s18] =	ssyncset.done $0x0  }
0x2d0: {  	[sflag:s18] =	ssyncadd.s32 $0xFFFF8000  }
.LBB2_9:
0x2d1: {  	_ =	swait.ge [sflag:s19], $0x2000  }
0x2d2: {  	[sflag:s19] =	ssyncset.done $0x0  }
0x2d3: {  	[sflag:s19] =	ssyncadd.s32 $0xFFFFE000  }
.LBB2_10:
0x2d4: {  	s0 =	simm.s32 $0x0  }
0x2d5: {  	s2 =	sand.u32 $0x400, s0  }
0x2d6: {  	s2 =	sadd.s32 s2, s25  }
0x2d7: {  	s29 =	sand.u32 $0x70, s0;
	s2 =	sadd.s32 s24, s2  }
0x2d8: {  	s2 =	sadd.s32 s29, s2  }
0x2d9: {  	v1 =	vld [tilespmem:s2+$0x800];
	_ =	sdelay $0x4  }
0x2da: {  	v0 =	vor.u32 s0, v16;
	v3 =	vadd.s32 v16, v1  }
0x2db: {  	v2 =	vshll.u32 v0, $0x7;
	v4 =	vand.u32 $0xFFFFFF80, v3  }
0x2dc: {  	v3 =	vand.u32 $0x7F, v3;
	v4 =	vadd.s32 v2, v4  }
0x2dd: {  	v3 =	vor.u32 v3, v4  }
0x2de: {  	v4 =	vmov s0  }
0x2df: {  	v4 =	vshll.u32 v4, $0x3  }
0x2e0: {  	v0 =	vand.u32 $0x7F, v0;
	v5 =	vadd.s32 v20, v1;
	v4 =	vand.u32 $0x400, v4  }
0x2e1: {  	v0 =	vor.u32 v4, v0;
	v4 =	vand.u32 $0xFFFFFF80, v5  }
0x2e2: {  	v5 =	vand.u32 $0x7F, v5;
	v4 =	vadd.s32 v2, v4;
	v6 =	vor.u32 v36, v0;
	v3 =	vld.idx.msk [tilespmem:v3+s14+$0x0], $0xffff  }
0x2e3: {  	v4 =	vor.u32 v5, v4;
	_ =	sdelay $0x2  }
0x2e4: {  	v5 =	vadd.s32 v21, v1  }
0x2e5: {  	[tilespmem:v6+s20+$0x0] =	vst.idx.msk $0xffff, v3;
	v3 =	vand.u32 $0xFFFFFF80, v5  }
0x2e6: {  	v6 =	vor.u32 v37, v0;
	v5 =	vand.u32 $0x7F, v5;
	v3 =	vadd.s32 v2, v3;
	v4 =	vld.idx.msk [tilespmem:v4+s14+$0x0], $0xffff  }
0x2e7: {  	v3 =	vor.u32 v5, v3;
	_ =	sdelay $0x2  }
0x2e8: {  	v5 =	vadd.s32 v27, v1  }
0x2e9: {  	[tilespmem:v6+s20+$0x0] =	vst.idx.msk $0xffff, v4;
	v4 =	vand.u32 $0xFFFFFF80, v5  }
0x2ea: {  	v6 =	vor.u32 v15, v0;
	v5 =	vand.u32 $0x7F, v5;
	v4 =	vadd.s32 v2, v4;
	v3 =	vld.idx.msk [tilespmem:v3+s14+$0x0], $0xffff  }
0x2eb: {  	v4 =	vor.u32 v5, v4;
	_ =	sdelay $0x2  }
0x2ec: {  	v5 =	vadd.s32 v28, v1  }
0x2ed: {  	[tilespmem:v6+s20+$0x0] =	vst.idx.msk $0xffff, v3;
	v3 =	vand.u32 $0xFFFFFF80, v5  }
0x2ee: {  	v6 =	vor.u32 v22, v0;
	v5 =	vand.u32 $0x7F, v5;
	v3 =	vadd.s32 v2, v3;
	v4 =	vld.idx.msk [tilespmem:v4+s14+$0x0], $0xffff  }
0x2ef: {  	v3 =	vor.u32 v5, v3;
	_ =	sdelay $0x2  }
0x2f0: {  	v5 =	vadd.s32 v29, v1  }
0x2f1: {  	[tilespmem:v6+s20+$0x0] =	vst.idx.msk $0xffff, v4;
	v4 =	vand.u32 $0xFFFFFF80, v5  }
0x2f2: {  	v6 =	vor.u32 v55, v0;
	v5 =	vand.u32 $0x7F, v5;
	v4 =	vadd.s32 v2, v4;
	v3 =	vld.idx.msk [tilespmem:v3+s14+$0x0], $0xffff  }
0x2f3: {  	v4 =	vor.u32 v5, v4;
	_ =	sdelay $0x2  }
0x2f4: {  	v55 =	vadd.s32 v30, v1  }
0x2f5: {  	[tilespmem:v6+s20+$0x0] =	vst.idx.msk $0xffff, v3;
	v3 =	vand.u32 $0xFFFFFF80, v55  }
0x2f6: {  	v5 =	vand.u32 $0x7F, v55;
	v6 =	vor.u32 v8, v0;
	v3 =	vadd.s32 v2, v3;
	v4 =	vld.idx.msk [tilespmem:v4+s14+$0x0], $0xffff  }
0x2f7: {  	v3 =	vor.u32 v5, v3;
	_ =	sdelay $0x2  }
0x2f8: {  	v55 =	vadd.s32 v31, v1  }
0x2f9: {  	v8 =	vand.u32 $0xFFFFFF80, v55;
	[tilespmem:v6+s20+$0x0] =	vst.idx.msk $0xffff, v4  }
0x2fa: {  	v54 =	vor.u32 v54, v0;
	v5 =	vand.u32 $0x7F, v55;
	v4 =	vadd.s32 v2, v8;
	v3 =	vld.idx.msk [tilespmem:v3+s14+$0x0], $0xffff  }
0x2fb: {  	v4 =	vor.u32 v5, v4;
	_ =	sdelay $0x2  }
0x2fc: {  	v55 =	vadd.s32 v32, v1  }
0x2fd: {  	[tilespmem:v54+s20+$0x0] =	vst.idx.msk $0xffff, v3;
	v3 =	vand.u32 $0xFFFFFF80, v55  }
0x2fe: {  	v5 =	vand.u32 $0x7F, v55;
	v54 =	vor.u32 v53, v0;
	v3 =	vadd.s32 v2, v3;
	v4 =	vld.idx.msk [tilespmem:v4+s14+$0x0], $0xffff  }
0x2ff: {  	v3 =	vor.u32 v5, v3;
	_ =	sdelay $0x2  }
0x300: {  	v55 =	vadd.s32 v33, v1  }
0x301: {  	v8 =	vand.u32 $0xFFFFFF80, v55;
	[tilespmem:v54+s20+$0x0] =	vst.idx.msk $0xffff, v4  }
0x302: {  	v50 =	vor.u32 v50, v0;
	v5 =	vand.u32 $0x7F, v55;
	v4 =	vadd.s32 v2, v8;
	v3 =	vld.idx.msk [tilespmem:v3+s14+$0x0], $0xffff  }
0x303: {  	v4 =	vor.u32 v5, v4;
	_ =	sdelay $0x2  }
0x304: {  	v53 =	vadd.s32 v60, v1  }
0x305: {  	[tilespmem:v50+s20+$0x0] =	vst.idx.msk $0xffff, v3;
	v3 =	vand.u32 $0xFFFFFF80, v53  }
0x306: {  	v54 =	vor.u32 v49, v0;
	v5 =	vand.u32 $0x7F, v53;
	v3 =	vadd.s32 v2, v3;
	v4 =	vld.idx.msk [tilespmem:v4+s14+$0x0], $0xffff  }
0x307: {  	v3 =	vor.u32 v5, v3;
	_ =	sdelay $0x2  }
0x308: {  	v55 =	vadd.s32 v48, v1  }
0x309: {  	v49 =	vand.u32 $0xFFFFFF80, v55;
	[tilespmem:v54+s20+$0x0] =	vst.idx.msk $0xffff, v4  }
0x30a: {  	v50 =	vor.u32 v47, v0;
	v5 =	vand.u32 $0x7F, v55;
	v4 =	vadd.s32 v2, v49;
	v3 =	vld.idx.msk [tilespmem:v3+s14+$0x0], $0xffff  }
0x30b: {  	v4 =	vor.u32 v5, v4;
	_ =	sdelay $0x2  }
0x30c: {  	v53 =	vadd.s32 v51, v1  }
0x30d: {  	[tilespmem:v50+s20+$0x0] =	vst.idx.msk $0xffff, v3;
	v3 =	vand.u32 $0xFFFFFF80, v53  }
0x30e: {  	v54 =	vor.u32 v46, v0;
	v5 =	vand.u32 $0x7F, v53;
	v3 =	vadd.s32 v2, v3;
	v4 =	vld.idx.msk [tilespmem:v4+s14+$0x0], $0xffff  }
0x30f: {  	v3 =	vor.u32 v5, v3;
	_ =	sdelay $0x2  }
0x310: {  	v55 =	vadd.s32 v52, v1  }
0x311: {  	v47 =	vld [tilespmem:$0x1FF40];
	v8 =	vand.u32 $0xFFFFFF80, v55;
	[tilespmem:v54+s20+$0x0] =	vst.idx.msk $0xffff, v4  }
0x312: {  	v46 =	vor.u32 v43, v0;
	v5 =	vand.u32 $0x7F, v55;
	v4 =	vadd.s32 v2, v8;
	v3 =	vld.idx.msk [tilespmem:v3+s14+$0x0], $0xffff  }
0x313: {  	v4 =	vor.u32 v5, v4;
	_ =	sdelay $0x2  }
0x314: {  	v5 =	vadd.s32 v47, v1  }
0x315: {  	v50 =	vld [tilespmem:$0x1FC60];
	[tilespmem:v46+s20+$0x0] =	vst.idx.msk $0xffff, v3;
	v3 =	vand.u32 $0xFFFFFF80, v5  }
0x316: {  	v49 =	vor.u32 v41, v0;
	v5 =	vand.u32 $0x7F, v5;
	v3 =	vadd.s32 v2, v3;
	v4 =	vld.idx.msk [tilespmem:v4+s14+$0x0], $0xffff  }
0x317: {  	v3 =	vor.u32 v5, v3;
	_ =	sdelay $0x2  }
0x318: {  	v5 =	vadd.s32 v50, v1  }
0x319: {  	v54 =	vld [tilespmem:$0x1FCB0];
	v52 =	vand.u32 $0xFFFFFF80, v5;
	[tilespmem:v49+s20+$0x0] =	vst.idx.msk $0xffff, v4  }
0x31a: {  	v53 =	vor.u32 v40, v0;
	v5 =	vand.u32 $0x7F, v5;
	v4 =	vadd.s32 v2, v52;
	v3 =	vld.idx.msk [tilespmem:v3+s14+$0x0], $0xffff  }
0x31b: {  	v4 =	vor.u32 v5, v4;
	_ =	sdelay $0x2  }
0x31c: {  	v5 =	vadd.s32 v54, v1  }
0x31d: {  	v8 =	vld [tilespmem:$0x1FF30];
	[tilespmem:v53+s20+$0x0] =	vst.idx.msk $0xffff, v3;
	v3 =	vand.u32 $0xFFFFFF80, v5  }
0x31e: {  	v55 =	vor.u32 v39, v0;
	v5 =	vand.u32 $0x7F, v5;
	v3 =	vadd.s32 v2, v3;
	v4 =	vld.idx.msk [tilespmem:v4+s14+$0x0], $0xffff  }
0x31f: {  	v3 =	vor.u32 v5, v3;
	_ =	sdelay $0x2  }
0x320: {  	v5 =	vadd.s32 v8, v1  }
0x321: {  	v41 =	vld [tilespmem:$0x1FF50];
	v39 =	vand.u32 $0xFFFFFF80, v5;
	[tilespmem:v55+s20+$0x0] =	vst.idx.msk $0xffff, v4  }
0x322: {  	v40 =	vor.u32 v42, v0;
	v5 =	vand.u32 $0x7F, v5;
	v4 =	vadd.s32 v2, v39;
	v3 =	vld.idx.msk [tilespmem:v3+s14+$0x0], $0xffff  }
0x323: {  	v4 =	vor.u32 v5, v4;
	_ =	sdelay $0x2  }
0x324: {  	v5 =	vadd.s32 v41, v1  }
0x325: {  	v43 =	vld [tilespmem:$0x1FC80];
	[tilespmem:v40+s20+$0x0] =	vst.idx.msk $0xffff, v3;
	v3 =	vand.u32 $0xFFFFFF80, v5  }
0x326: {  	v42 =	vor.u32 v44, v0;
	v5 =	vand.u32 $0x7F, v5;
	v3 =	vadd.s32 v2, v3;
	v4 =	vld.idx.msk [tilespmem:v4+s14+$0x0], $0xffff  }
0x327: {  	v3 =	vor.u32 v5, v3;
	_ =	sdelay $0x2  }
0x328: {  	v5 =	vadd.s32 v43, v1  }
0x329: {  	v47 =	vld [tilespmem:$0x1FCA0];
	v44 =	vand.u32 $0xFFFFFF80, v5;
	[tilespmem:v42+s20+$0x0] =	vst.idx.msk $0xffff, v4  }
0x32a: {  	v46 =	vor.u32 v45, v0;
	v5 =	vand.u32 $0x7F, v5;
	v4 =	vadd.s32 v2, v44;
	v3 =	vld.idx.msk [tilespmem:v3+s14+$0x0], $0xffff  }
0x32b: {  	v4 =	vor.u32 v5, v4;
	_ =	sdelay $0x2  }
0x32c: {  	v5 =	vadd.s32 v47, v1  }
0x32d: {  	[tilespmem:v46+s20+$0x0] =	vst.idx.msk $0xffff, v3;
	v3 =	vand.u32 $0xFFFFFF80, v5  }
0x32e: {  	v49 =	vor.u32 v34, v0;
	v5 =	vand.u32 $0x7F, v5;
	v3 =	vadd.s32 v2, v3;
	v4 =	vld.idx.msk [tilespmem:v4+s14+$0x0], $0xffff  }
0x32f: {  	v3 =	vor.u32 v5, v3;
	_ =	sdelay $0x2  }
0x330: {  	v50 =	vadd.s32 v62, v1  }
0x331: {  	v52 =	vand.u32 $0xFFFFFF80, v50;
	[tilespmem:v49+s20+$0x0] =	vst.idx.msk $0xffff, v4  }
0x332: {  	v53 =	vor.u32 v26, v0;
	v5 =	vand.u32 $0x7F, v50;
	v4 =	vadd.s32 v2, v52;
	v3 =	vld.idx.msk [tilespmem:v3+s14+$0x0], $0xffff  }
0x333: {  	v4 =	vor.u32 v5, v4;
	_ =	sdelay $0x2  }
0x334: {  	v54 =	vadd.s32 v35, v1  }
0x335: {  	[tilespmem:v53+s20+$0x0] =	vst.idx.msk $0xffff, v3;
	v3 =	vand.u32 $0xFFFFFF80, v54  }
0x336: {  	v55 =	vor.u32 v25, v0;
	v5 =	vand.u32 $0x7F, v54;
	v3 =	vadd.s32 v2, v3;
	v4 =	vld.idx.msk [tilespmem:v4+s14+$0x0], $0xffff  }
0x337: {  	v3 =	vor.u32 v5, v3;
	_ =	sdelay $0x2  }
0x338: {  	v62 =	vadd.s32 v38, v1  }
0x339: {  	v35 =	vld [tilespmem:$0x1FF70];
	v8 =	vand.u32 $0xFFFFFF80, v62;
	[tilespmem:v55+s20+$0x0] =	vst.idx.msk $0xffff, v4  }
0x33a: {  	v34 =	vor.u32 v23, v0;
	v5 =	vand.u32 $0x7F, v62;
	v4 =	vadd.s32 v2, v8;
	v3 =	vld.idx.msk [tilespmem:v3+s14+$0x0], $0xffff  }
0x33b: {  	v4 =	vor.u32 v5, v4;
	_ =	sdelay $0x2  }
0x33c: {  	v5 =	vadd.s32 v35, v1  }
0x33d: {  	[tilespmem:v34+s20+$0x0] =	vst.idx.msk $0xffff, v3;
	v3 =	vand.u32 $0xFFFFFF80, v5  }
0x33e: {  	v38 =	vor.u32 v24, v0;
	v5 =	vand.u32 $0x7F, v5;
	v3 =	vadd.s32 v2, v3;
	v4 =	vld.idx.msk [tilespmem:v4+s14+$0x0], $0xffff  }
0x33f: {  	v3 =	vor.u32 v5, v3;
	_ =	sdelay $0x2  }
0x340: {  	v39 =	vadd.s32 v61, v1  }
0x341: {  	v40 =	vand.u32 $0xFFFFFF80, v39;
	v42 =	vld [tilespmem:$0x1FF60];
	[tilespmem:v38+s20+$0x0] =	vst.idx.msk $0xffff, v4  }
0x342: {  	v41 =	vor.u32 v19, v0;
	v5 =	vand.u32 $0x7F, v39;
	v4 =	vadd.s32 v2, v40;
	v3 =	vld.idx.msk [tilespmem:v3+s14+$0x0], $0xffff  }
0x343: {  	v4 =	vor.u32 v5, v4;
	_ =	sdelay $0x2  }
0x344: {  	v5 =	vadd.s32 v42, v1  }
0x345: {  	v44 =	vld [tilespmem:$0x1FC90];
	[tilespmem:v41+s20+$0x0] =	vst.idx.msk $0xffff, v3;
	v3 =	vand.u32 $0xFFFFFF80, v5  }
0x346: {  	v43 =	vor.u32 v17, v0;
	v5 =	vand.u32 $0x7F, v5;
	v3 =	vadd.s32 v2, v3;
	v4 =	vld.idx.msk [tilespmem:v4+s14+$0x0], $0xffff  }
0x347: {  	v3 =	vor.u32 v5, v3;
	_ =	sdelay $0x2  }
0x348: {  	v5 =	vadd.s32 v44, v1  }
0x349: {  	v45 =	vand.u32 $0xFFFFFF80, v5;
	[tilespmem:v43+s20+$0x0] =	vst.idx.msk $0xffff, v4  }
0x34a: {  	v46 =	vor.u32 v14, v0;
	v5 =	vand.u32 $0x7F, v5;
	v4 =	vadd.s32 v2, v45;
	v3 =	vld.idx.msk [tilespmem:v3+s14+$0x0], $0xffff  }
0x34b: {  	v4 =	vor.u32 v5, v4;
	_ =	sdelay $0x2  }
0x34c: {  	v47 =	vadd.s32 v56, v1  }
0x34d: {  	[tilespmem:v46+s20+$0x0] =	vst.idx.msk $0xffff, v3;
	v3 =	vand.u32 $0xFFFFFF80, v47  }
0x34e: {  	v49 =	vor.u32 v13, v0;
	v5 =	vand.u32 $0x7F, v47;
	v3 =	vadd.s32 v2, v3;
	v4 =	vld.idx.msk [tilespmem:v4+s14+$0x0], $0xffff  }
0x34f: {  	v3 =	vor.u32 v5, v3;
	_ =	sdelay $0x2  }
0x350: {  	v50 =	vadd.s32 v57, v1  }
0x351: {  	v52 =	vand.u32 $0xFFFFFF80, v50;
	[tilespmem:v49+s20+$0x0] =	vst.idx.msk $0xffff, v4  }
0x352: {  	v53 =	vor.u32 v11, v0;
	v5 =	vand.u32 $0x7F, v50;
	v4 =	vadd.s32 v2, v52;
	v3 =	vld.idx.msk [tilespmem:v3+s14+$0x0], $0xffff  }
0x353: {  	v4 =	vor.u32 v5, v4;
	_ =	sdelay $0x2  }
0x354: {  	v54 =	vadd.s32 v18, v1  }
0x355: {  	[tilespmem:v53+s20+$0x0] =	vst.idx.msk $0xffff, v3;
	v3 =	vand.u32 $0xFFFFFF80, v54  }
0x356: {  	v55 =	vor.u32 v10, v0;
	v5 =	vand.u32 $0x7F, v54;
	v3 =	vadd.s32 v2, v3;
	v4 =	vld.idx.msk [tilespmem:v4+s14+$0x0], $0xffff  }
0x357: {  	v3 =	vor.u32 v5, v3;
	_ =	sdelay $0x2  }
0x358: {  	v1 =	vadd.s32 v7, v1  }
0x359: {  	v61 =	vand.u32 $0xFFFFFF80, v1;
	[tilespmem:v55+s20+$0x0] =	vst.idx.msk $0xffff, v4  }
0x35a: {  	v62 =	vor.u32 v9, v0;
	v1 =	vand.u32 $0x7F, v1;
	v2 =	vadd.s32 v2, v61;
	v3 =	vld.idx.msk [tilespmem:v3+s14+$0x0], $0xffff  }
0x35b: {  	v1 =	vor.u32 v1, v2;
	_ =	sdelay $0x1  }
0x35c: {  	s30 =	simm.s32 $0x80  }
0x35d: {  	s2 =	sand.u32 $0x400, s30  }
0x35e: {  	s29 =	simm.s32 $0x10;
	s2 =	sadd.s32 s2, s25;
	[tilespmem:v62+s20+$0x0] =	vst.idx.msk $0xffff, v3  }
0x35f: {  	s31 =	simm.s32 $0x20;
	s2 =	sadd.s32 s24, s2;
	s0 =	sand.u32 $0x70, s29;
	v0 =	vor.u32 v12, v0;
	v1 =	vld.idx.msk [tilespmem:v1+s14+$0x0], $0xffff  }
.LBB2_11:
0x360: {  	_ =	sdelay $0x3  }
0x361: {  	s0 =	sadd.s32 s0, s2;
	[tilespmem:v0+s20+$0x0] =	vst.idx.msk $0xffff, v1  }
0x362: {  	v1 =	vld [tilespmem:s0+$0x800];
	_ =	sdelay $0x4  }
0x363: {  	v2 =	vor.u32 s29, v16;
	v4 =	vadd.s32 v16, v1  }
0x364: {  	v5 =	vand.u32 $0xFFFFFF80, v4;
	v6 =	vand.u32 $0x7F, v4;
	v4 =	vshll.u32 v2, $0x7  }
0x365: {  	v3 =	vand.u32 $0x7F, v2;
	v2 =	vadd.s32 v4, v5  }
0x366: {  	v2 =	vor.u32 v6, v2  }
0x367: {  	v0 =	vmov s29  }
0x368: {  	v0 =	vshll.u32 v0, $0x3  }
0x369: {  	v0 =	vand.u32 $0x400, v0;
	v9 =	vadd.s32 v28, v1  }
0x36a: {  	v0 =	vor.u32 v0, v3;
	v12 =	vand.u32 $0xFFFFFF80, v9  }
0x36b: {  	v3 =	vadd.s32 v20, v1;
	v13 =	vadd.s32 v4, v12;
	v12 =	vor.u32 v36, v0;
	v2 =	vld.idx.msk [tilespmem:v2+s14+$0x0], $0xffff  }
0x36c: {  	v43 =	vadd.s32 v31, v1;
	v7 =	vadd.s32 v29, v1;
	v10 =	vadd.s32 v27, v1  }
0x36d: {  	v15 =	vld [tilespmem:$0x1FF40];
	v49 =	vadd.s32 v30, v1;
	v45 =	vadd.s32 v32, v1;
	v5 =	vadd.s32 v21, v1  }
0x36e: {  	v55 =	vld [tilespmem:$0x1FC60];
	v38 =	vadd.s32 v48, v1;
	v42 =	vand.u32 $0xFFFFFF80, v3;
	v8 =	vand.u32 $0xFFFFFF80, v5  }
0x36f: {  	v47 =	vld [tilespmem:$0x1FC50];
	v3 =	vand.u32 $0x7F, v3;
	v5 =	vand.u32 $0x7F, v5;
	v8 =	vadd.s32 v4, v8  }
0x370: {  	v46 =	vand.u32 $0xFFFFFF80, v43;
	v5 =	vor.u32 v5, v8;
	v8 =	vld [tilespmem:$0x1FF30];
	[tilespmem:v12+s20+$0x0] =	vst.idx.msk $0xffff, v2;
	v2 =	vand.u32 $0xFFFFFF80, v38  }
0x371: {  	v61 =	vadd.s32 v4, v46;
	v6 =	vadd.s32 v4, v42;
	v46 =	vadd.s32 v4, v2;
	v2 =	vld [tilespmem:$0x1FCB0]  }
0x372: {  	v40 =	vadd.s32 v60, v1;
	v35 =	vadd.s32 v51, v1;
	v3 =	vor.u32 v3, v6  }
0x373: {  	v34 =	vld [tilespmem:$0x1FFD0];
	v31 =	vadd.s32 v15, v1;
	v30 =	vadd.s32 v55, v1;
	v42 =	vadd.s32 v33, v1  }
0x374: {  	v60 =	vor.u32 v37, v0;
	v15 =	vor.u32 v63, v0;
	v54 =	vand.u32 $0xFFFFFF80, v42  }
0x375: {  	v44 =	vand.u32 $0xFFFFFF80, v49;
	v33 =	vadd.s32 v47, v1;
	v62 =	vadd.s32 v4, v54;
	v54 =	vld [tilespmem:$0x1FFE0]  }
0x376: {  	v26 =	vadd.s32 v8, v1;
	v8 =	vld [tilespmem:$0x1FF50];
	v28 =	vadd.s32 v2, v1;
	v2 =	vand.u32 $0xFFFFFF80, v35  }
0x377: {  	v53 =	vadd.s32 v4, v44;
	v3 =	vld.idx.msk [tilespmem:v3+s14+$0x0], $0xffff;
	v44 =	vadd.s32 v4, v2;
	v2 =	vand.u32 $0xFFFFFF80, v33  }
0x378: {  	v17 =	vadd.s32 v34, v1;
	v14 =	vand.u32 $0xFFFFFF80, v7;
	v41 =	vadd.s32 v4, v2;
	v2 =	vld [tilespmem:$0x1FC80]  }
0x379: {  	v11 =	vand.u32 $0xFFFFFF80, v10;
	v52 =	vadd.s32 v4, v14;
	v14 =	vand.u32 $0xFFFFFF80, v45  }
0x37a: {  	v32 =	vand.u32 $0x7F, v10;
	v11 =	vadd.s32 v4, v11;
	v50 =	vadd.s32 v4, v14  }
0x37b: {  	v14 =	vand.u32 $0xFFFFFF80, v40;
	v23 =	vadd.s32 v8, v1;
	v8 =	vand.u32 $0xFFFFFF80, v31  }
0x37c: {  	v55 =	vld [tilespmem:$0x1FF70];
	v47 =	vadd.s32 v4, v14;
	v14 =	vadd.s32 v54, v1;
	v39 =	vadd.s32 v4, v8  }
0x37d: {  	v8 =	vld [tilespmem:$0x1FCA0];
	[tilespmem:v60+s20+$0x0] =	vst.idx.msk $0xffff, v3;
	v3 =	vand.u32 $0xFFFFFF80, v26;
	v21 =	vadd.s32 v2, v1;
	v2 =	vand.u32 $0xFFFFFF80, v30  }
0x37e: {  	v5 =	vld.idx.msk [tilespmem:v5+s14+$0x0], $0xffff;
	v34 =	vadd.s32 v4, v3;
	v37 =	vadd.s32 v4, v2;
	v2 =	vand.u32 $0xFFFFFF80, v28  }
0x37f: {  	v54 =	vld [tilespmem:$0x1FC90];
	v3 =	vand.u32 $0xFFFFFF80, v23;
	v36 =	vadd.s32 v4, v2;
	v2 =	vor.u32 v32, v11  }
0x380: {  	v32 =	vadd.s32 v4, v3;
	v3 =	vand.u32 $0xFFFFFF80, v21  }
0x381: {  	v29 =	vadd.s32 v4, v3;
	v3 =	vld [tilespmem:$0x1FF80];
	_ =	sdelay $0x1  }
0x382: {  	v12 =	vadd.s32 v55, v1;
	v19 =	vadd.s32 v8, v1;
	v8 =	vld [tilespmem:$0x1FFC0];
	[tilespmem:v15+s20+$0x0] =	vst.idx.msk $0xffff, v5  }
0x383: {  	v55 =	vor.u32 v22, v0;
	v6 =	vadd.s32 v54, v1;
	v54 =	vld.idx.msk [tilespmem:v2+s14+$0x0], $0xffff;
	v2 =	vand.u32 $0x7F, v9  }
0x384: {  	v9 =	vor.u32 v2, v13  }
0x385: {  	v7 =	vand.u32 $0x7F, v7;
	v10 =	vadd.s32 v3, v1;
	v3 =	vld [tilespmem:$0x1FF60]  }
0x386: {  	v52 =	vor.u32 v7, v52;
	v60 =	vand.u32 $0xFFFFFF80, v19  }
0x387: {  	v27 =	vadd.s32 v4, v60;
	v5 =	vadd.s32 v56, v1;
	v11 =	vand.u32 $0xFFFFFF80, v14  }
0x388: {  	v16 =	vadd.s32 v8, v1;
	v22 =	vadd.s32 v4, v11;
	v11 =	vand.u32 $0xFFFFFF80, v12;
	v13 =	vld [tilespmem:$0x1FC40];
	[tilespmem:v55+s20+$0x0] =	vst.idx.msk $0xffff, v54  }
0x389: {  	v20 =	vadd.s32 v4, v11;
	v2 =	vadd.s32 v18, v1;
	v11 =	vand.u32 $0xFFFFFF80, v10;
	v56 =	vld.idx.msk [tilespmem:v9+s14+$0x0], $0xffff  }
0x38a: {  	v60 =	vmovc v18;
	v18 =	vadd.s32 v4, v11;
	v8 =	vadd.s32 v3, v1;
	v3 =	vand.u32 $0xFFFFFF80, v16;
	v9 =	vld [tilespmem:$0x1FFA0]  }
0x38b: {  	v55 =	vand.u32 $0xFFFFFF80, v2;
	v25 =	vadd.s32 v4, v3;
	v3 =	vand.u32 $0xFFFFFF80, v17  }
0x38c: {  	v7 =	vadd.s32 v4, v55;
	v11 =	vand.u32 $0xFFFFFF80, v8;
	v24 =	vadd.s32 v4, v3  }
0x38d: {  	v3 =	vadd.s32 v57, v1;
	v1 =	vadd.s32 v13, v1;
	v13 =	vand.u32 $0xFFFFFF80, v6  }
0x38e: {  	v15 =	vadd.s32 v4, v11;
	v11 =	vand.u32 $0xFFFFFF80, v5;
	v54 =	vand.u32 $0xFFFFFF80, v3  }
0x38f: {  	v57 =	vor.u32 v9, v0;
	v9 =	vadd.s32 v4, v54;
	v54 =	vand.u32 $0xFFFFFF80, v1  }
0x390: {  	v13 =	vadd.s32 v4, v13;
	v11 =	vadd.s32 v4, v11;
	v4 =	vadd.s32 v4, v54;
	v54 =	vld [tilespmem:$0x1FFB0];
	_ =	sdelay $0x3  }
0x391: {  	[tilespmem:v57+s20+$0x0] =	vst.idx.msk $0xffff, v56  }
0x392: {  	v52 =	vld.idx.msk [tilespmem:v52+s14+$0x0], $0xffff;
	v54 =	vor.u32 v54, v0;
	_ =	sdelay $0x3  }
0x393: {  	v49 =	vand.u32 $0x7F, v49  }
0x394: {  	v49 =	vor.u32 v49, v53;
	[tilespmem:v54+s20+$0x0] =	vst.idx.msk $0xffff, v52;
	v54 =	vld [tilespmem:$0x1FCD0];
	_ =	sdelay $0x4  }
0x395: {  	v43 =	vand.u32 $0x7F, v43;
	v49 =	vld.idx.msk [tilespmem:v49+s14+$0x0], $0xffff;
	v52 =	vor.u32 v54, v0  }
0x396: {  	v53 =	vld [tilespmem:$0x1FCE0];
	v43 =	vor.u32 v43, v61;
	_ =	sdelay $0x3  }
0x397: {  	[tilespmem:v52+s20+$0x0] =	vst.idx.msk $0xffff, v49  }
0x398: {  	v45 =	vand.u32 $0x7F, v45;
	v55 =	vor.u32 v53, v0;
	v43 =	vld.idx.msk [tilespmem:v43+s14+$0x0], $0xffff  }
0x399: {  	v45 =	vor.u32 v45, v50;
	v50 =	vld [tilespmem:$0x1FCF0];
	_ =	sdelay $0x3  }
0x39a: {  	[tilespmem:v55+s20+$0x0] =	vst.idx.msk $0xffff, v43  }
0x39b: {  	v42 =	vand.u32 $0x7F, v42;
	v61 =	vor.u32 v50, v0;
	v43 =	vld.idx.msk [tilespmem:v45+s14+$0x0], $0xffff  }
0x39c: {  	v42 =	vor.u32 v42, v62;
	v49 =	vld [tilespmem:$0x1FD00];
	_ =	sdelay $0x3  }
0x39d: {  	[tilespmem:v61+s20+$0x0] =	vst.idx.msk $0xffff, v43  }
0x39e: {  	v40 =	vand.u32 $0x7F, v40;
	v52 =	vor.u32 v49, v0;
	v42 =	vld.idx.msk [tilespmem:v42+s14+$0x0], $0xffff  }
0x39f: {  	v40 =	vor.u32 v40, v47;
	v47 =	vld [tilespmem:$0x1FD10];
	_ =	sdelay $0x3  }
0x3a0: {  	[tilespmem:v52+s20+$0x0] =	vst.idx.msk $0xffff, v42  }
0x3a1: {  	v38 =	vand.u32 $0x7F, v38;
	v55 =	vor.u32 v47, v0;
	v40 =	vld.idx.msk [tilespmem:v40+s14+$0x0], $0xffff  }
0x3a2: {  	v38 =	vor.u32 v38, v46;
	v46 =	vld [tilespmem:$0x1FD20];
	_ =	sdelay $0x3  }
0x3a3: {  	[tilespmem:v55+s20+$0x0] =	vst.idx.msk $0xffff, v40  }
0x3a4: {  	v35 =	vand.u32 $0x7F, v35;
	v61 =	vor.u32 v46, v0;
	v38 =	vld.idx.msk [tilespmem:v38+s14+$0x0], $0xffff  }
0x3a5: {  	v35 =	vor.u32 v35, v44;
	v43 =	vld [tilespmem:$0x1FD30];
	_ =	sdelay $0x3  }
0x3a6: {  	[tilespmem:v61+s20+$0x0] =	vst.idx.msk $0xffff, v38  }
0x3a7: {  	v33 =	vand.u32 $0x7F, v33;
	v62 =	vor.u32 v43, v0;
	v35 =	vld.idx.msk [tilespmem:v35+s14+$0x0], $0xffff  }
0x3a8: {  	v33 =	vor.u32 v33, v41;
	v41 =	vld [tilespmem:$0x1FD40];
	_ =	sdelay $0x3  }
0x3a9: {  	[tilespmem:v62+s20+$0x0] =	vst.idx.msk $0xffff, v35  }
0x3aa: {  	v31 =	vand.u32 $0x7F, v31;
	v52 =	vor.u32 v41, v0;
	v33 =	vld.idx.msk [tilespmem:v33+s14+$0x0], $0xffff  }
0x3ab: {  	v31 =	vor.u32 v31, v39;
	v40 =	vld [tilespmem:$0x1FD50];
	_ =	sdelay $0x3  }
0x3ac: {  	[tilespmem:v52+s20+$0x0] =	vst.idx.msk $0xffff, v33  }
0x3ad: {  	v30 =	vand.u32 $0x7F, v30;
	v55 =	vor.u32 v40, v0;
	v31 =	vld.idx.msk [tilespmem:v31+s14+$0x0], $0xffff  }
0x3ae: {  	v39 =	vld [tilespmem:$0x1FD60];
	v30 =	vor.u32 v30, v37;
	_ =	sdelay $0x3  }
0x3af: {  	[tilespmem:v55+s20+$0x0] =	vst.idx.msk $0xffff, v31  }
0x3b0: {  	v28 =	vand.u32 $0x7F, v28;
	v31 =	vor.u32 v39, v0;
	v30 =	vld.idx.msk [tilespmem:v30+s14+$0x0], $0xffff  }
0x3b1: {  	v28 =	vor.u32 v28, v36;
	v42 =	vld [tilespmem:$0x1FD70];
	_ =	sdelay $0x3  }
0x3b2: {  	[tilespmem:v31+s20+$0x0] =	vst.idx.msk $0xffff, v30  }
0x3b3: {  	v26 =	vand.u32 $0x7F, v26;
	v30 =	vor.u32 v42, v0;
	v28 =	vld.idx.msk [tilespmem:v28+s14+$0x0], $0xffff  }
0x3b4: {  	v44 =	vld [tilespmem:$0x1FD80];
	v26 =	vor.u32 v26, v34;
	_ =	sdelay $0x3  }
0x3b5: {  	[tilespmem:v30+s20+$0x0] =	vst.idx.msk $0xffff, v28  }
0x3b6: {  	v23 =	vand.u32 $0x7F, v23;
	v28 =	vor.u32 v44, v0;
	v26 =	vld.idx.msk [tilespmem:v26+s14+$0x0], $0xffff  }
0x3b7: {  	v23 =	vor.u32 v23, v32;
	v45 =	vld [tilespmem:$0x1FD90];
	_ =	sdelay $0x3  }
0x3b8: {  	[tilespmem:v28+s20+$0x0] =	vst.idx.msk $0xffff, v26  }
0x3b9: {  	v21 =	vand.u32 $0x7F, v21;
	v26 =	vor.u32 v45, v0;
	v23 =	vld.idx.msk [tilespmem:v23+s14+$0x0], $0xffff  }
0x3ba: {  	v34 =	vld [tilespmem:$0x1FDB0];
	v21 =	vor.u32 v21, v29;
	_ =	sdelay $0x3  }
0x3bb: {  	[tilespmem:v26+s20+$0x0] =	vst.idx.msk $0xffff, v23  }
0x3bc: {  	v19 =	vand.u32 $0x7F, v19;
	v23 =	vor.u32 v34, v0;
	v21 =	vld.idx.msk [tilespmem:v21+s14+$0x0], $0xffff  }
0x3bd: {  	v19 =	vor.u32 v19, v27;
	v26 =	vld [tilespmem:$0x1FDC0];
	_ =	sdelay $0x3  }
0x3be: {  	[tilespmem:v23+s20+$0x0] =	vst.idx.msk $0xffff, v21  }
0x3bf: {  	v16 =	vand.u32 $0x7F, v16;
	v21 =	vor.u32 v26, v0;
	v19 =	vld.idx.msk [tilespmem:v19+s14+$0x0], $0xffff  }
0x3c0: {  	v16 =	vor.u32 v16, v25;
	v25 =	vld [tilespmem:$0x1FDD0];
	_ =	sdelay $0x3  }
0x3c1: {  	[tilespmem:v21+s20+$0x0] =	vst.idx.msk $0xffff, v19  }
0x3c2: {  	v17 =	vand.u32 $0x7F, v17;
	v19 =	vor.u32 v25, v0;
	v16 =	vld.idx.msk [tilespmem:v16+s14+$0x0], $0xffff  }
0x3c3: {  	v17 =	vor.u32 v17, v24;
	v23 =	vld [tilespmem:$0x1FDE0];
	_ =	sdelay $0x3  }
0x3c4: {  	[tilespmem:v19+s20+$0x0] =	vst.idx.msk $0xffff, v16  }
0x3c5: {  	v14 =	vand.u32 $0x7F, v14;
	v16 =	vld.idx.msk [tilespmem:v17+s14+$0x0], $0xffff;
	v17 =	vor.u32 v23, v0  }
0x3c6: {  	v14 =	vor.u32 v14, v22;
	v24 =	vld [tilespmem:$0x1FDF0];
	_ =	sdelay $0x3  }
0x3c7: {  	[tilespmem:v17+s20+$0x0] =	vst.idx.msk $0xffff, v16  }
0x3c8: {  	v12 =	vand.u32 $0x7F, v12;
	v16 =	vor.u32 v24, v0;
	v14 =	vld.idx.msk [tilespmem:v14+s14+$0x0], $0xffff  }
0x3c9: {  	v12 =	vor.u32 v12, v20;
	v19 =	vld [tilespmem:$0x1FE80];
	_ =	sdelay $0x3  }
0x3ca: {  	[tilespmem:v16+s20+$0x0] =	vst.idx.msk $0xffff, v14  }
0x3cb: {  	v10 =	vand.u32 $0x7F, v10;
	v14 =	vor.u32 v19, v0;
	v12 =	vld.idx.msk [tilespmem:v12+s14+$0x0], $0xffff  }
0x3cc: {  	v10 =	vor.u32 v10, v18;
	v17 =	vld [tilespmem:$0x1FF00];
	_ =	sdelay $0x3  }
0x3cd: {  	[tilespmem:v14+s20+$0x0] =	vst.idx.msk $0xffff, v12  }
0x3ce: {  	v8 =	vand.u32 $0x7F, v8;
	v12 =	vor.u32 v17, v0;
	v10 =	vld.idx.msk [tilespmem:v10+s14+$0x0], $0xffff  }
0x3cf: {  	v8 =	vor.u32 v8, v15;
	v14 =	vld [tilespmem:$0x1FE10];
	_ =	sdelay $0x3  }
0x3d0: {  	[tilespmem:v12+s20+$0x0] =	vst.idx.msk $0xffff, v10  }
0x3d1: {  	v6 =	vand.u32 $0x7F, v6;
	v10 =	vor.u32 v14, v0;
	v8 =	vld.idx.msk [tilespmem:v8+s14+$0x0], $0xffff  }
0x3d2: {  	v6 =	vor.u32 v6, v13;
	v13 =	vld [tilespmem:$0x1FE20];
	_ =	sdelay $0x3  }
0x3d3: {  	[tilespmem:v10+s20+$0x0] =	vst.idx.msk $0xffff, v8  }
0x3d4: {  	v5 =	vand.u32 $0x7F, v5;
	v8 =	vor.u32 v13, v0;
	v6 =	vld.idx.msk [tilespmem:v6+s14+$0x0], $0xffff  }
0x3d5: {  	v5 =	vor.u32 v5, v11;
	v11 =	vld [tilespmem:$0x1FE30];
	_ =	sdelay $0x3  }
0x3d6: {  	v27 =	vld [tilespmem:$0x1FE90];
	[tilespmem:v8+s20+$0x0] =	vst.idx.msk $0xffff, v6  }
0x3d7: {  	v3 =	vand.u32 $0x7F, v3;
	v61 =	vor.u32 v11, v0;
	v5 =	vld.idx.msk [tilespmem:v5+s14+$0x0], $0xffff  }
0x3d8: {  	v3 =	vor.u32 v3, v9;
	v10 =	vld [tilespmem:$0x1FE40]  }
0x3d9: {  	v37 =	vld [tilespmem:$0x1FCC0]  }
0x3da: {  	v36 =	vld [tilespmem:$0x1FDA0]  }
0x3db: {  	v32 =	vld [tilespmem:$0x1FEE0]  }
0x3dc: {  	v29 =	vld [tilespmem:$0x1FEB0];
	[tilespmem:v61+s20+$0x0] =	vst.idx.msk $0xffff, v5  }
0x3dd: {  	v2 =	vand.u32 $0x7F, v2;
	v62 =	vor.u32 v10, v0;
	v3 =	vld.idx.msk [tilespmem:v3+s14+$0x0], $0xffff  }
0x3de: {  	v2 =	vor.u32 v2, v7;
	v9 =	vld [tilespmem:$0x1FE50]  }
0x3df: {  	v22 =	vld [tilespmem:$0x1FE00]  }
0x3e0: {  	v20 =	vld [tilespmem:$0x1FE70]  }
0x3e1: {  	v18 =	vmov v60;
	v60 =	vld [tilespmem:$0x1FF20]  }
0x3e2: {  	v33 =	vld [tilespmem:$0x1FEF0];
	[tilespmem:v62+s20+$0x0] =	vst.idx.msk $0xffff, v3  }
0x3e3: {  	v1 =	vand.u32 $0x7F, v1;
	v3 =	vor.u32 v9, v0;
	v2 =	vld.idx.msk [tilespmem:v2+s14+$0x0], $0xffff  }
0x3e4: {  	p0 =	sne.s32 s31, $0xF0;
	v1 =	vor.u32 v1, v4;
	v12 =	vld [tilespmem:$0x1FE60]  }
.Ltmp5:
0x3e5: {  	v31 =	vld [tilespmem:$0x1FED0];
	(pc) =	sbr.rel @p0 .LBB2_11-.Ltmp5, $4  }
0x3e6: {  	s2 =	smov.u32 s31;
	s30 =	sadd.s32 $0x80, s30;
	v30 =	vld [tilespmem:$0x1FEC0]  }
0x3e7: {  	s29 =	smov.u32 s2;
	s2 =	sand.u32 $0x400, s30;
	v28 =	vld [tilespmem:$0x1FEA0]  }
0x3e8: {  	s2 =	sadd.s32 s2, s25;
	v21 =	vld [tilespmem:$0x1FF10];
	[tilespmem:v3+s20+$0x0] =	vst.idx.msk $0xffff, v2  }
0x3e9: {  	s31 =	sadd.s32 $0x10, s31;
	s0 =	sand.u32 $0x70, s29;
	s2 =	sadd.s32 s24, s2;
	v57 =	vmovc v59;
	v56 =	vmov v58;
	v16 =	vlaneseq.u32;
	v0 =	vor.u32 v12, v0;
	v1 =	vld.idx.msk [tilespmem:v1+s14+$0x0], $0xffff  }
0x3ea: {  	_ =	sdelay $0x3  }
0x3eb: {  	s0 =	sadd.s32 s0, s2;
	[tilespmem:v0+s20+$0x0] =	vst.idx.msk $0xffff, v1  }
0x3ec: {  	v0 =	vld [tilespmem:s0+$0x800];
	_ =	sdelay $0x4  }
0x3ed: {  	v2 =	vor.u32 s29, v16;
	v3 =	vadd.s32 v16, v0  }
0x3ee: {  	v1 =	vshll.u32 v2, $0x7;
	v4 =	vand.u32 $0xFFFFFF80, v3  }
0x3ef: {  	v3 =	vand.u32 $0x7F, v3;
	v4 =	vadd.s32 v1, v4  }
0x3f0: {  	v3 =	vor.u32 v3, v4  }
0x3f1: {  	v4 =	vmov s29  }
0x3f2: {  	v4 =	vshll.u32 v4, $0x3  }
0x3f3: {  	v2 =	vand.u32 $0x7F, v2;
	v5 =	vadd.s32 v20, v0;
	v4 =	vand.u32 $0x400, v4  }
0x3f4: {  	v2 =	vor.u32 v4, v2;
	v4 =	vand.u32 $0xFFFFFF80, v5  }
0x3f5: {  	v5 =	vand.u32 $0x7F, v5;
	v4 =	vadd.s32 v1, v4;
	v6 =	vor.u32 v36, v2;
	v3 =	vld.idx.msk [tilespmem:v3+s14+$0x0], $0xffff  }
0x3f6: {  	v4 =	vor.u32 v5, v4;
	_ =	sdelay $0x2  }
0x3f7: {  	v5 =	vadd.s32 v21, v0  }
0x3f8: {  	[tilespmem:v6+s20+$0x0] =	vst.idx.msk $0xffff, v3;
	v3 =	vand.u32 $0xFFFFFF80, v5  }
0x3f9: {  	v6 =	vor.u32 v37, v2;
	v5 =	vand.u32 $0x7F, v5;
	v3 =	vadd.s32 v1, v3;
	v4 =	vld.idx.msk [tilespmem:v4+s14+$0x0], $0xffff  }
0x3fa: {  	v3 =	vor.u32 v5, v3;
	_ =	sdelay $0x2  }
0x3fb: {  	v5 =	vadd.s32 v27, v0  }
0x3fc: {  	[tilespmem:v6+s20+$0x0] =	vst.idx.msk $0xffff, v4;
	v4 =	vand.u32 $0xFFFFFF80, v5  }
0x3fd: {  	v6 =	vor.u32 v63, v2;
	v5 =	vand.u32 $0x7F, v5;
	v4 =	vadd.s32 v1, v4;
	v3 =	vld.idx.msk [tilespmem:v3+s14+$0x0], $0xffff  }
0x3fe: {  	v4 =	vor.u32 v5, v4;
	_ =	sdelay $0x2  }
0x3ff: {  	v5 =	vadd.s32 v28, v0  }
0x400: {  	[tilespmem:v6+s20+$0x0] =	vst.idx.msk $0xffff, v3;
	v3 =	vand.u32 $0xFFFFFF80, v5  }
0x401: {  	v6 =	vor.u32 v22, v2;
	v5 =	vand.u32 $0x7F, v5;
	v3 =	vadd.s32 v1, v3;
	v4 =	vld.idx.msk [tilespmem:v4+s14+$0x0], $0xffff  }
0x402: {  	v55 =	vld [tilespmem:$0x1FFA0];
	v3 =	vor.u32 v5, v3;
	_ =	sdelay $0x2  }
0x403: {  	v5 =	vadd.s32 v29, v0  }
0x404: {  	[tilespmem:v6+s20+$0x0] =	vst.idx.msk $0xffff, v4;
	v4 =	vand.u32 $0xFFFFFF80, v5  }
0x405: {  	v6 =	vor.u32 v55, v2;
	v5 =	vand.u32 $0x7F, v5;
	v4 =	vadd.s32 v1, v4;
	v3 =	vld.idx.msk [tilespmem:v3+s14+$0x0], $0xffff  }
0x406: {  	v35 =	vld [tilespmem:$0x1FFB0];
	v4 =	vor.u32 v5, v4;
	_ =	sdelay $0x2  }
0x407: {  	v5 =	vadd.s32 v30, v0  }
0x408: {  	[tilespmem:v6+s20+$0x0] =	vst.idx.msk $0xffff, v3;
	v3 =	vand.u32 $0xFFFFFF80, v5  }
0x409: {  	v6 =	vor.u32 v35, v2;
	v5 =	vand.u32 $0x7F, v5;
	v3 =	vadd.s32 v1, v3;
	v4 =	vld.idx.msk [tilespmem:v4+s14+$0x0], $0xffff  }
0x40a: {  	v3 =	vor.u32 v5, v3;
	_ =	sdelay $0x2  }
0x40b: {  	v5 =	vadd.s32 v31, v0  }
0x40c: {  	[tilespmem:v6+s20+$0x0] =	vst.idx.msk $0xffff, v4;
	v4 =	vand.u32 $0xFFFFFF80, v5  }
0x40d: {  	v6 =	vor.u32 v54, v2;
	v5 =	vand.u32 $0x7F, v5;
	v4 =	vadd.s32 v1, v4;
	v3 =	vld.idx.msk [tilespmem:v3+s14+$0x0], $0xffff  }
0x40e: {  	v4 =	vor.u32 v5, v4;
	_ =	sdelay $0x2  }
0x40f: {  	v5 =	vadd.s32 v32, v0  }
0x410: {  	[tilespmem:v6+s20+$0x0] =	vst.idx.msk $0xffff, v3;
	v3 =	vand.u32 $0xFFFFFF80, v5  }
0x411: {  	v6 =	vor.u32 v53, v2;
	v5 =	vand.u32 $0x7F, v5;
	v3 =	vadd.s32 v1, v3;
	v4 =	vld.idx.msk [tilespmem:v4+s14+$0x0], $0xffff  }
0x412: {  	v3 =	vor.u32 v5, v3;
	_ =	sdelay $0x2  }
0x413: {  	v5 =	vadd.s32 v33, v0  }
0x414: {  	[tilespmem:v6+s20+$0x0] =	vst.idx.msk $0xffff, v4;
	v4 =	vand.u32 $0xFFFFFF80, v5  }
0x415: {  	v6 =	vor.u32 v50, v2;
	v5 =	vand.u32 $0x7F, v5;
	v4 =	vadd.s32 v1, v4;
	v3 =	vld.idx.msk [tilespmem:v3+s14+$0x0], $0xffff  }
0x416: {  	v4 =	vor.u32 v5, v4;
	_ =	sdelay $0x2  }
0x417: {  	v5 =	vadd.s32 v60, v0  }
0x418: {  	[tilespmem:v6+s20+$0x0] =	vst.idx.msk $0xffff, v3;
	v3 =	vand.u32 $0xFFFFFF80, v5  }
0x419: {  	v6 =	vor.u32 v49, v2;
	v5 =	vand.u32 $0x7F, v5;
	v3 =	vadd.s32 v1, v3;
	v4 =	vld.idx.msk [tilespmem:v4+s14+$0x0], $0xffff  }
0x41a: {  	v3 =	vor.u32 v5, v3;
	_ =	sdelay $0x3  }
0x41b: {  	[tilespmem:v6+s20+$0x0] =	vst.idx.msk $0xffff, v4  }
0x41c: {  	v5 =	vadd.s32 v48, v0;
	v6 =	vor.u32 v47, v2;
	v3 =	vld.idx.msk [tilespmem:v3+s14+$0x0], $0xffff  }
0x41d: {  	v4 =	vand.u32 $0xFFFFFF80, v5  }
0x41e: {  	v5 =	vand.u32 $0x7F, v5;
	v4 =	vadd.s32 v1, v4  }
0x41f: {  	v4 =	vor.u32 v5, v4  }
0x420: {  	v5 =	vadd.s32 v51, v0  }
0x421: {  	[tilespmem:v6+s20+$0x0] =	vst.idx.msk $0xffff, v3;
	v3 =	vand.u32 $0xFFFFFF80, v5  }
0x422: {  	v5 =	vand.u32 $0x7F, v5;
	v3 =	vadd.s32 v1, v3  }
0x423: {  	v3 =	vor.u32 v5, v3;
	v5 =	vld [tilespmem:$0x1FC50]  }
0x424: {  	v6 =	vor.u32 v46, v2;
	v4 =	vld.idx.msk [tilespmem:v4+s14+$0x0], $0xffff;
	_ =	sdelay $0x3  }
0x425: {  	v5 =	vadd.s32 v5, v0  }
0x426: {  	[tilespmem:v6+s20+$0x0] =	vst.idx.msk $0xffff, v4;
	v4 =	vand.u32 $0xFFFFFF80, v5  }
0x427: {  	v5 =	vand.u32 $0x7F, v5;
	v4 =	vadd.s32 v1, v4  }
0x428: {  	v4 =	vor.u32 v5, v4;
	v5 =	vld [tilespmem:$0x1FF40]  }
0x429: {  	v6 =	vor.u32 v43, v2;
	v3 =	vld.idx.msk [tilespmem:v3+s14+$0x0], $0xffff;
	_ =	sdelay $0x3  }
0x42a: {  	v5 =	vadd.s32 v5, v0  }
0x42b: {  	[tilespmem:v6+s20+$0x0] =	vst.idx.msk $0xffff, v3;
	v3 =	vand.u32 $0xFFFFFF80, v5  }
0x42c: {  	v5 =	vand.u32 $0x7F, v5;
	v3 =	vadd.s32 v1, v3  }
0x42d: {  	v3 =	vor.u32 v5, v3;
	v5 =	vld [tilespmem:$0x1FC60]  }
0x42e: {  	v6 =	vor.u32 v41, v2;
	v4 =	vld.idx.msk [tilespmem:v4+s14+$0x0], $0xffff;
	_ =	sdelay $0x3  }
0x42f: {  	v5 =	vadd.s32 v5, v0  }
0x430: {  	[tilespmem:v6+s20+$0x0] =	vst.idx.msk $0xffff, v4;
	v4 =	vand.u32 $0xFFFFFF80, v5  }
0x431: {  	v5 =	vand.u32 $0x7F, v5;
	v4 =	vadd.s32 v1, v4  }
0x432: {  	v4 =	vor.u32 v5, v4;
	v5 =	vld [tilespmem:$0x1FCB0]  }
0x433: {  	v6 =	vor.u32 v40, v2;
	v3 =	vld.idx.msk [tilespmem:v3+s14+$0x0], $0xffff;
	_ =	sdelay $0x3  }
0x434: {  	v5 =	vadd.s32 v5, v0  }
0x435: {  	[tilespmem:v6+s20+$0x0] =	vst.idx.msk $0xffff, v3;
	v3 =	vand.u32 $0xFFFFFF80, v5  }
0x436: {  	v6 =	vor.u32 v39, v2;
	v4 =	vld.idx.msk [tilespmem:v4+s14+$0x0], $0xffff;
	v5 =	vand.u32 $0x7F, v5;
	v3 =	vadd.s32 v1, v3  }
0x437: {  	v61 =	vld [tilespmem:$0x1FF30];
	v3 =	vor.u32 v5, v3;
	_ =	sdelay $0x3  }
0x438: {  	v62 =	vld [tilespmem:$0x1FF50];
	[tilespmem:v6+s20+$0x0] =	vst.idx.msk $0xffff, v4  }
0x439: {  	v5 =	vadd.s32 v61, v0;
	v6 =	vor.u32 v42, v2;
	v3 =	vld.idx.msk [tilespmem:v3+s14+$0x0], $0xffff  }
0x43a: {  	v4 =	vand.u32 $0xFFFFFF80, v5  }
0x43b: {  	v5 =	vand.u32 $0x7F, v5;
	v4 =	vadd.s32 v1, v4  }
0x43c: {  	v4 =	vor.u32 v5, v4  }
0x43d: {  	v5 =	vadd.s32 v62, v0  }
0x43e: {  	[tilespmem:v6+s20+$0x0] =	vst.idx.msk $0xffff, v3;
	v3 =	vand.u32 $0xFFFFFF80, v5  }
0x43f: {  	v5 =	vand.u32 $0x7F, v5;
	v3 =	vadd.s32 v1, v3  }
0x440: {  	v3 =	vor.u32 v5, v3;
	v5 =	vld [tilespmem:$0x1FC80]  }
0x441: {  	v6 =	vor.u32 v44, v2;
	v4 =	vld.idx.msk [tilespmem:v4+s14+$0x0], $0xffff;
	_ =	sdelay $0x3  }
0x442: {  	v5 =	vadd.s32 v5, v0  }
0x443: {  	v58 =	vld [tilespmem:$0x1FCA0];
	[tilespmem:v6+s20+$0x0] =	vst.idx.msk $0xffff, v4;
	v4 =	vand.u32 $0xFFFFFF80, v5  }
0x444: {  	v6 =	vor.u32 v45, v2;
	v3 =	vld.idx.msk [tilespmem:v3+s14+$0x0], $0xffff;
	v5 =	vand.u32 $0x7F, v5;
	v4 =	vadd.s32 v1, v4  }
0x445: {  	v4 =	vor.u32 v5, v4;
	_ =	sdelay $0x2  }
0x446: {  	v5 =	vadd.s32 v58, v0  }
0x447: {  	v38 =	vld [tilespmem:$0x1FFC0];
	[tilespmem:v6+s20+$0x0] =	vst.idx.msk $0xffff, v3;
	v3 =	vand.u32 $0xFFFFFF80, v5  }
0x448: {  	v6 =	vor.u32 v34, v2;
	v5 =	vand.u32 $0x7F, v5;
	v3 =	vadd.s32 v1, v3;
	v4 =	vld.idx.msk [tilespmem:v4+s14+$0x0], $0xffff  }
0x449: {  	v3 =	vor.u32 v5, v3;
	_ =	sdelay $0x2  }
0x44a: {  	v5 =	vadd.s32 v38, v0  }
0x44b: {  	v52 =	vld [tilespmem:$0x1FFD0];
	[tilespmem:v6+s20+$0x0] =	vst.idx.msk $0xffff, v4;
	v4 =	vand.u32 $0xFFFFFF80, v5  }
0x44c: {  	v6 =	vor.u32 v26, v2;
	v5 =	vand.u32 $0x7F, v5;
	v4 =	vadd.s32 v1, v4;
	v3 =	vld.idx.msk [tilespmem:v3+s14+$0x0], $0xffff  }
0x44d: {  	v4 =	vor.u32 v5, v4;
	_ =	sdelay $0x2  }
0x44e: {  	v5 =	vadd.s32 v52, v0  }
0x44f: {  	v8 =	vld [tilespmem:$0x1FFE0];
	[tilespmem:v6+s20+$0x0] =	vst.idx.msk $0xffff, v3;
	v3 =	vand.u32 $0xFFFFFF80, v5  }
0x450: {  	v6 =	vor.u32 v25, v2;
	v5 =	vand.u32 $0x7F, v5;
	v3 =	vadd.s32 v1, v3;
	v4 =	vld.idx.msk [tilespmem:v4+s14+$0x0], $0xffff  }
0x451: {  	v3 =	vor.u32 v5, v3;
	_ =	sdelay $0x2  }
0x452: {  	v5 =	vadd.s32 v8, v0  }
0x453: {  	v7 =	vld [tilespmem:$0x1FF70];
	[tilespmem:v6+s20+$0x0] =	vst.idx.msk $0xffff, v4;
	v4 =	vand.u32 $0xFFFFFF80, v5  }
0x454: {  	v6 =	vor.u32 v23, v2;
	v5 =	vand.u32 $0x7F, v5;
	v4 =	vadd.s32 v1, v4;
	v3 =	vld.idx.msk [tilespmem:v3+s14+$0x0], $0xffff  }
0x455: {  	v4 =	vor.u32 v5, v4;
	_ =	sdelay $0x2  }
0x456: {  	v5 =	vadd.s32 v7, v0  }
0x457: {  	[tilespmem:v6+s20+$0x0] =	vst.idx.msk $0xffff, v3;
	v3 =	vand.u32 $0xFFFFFF80, v5  }
0x458: {  	v6 =	vor.u32 v24, v2;
	v5 =	vand.u32 $0x7F, v5;
	v3 =	vadd.s32 v1, v3;
	v4 =	vld.idx.msk [tilespmem:v4+s14+$0x0], $0xffff  }
0x459: {  	v59 =	vld [tilespmem:$0x1FF80];
	v3 =	vor.u32 v5, v3;
	_ =	sdelay $0x3  }
0x45a: {  	v15 =	vmov v63;
	v63 =	vld [tilespmem:$0x1FF60];
	[tilespmem:v6+s20+$0x0] =	vst.idx.msk $0xffff, v4  }
0x45b: {  	v5 =	vadd.s32 v59, v0;
	v6 =	vor.u32 v19, v2;
	v3 =	vld.idx.msk [tilespmem:v3+s14+$0x0], $0xffff  }
0x45c: {  	v4 =	vand.u32 $0xFFFFFF80, v5  }
0x45d: {  	v5 =	vand.u32 $0x7F, v5;
	v4 =	vadd.s32 v1, v4  }
0x45e: {  	v4 =	vor.u32 v5, v4  }
0x45f: {  	v5 =	vadd.s32 v63, v0  }
0x460: {  	[tilespmem:v6+s20+$0x0] =	vst.idx.msk $0xffff, v3;
	v3 =	vand.u32 $0xFFFFFF80, v5  }
0x461: {  	v5 =	vand.u32 $0x7F, v5;
	v3 =	vadd.s32 v1, v3  }
0x462: {  	v3 =	vor.u32 v5, v3;
	v5 =	vld [tilespmem:$0x1FC90]  }
0x463: {  	v6 =	vor.u32 v17, v2;
	v4 =	vld.idx.msk [tilespmem:v4+s14+$0x0], $0xffff;
	_ =	sdelay $0x3  }
0x464: {  	v5 =	vadd.s32 v5, v0  }
0x465: {  	[tilespmem:v6+s20+$0x0] =	vst.idx.msk $0xffff, v4;
	v4 =	vand.u32 $0xFFFFFF80, v5  }
0x466: {  	v6 =	vor.u32 v14, v2;
	v3 =	vld.idx.msk [tilespmem:v3+s14+$0x0], $0xffff;
	v5 =	vand.u32 $0x7F, v5;
	v4 =	vadd.s32 v1, v4  }
0x467: {  	v4 =	vor.u32 v5, v4;
	_ =	sdelay $0x2  }
0x468: {  	v5 =	vadd.s32 v56, v0  }
0x469: {  	[tilespmem:v6+s20+$0x0] =	vst.idx.msk $0xffff, v3;
	v3 =	vand.u32 $0xFFFFFF80, v5  }
0x46a: {  	v6 =	vor.u32 v13, v2;
	v5 =	vand.u32 $0x7F, v5;
	v3 =	vadd.s32 v1, v3;
	v4 =	vld.idx.msk [tilespmem:v4+s14+$0x0], $0xffff  }
0x46b: {  	v3 =	vor.u32 v5, v3;
	_ =	sdelay $0x3  }
0x46c: {  	[tilespmem:v6+s20+$0x0] =	vst.idx.msk $0xffff, v4  }
0x46d: {  	v5 =	vadd.s32 v57, v0;
	v6 =	vor.u32 v11, v2;
	v3 =	vld.idx.msk [tilespmem:v3+s14+$0x0], $0xffff  }
0x46e: {  	v4 =	vand.u32 $0xFFFFFF80, v5  }
0x46f: {  	v5 =	vand.u32 $0x7F, v5;
	v4 =	vadd.s32 v1, v4  }
0x470: {  	v4 =	vor.u32 v5, v4  }
0x471: {  	v5 =	vadd.s32 v18, v0  }
0x472: {  	[tilespmem:v6+s20+$0x0] =	vst.idx.msk $0xffff, v3;
	v3 =	vand.u32 $0xFFFFFF80, v5  }
0x473: {  	v5 =	vand.u32 $0x7F, v5;
	v3 =	vadd.s32 v1, v3  }
0x474: {  	v3 =	vor.u32 v5, v3;
	v5 =	vld [tilespmem:$0x1FC40]  }
0x475: {  	v6 =	vor.u32 v10, v2;
	v4 =	vld.idx.msk [tilespmem:v4+s14+$0x0], $0xffff;
	_ =	sdelay $0x3  }
0x476: {  	v0 =	vadd.s32 v5, v0  }
0x477: {  	[tilespmem:v6+s20+$0x0] =	vst.idx.msk $0xffff, v4;
	v4 =	vand.u32 $0xFFFFFF80, v0  }
0x478: {  	v3 =	vld.idx.msk [tilespmem:v3+s14+$0x0], $0xffff;
	v0 =	vand.u32 $0x7F, v0;
	v1 =	vadd.s32 v1, v4;
	v4 =	vor.u32 v9, v2  }
0x479: {  	v0 =	vor.u32 v0, v1;
	_ =	sdelay $0x3  }
0x47a: {  	[tilespmem:v4+s20+$0x0] =	vst.idx.msk $0xffff, v3  }
0x47b: {  	v1 =	vor.u32 v12, v2;
	v0 =	vld.idx.msk [tilespmem:v0+s14+$0x0], $0xffff  }
0x47c: {  	p0 =	sne.s32 s28, $0x14  }
.Ltmp6:
0x47d: {  	_ = 	snop;
	(pc) =	sbr.rel @p0 .LBB2_4-.Ltmp6, $3  }
0x47e: {  	_ =	sdelay $0x1  }
0x47f: {  	s31 =	sadd.s32 s26, s6;
	[tilespmem:v1+s20+$0x0] =	vst.idx.msk $0xffff, v0  }
0x480: {  	v38 =	vld [tilespmem:$0x1FF40];
	v6 =	vmovc v52;
	v2 =	vmovc v7;
	v7 =	vmov v63;
	v3 =	vmov v58;
	v58 =	vmov v8;
	[hbm4b:s31+s17] =	stream.strided.scatter [tilespmem:s20], [sflag:$0x4], $0x2000, s9, s17, $0x38  }
0x481: {  	s22 =	sadd.s32 $0x1, s22  }
0x482: {  	_ =	swait.ge [sflag:s21], $0x2000;
	p0 =	sne.s32 s22, s7  }
.Ltmp7:
0x483: {  	[sflag:s21] =	ssyncset.done $0x0;
	(pc) =	sbr.rel @p0 .LBB2_1-.Ltmp7, $4  }
0x484: {  	[sflag:s21] =	ssyncadd.s32 $0xFFFFE000  }
0x485: {  	_ =	swait.ge [sflag:s19], $0x2000  }
0x486: {  	[sflag:s19] =	ssyncset.done $0x0  }
0x487: {  	[sflag:s19] =	ssyncadd.s32 $0xFFFFE000  }
0x488: {  	_ =	sfence.sel $0x180000  }
0x489: {  	[bflag:$0x0] =	sbarrier.arrive $0xFFFF  }
0x48a: {  	_ =	strace $0x90000047  }
0x48b: {  	s0 =	stileid.u32;
	[bflag:$0x2] =	sbarrier.arrive $0xFFFF  }
0x48c: {  	p0 =	sne.s32 s0, $0x0;
	s0 =	rddreg [dreg:$0x3]  }
0x48d: {  	s0 =	sadd.s32 @!p0 $0x100000, s0  }
0x48e: {  	[sflag:s0] =	ssyncadd.tile.s32 @!p0 $0x1;
	_ =	shalt  }
.Lfunc_end2:
_tile_overlayer_lowered:
.L_overlay_start_2:
0x48f: {  	(tag) =	ssettag $0x2  }
0x490: {  	s0 =	rddreg [dreg:$0x0];
	s2 =	stileid.u32  }
0x491: {  	s1 =	rddreg [dreg:$0x1];
	p0 =	sne.s32 s2, $0x0  }
0x492: {  	s3 =	rddreg [dreg:$0x2];
	[bflag:$0x3] =	sbarrier.arrive $0xFFFF;
	s2 =	simm.s32 @!p0 $0x1C05  }
0x493: {  	[timem:s3], [sflag:s2] =	dma.local @!p0 [hbm:s0], s1  }
0x494: {  	s0 =	simm.s32 @!p0 $0x5  }
0x495: {  	_ =	swait.ge @!p0 [sflag:s0], s1  }
0x496: {  	s1 =	ssub.s32 @!p0 $0x0, s1;
	[sflag:s0] =	ssyncset.done @!p0 $0x0  }
0x497: {  	[sflag:s0] =	ssyncadd.s32 @!p0 s1  }
0x498: {  	[bflag:$0x3] =	sbarrier.arrive $0xFFFF  }
0x499: {  	_ =	shalt  }

</sc_bundles>
